<compile_context>
chip_gen: v7x
topology: tpu7x:2x2x1
jax: 0.10.2.dev20260603
libtpu: 0.0.44.dev20260713+nightly
codegen_flags: <defaults>
</compile_context>

<pallas_src>
import functools

import jax
import jax.numpy as jnp
from jax import lax
from jax.experimental import pallas as pl
from jax.experimental.pallas import tpu as pltpu
from jax.experimental.pallas import tpu_sc as plsc

N = 10000
E = 320000
IN_F, HID, LAT = 128, 256, 64

NC, NS = 2, 16
N_PAD = 10240
BR = 512
GRID = N_PAD // BR

K = 128
C = 160
EPP = C * K
HEPP = EPP // 2
IB = 40
PB = IB // 2

SPLIT0 = 3
DGR, DGC = 80, 128
RPS = N_PAD // NS


def _deg_body(dst_hbm, deg_out, dstv, degbuf, idxv, deg_sh):
    c = lax.axis_index("c")
    s = lax.axis_index("s")
    def mk_idx(i, carry):
        idxv[pl.ds(i * 16, 16)] = lax.iota(jnp.int32, 16) + i * 16
        return carry
    lax.fori_loop(0, DGR // 16, mk_idx, 0)
    def z(i, carry):
        r = i // (DGC // 16)
        q = i - r * (DGC // 16)
        degbuf[r, pl.ds(q * 16, 16)] = jnp.zeros((16,), jnp.float32)
        return carry
    lax.fori_loop(0, DGR * (DGC // 16), z, 0)
    pltpu.sync_copy(dst_hbm.at[c, s, 0], dstv)
    ones = jnp.ones((16,), jnp.float32)
    def cnt(i, carry):
        dv = dstv[pl.ds(i * 16, 16)]
        r = lax.shift_right_logical(dv, 7)
        q = dv & 127
        plsc.addupdate_scatter(degbuf, [r, q], ones)
        return carry
    lax.fori_loop(0, HEPP // 16, cnt, 0)
    @pl.when(s == 0)
    def _():
        pltpu.sync_copy(degbuf, deg_sh)
    plsc.subcore_barrier()
    @pl.when(s != 0)
    def _():
        pltpu.sync_copy(degbuf, deg_sh.at[idxv], add=True)
    plsc.subcore_barrier()
    @pl.when(s == 0)
    def _():
        pltpu.sync_copy(deg_sh, deg_out.at[c])


def _make_deg():
    mesh = plsc.VectorSubcoreMesh(core_axis_name="c", subcore_axis_name="s")
    return pl.kernel(
        _deg_body,
        out_type=jax.ShapeDtypeStruct((NC, DGR, DGC), jnp.float32),
        mesh=mesh,
        compiler_params=pltpu.CompilerParams(needs_layout_passes=False),
        scratch_types=[
            pltpu.VMEM((HEPP,), jnp.int32),
            pltpu.VMEM((DGR, DGC), jnp.float32),
            pltpu.VMEM((DGR,), jnp.int32),
            pltpu.VMEM_SHARED((DGR, DGC), jnp.float32),
        ],
    )


def _scat_body(edge_split, ga, gb, src_hbm, dst_hbm, outa, outb,
               srcv, dstv, buf0, buf1, acc, sem0, sem1):
    c = lax.axis_index("c")
    s = lax.axis_index("s")
    D = IN_F
    def z(i, carry):
        r = i // (D // 16)
        q = i - r * (D // 16)
        buf0[r, pl.ds(q * 16, 16)] = jnp.zeros((16,), jnp.float32)
        return carry
    lax.fori_loop(0, K * (D // 16), z, 0)
    def zc(i, carry):
        pltpu.sync_copy(buf0, acc.at[pl.ds(s * RPS + i * K, K)])
        return carry
    lax.fori_loop(0, RPS // K, zc, 0)
    plsc.subcore_barrier()

    if edge_split:
        lo = jnp.where(c == 0, 0, SPLIT0 * IB)
        nblk = jnp.where(c == 0, SPLIT0, C // IB - SPLIT0)
    else:
        lo = 0
        nblk = C // IB

    def run(tab, out):
        def blk(b, carry):
            off = lo + b * IB
            pltpu.sync_copy(src_hbm.at[s, pl.ds(off, IB)], srcv)
            pltpu.sync_copy(dst_hbm.at[s, pl.ds(off, IB)], dstv)
            pltpu.async_copy(tab.at[srcv.at[0]], buf0, sem0)
            def pair(p, carry2):
                j = 2 * p
                d1 = pltpu.async_copy(tab.at[srcv.at[j + 1]], buf1, sem1)
                pltpu.make_async_copy(tab.at[srcv.at[j]], buf0, sem0).wait()
                pltpu.sync_copy(buf0, acc.at[dstv.at[j]], add=True)
                @pl.when(p < PB - 1)
                def _():
                    pltpu.async_copy(tab.at[srcv.at[j + 2]], buf0, sem0)
                d1.wait()
                pltpu.sync_copy(buf1, acc.at[dstv.at[j + 1]], add=True)
                return carry2
            lax.fori_loop(0, PB, pair, 0)
            return carry
        lax.fori_loop(0, nblk, blk, 0)
        plsc.subcore_barrier()
        pltpu.sync_copy(acc.at[pl.ds(s * RPS, RPS)], out.at[pl.ds(s * RPS, RPS)])

    @pl.when(c == 0)
    def _():
        run(ga, outa)
    @pl.when(c == 1)
    def _():
        run(gb, outb)


def _make_scat(edge_split):
    mesh = plsc.VectorSubcoreMesh(core_axis_name="c", subcore_axis_name="s")
    return pl.kernel(
        functools.partial(_scat_body, edge_split),
        compiler_params=pltpu.CompilerParams(needs_layout_passes=False),
        out_type=(
            jax.ShapeDtypeStruct((N_PAD, IN_F), jnp.float32),
            jax.ShapeDtypeStruct((N_PAD, IN_F), jnp.float32),
        ),
        mesh=mesh,
        scratch_types=[
            pltpu.VMEM((IB, K), jnp.int32),
            pltpu.VMEM((IB, K), jnp.int32),
            pltpu.VMEM((K, IN_F), jnp.float32),
            pltpu.VMEM((K, IN_F), jnp.float32),
            pltpu.VMEM_SHARED((N_PAD, IN_F), jnp.float32),
            pltpu.SemaphoreType.DMA,
            pltpu.SemaphoreType.DMA,
        ],
    )


def _tc1_body(dega, degb, x_ref, w1_ref, ga_ref, gb_ref, dinv_ref):
    dinv = lax.rsqrt(dega[...] + degb[...] + 1.0)
    h = jnp.dot(x_ref[...], w1_ref[...], preferred_element_type=jnp.float32)
    g = h * dinv
    ga_ref[...] = g[:, :IN_F]
    gb_ref[...] = g[:, IN_F:]
    dinv_ref[...] = dinv


def _tc1(dega, degb, x, w1):
    return pl.pallas_call(
        _tc1_body,
        grid=(GRID,),
        in_specs=[
            pl.BlockSpec((BR, 1), lambda i: (i, 0)),
            pl.BlockSpec((BR, 1), lambda i: (i, 0)),
            pl.BlockSpec((BR, IN_F), lambda i: (i, 0)),
            pl.BlockSpec((IN_F, HID), lambda i: (0, 0)),
        ],
        out_specs=(
            pl.BlockSpec((BR, IN_F), lambda i: (i, 0)),
            pl.BlockSpec((BR, IN_F), lambda i: (i, 0)),
            pl.BlockSpec((BR, 1), lambda i: (i, 0)),
        ),
        out_shape=(
            jax.ShapeDtypeStruct((N_PAD, IN_F), jnp.float32),
            jax.ShapeDtypeStruct((N_PAD, IN_F), jnp.float32),
            jax.ShapeDtypeStruct((N_PAD, 1), jnp.float32),
        ),
    )(dega, degb, x, w1)


def _tc2_body(dinv_ref, s1a, s1b, g1a, g1b, b1_ref, w2_ref, g2_ref):
    dinv = dinv_ref[...]
    pre = jnp.concatenate([s1a[...] + g1a[...], s1b[...] + g1b[...]], axis=1)
    hidden = jnp.maximum(pre * dinv + b1_ref[...], 0.0)
    h2 = jnp.dot(hidden, w2_ref[...], preferred_element_type=jnp.float32)
    g2_ref[...] = h2 * dinv


def _tc2(dinv, s1a, s1b, g1a, g1b, b1, w2):
    return pl.pallas_call(
        _tc2_body,
        grid=(GRID,),
        in_specs=[
            pl.BlockSpec((BR, 1), lambda i: (i, 0)),
            pl.BlockSpec((BR, IN_F), lambda i: (i, 0)),
            pl.BlockSpec((BR, IN_F), lambda i: (i, 0)),
            pl.BlockSpec((BR, IN_F), lambda i: (i, 0)),
            pl.BlockSpec((BR, IN_F), lambda i: (i, 0)),
            pl.BlockSpec((1, HID), lambda i: (0, 0)),
            pl.BlockSpec((HID, 2 * LAT), lambda i: (0, 0)),
        ],
        out_specs=pl.BlockSpec((BR, 2 * LAT), lambda i: (i, 0)),
        out_shape=jax.ShapeDtypeStruct((N_PAD, 2 * LAT), jnp.float32),
    )(dinv, s1a, s1b, g1a, g1b, b1, w2)


def _tc3_body(dinv_ref, s2a, s2b, g2_ref, b2_ref, mu_ref, ls_ref):
    dinv = dinv_ref[...]
    tmp = (s2a[...] + s2b[...] + g2_ref[...]) * dinv + b2_ref[...]
    mu_ref[...] = tmp[:, :LAT]
    ls_ref[...] = tmp[:, LAT:]


def _tc3(dinv, s2a, s2b, g2, b2):
    return pl.pallas_call(
        _tc3_body,
        grid=(GRID,),
        in_specs=[
            pl.BlockSpec((BR, 1), lambda i: (i, 0)),
            pl.BlockSpec((BR, 2 * LAT), lambda i: (i, 0)),
            pl.BlockSpec((BR, 2 * LAT), lambda i: (i, 0)),
            pl.BlockSpec((BR, 2 * LAT), lambda i: (i, 0)),
            pl.BlockSpec((1, 2 * LAT), lambda i: (0, 0)),
        ],
        out_specs=(
            pl.BlockSpec((BR, LAT), lambda i: (i, 0)),
            pl.BlockSpec((BR, LAT), lambda i: (i, 0)),
        ),
        out_shape=(
            jax.ShapeDtypeStruct((N_PAD, LAT), jnp.float32),
            jax.ShapeDtypeStruct((N_PAD, LAT), jnp.float32),
        ),
    )(dinv, s2a, s2b, g2, b2)


def kernel(x, edge_index, W1, b1, W2m, b2m, W2s, b2s):
    src = edge_index[0].astype(jnp.int32)
    dst = edge_index[1].astype(jnp.int32)
    pad_e = NS * EPP - E
    srcp = jnp.concatenate([src, jnp.full((pad_e,), N, jnp.int32)]).reshape(NS, C, K)
    dstp_pad = jnp.concatenate([dst, jnp.full((pad_e,), N, jnp.int32)])
    dstp = dstp_pad.reshape(NS, C, K)
    dst_deg = dstp_pad.reshape(NS, 2, HEPP).transpose(1, 0, 2).reshape(2, NS, 1, HEPP)

    x_pad = jnp.pad(x, ((0, N_PAD - N), (0, 0)))
    w2 = jnp.concatenate([W2m, W2s], axis=1)
    b1r = b1.reshape(1, HID)
    b2r = jnp.concatenate([b2m, b2s]).reshape(1, 2 * LAT)

    deg_parts = _make_deg()(dst_deg)
    dega = deg_parts[0].reshape(N_PAD, 1)
    degb = deg_parts[1].reshape(N_PAD, 1)

    g1a, g1b, dinv = _tc1(dega, degb, x_pad, W1)
    s1a, s1b = _make_scat(False)(g1a, g1b, srcp, dstp)
    g2 = _tc2(dinv, s1a, s1b, g1a, g1b, b1r, w2)
    s2a, s2b = _make_scat(True)(g2, g2, srcp, dstp)
    mu, logstd = _tc3(dinv, s2a, s2b, g2, b2r)
    return (mu[:N], logstd[:N])

# --- scband reference (transcript-rebuilt; emitter-appended) ---
"""Pipeline reference for scband-gvae-61727269978229 (READ-ONLY COPY).

The authoritative reference and input builder live on the scoring server;
editing this copy changes nothing except your own understanding.
"""

import jax, jax.numpy as jnp
import numpy as np

N_NODES = 10000
N_EDGES = 320000
IN_F = 128
HID = 256
LAT = 64


def gcn_conv(x, edge_index, W, b):
    N = x.shape[0]
    loop = jnp.arange(N, dtype=edge_index.dtype)
    src = jnp.concatenate([edge_index[0], loop])
    dst = jnp.concatenate([edge_index[1], loop])
    deg = jnp.zeros((N,), dtype=x.dtype).at[dst].add(jnp.ones_like(src, dtype=x.dtype))
    dinv = jnp.where(deg > 0, jax.lax.rsqrt(jnp.maximum(deg, 1e-12)), 0.0)
    norm = dinv[src] * dinv[dst]
    h = x @ W
    msg = h[src] * norm[:, None]
    out = jnp.zeros((N, W.shape[1]), dtype=x.dtype).at[dst].add(msg)
    return out + b


def setup_inputs(seed: int = 0) -> dict:
    key = jax.random.key(seed)
    ks = jax.random.split(key, 8)
    x = jax.random.normal(ks[0], (N_NODES, IN_F), dtype=jnp.float32)
    edge_index = jax.random.randint(ks[1], (2, N_EDGES), 0, N_NODES, dtype=jnp.int32)
    W1 = jax.random.normal(ks[2], (IN_F, HID), dtype=jnp.float32) / np.sqrt(IN_F)
    b1 = jnp.zeros((HID,), dtype=jnp.float32)
    W2m = jax.random.normal(ks[3], (HID, LAT), dtype=jnp.float32) / np.sqrt(HID)
    b2m = jnp.zeros((LAT,), dtype=jnp.float32)
    W2s = jax.random.normal(ks[4], (HID, LAT), dtype=jnp.float32) / np.sqrt(HID)
    b2s = jnp.zeros((LAT,), dtype=jnp.float32)
    return {"x": x, "edge_index": edge_index, "W1": W1, "b1": b1, "W2m": W2m, "b2m": b2m, "W2s": W2s, "b2s": b2s}


def reference(x, edge_index, W1, b1, W2m, b2m, W2s, b2s):
    # encode
    hidden = jax.nn.relu(gcn_conv(x, edge_index, W1, b1))
    mu = gcn_conv(hidden, edge_index, W2m, b2m)
    logstd = gcn_conv(hidden, edge_index, W2s, b2s)
    # decode(z) is a no-op (returns None) in the original module; the
    # deterministic outputs are (mu, logstd).
    return (mu, logstd)

if __name__ == "__main__":
    import jax
    _d = setup_inputs()
    print(jax.jit(kernel)(*tuple(_d.values())))

</pallas_src>

<mosaic_0001>
#map = affine_map<(d0, d1) -> (0, 0, 0, 0)>
#map1 = affine_map<(d0, d1) -> (0, 0, 0)>
module attributes {stable_mosaic.version = 14 : i64} {
  func.func @_deg_body(%arg0: i32, %arg1: i32, %arg2: memref<2x16x1x10240xi32, #tpu.memory_space<hbm>>, %arg3: memref<2x80x128xf32, #tpu.memory_space<hbm>>, %arg4: memref<10240xi32, #tpu.memory_space<vmem>>, %arg5: memref<80x128xf32, #tpu.memory_space<vmem>>, %arg6: memref<80xi32, #tpu.memory_space<vmem>>, %arg7: memref<80x128xf32, #tpu.memory_space<vmem_shared>>) attributes {dimension_semantics = [#tpu.dimension_semantics<core_parallel>, #tpu.dimension_semantics<subcore_parallel>], iteration_bounds = array<i64: 2, 16>, scalar_prefetch = 0 : i64, scratch_operands = 4 : i64, tpu.core_type = #tpu.core_type<sc_vector_subcore>, window_params = [{transform_indices = #map}, {transform_indices = #map1}]} {
    %scan3A = arith.constant 0 : i32
    %scan3A_0 = arith.constant 0 : i32
    %scan3A_1 = arith.constant 5 : i32
    %scan3A_2 = arith.addi %scan3A_0, %scan3A_1 : i32
    %scan3A_3 = arith.constant 1 : i32
    scf.for %scan3A_30 = %scan3A_0 to %scan3A_2 step %scan3A_3  : i32 {
      %iota3A = tpu.iota {dimensions = array<i32: 0>} : vector<16xi32>
      %mul3A = arith.constant 16 : i32
      %mul3A_31 = arith.muli %scan3A_30, %mul3A : i32
      %add3A = vector.broadcast %mul3A_31 : i32 to vector<16xi32>
      %add3A_32 = arith.addi %iota3A, %add3A : vector<16xi32>
      %mul3A_33 = arith.constant 16 : i32
      %mul3A_34 = arith.muli %scan3A_30, %mul3A_33 : i32
      %swap3A = arith.index_cast %mul3A_34 : i32 to index
      %swap3A_35 = tpu.vector_load %arg6[%swap3A] {strides = array<i32>} : memref<80xi32, #tpu.memory_space<vmem>>, vector<16xi32>,
      tpu.vector_store %arg6[%swap3A], %add3A_32 {strides = array<i32>} : memref<80xi32, #tpu.memory_space<vmem>>, vector<16xi32>,
    }
    %scan3A_4 = arith.constant 5 : i32
    %scan3A_5 = arith.constant 0 : i32
    %scan3A_6 = arith.constant 0 : i32
    %scan3A_7 = arith.constant 640 : i32
    %scan3A_8 = arith.addi %scan3A_6, %scan3A_7 : i32
    %scan3A_9 = arith.constant 1 : i32
    scf.for %scan3A_30 = %scan3A_6 to %scan3A_8 step %scan3A_9  : i32 {
      %jit3A = arith.constant 8 : i32
      %div3A = arith.divsi %scan3A_30, %jit3A : i32
      %sign3A = arith.constant 0 : i32
      %sign3A_31 = arith.cmpi sgt, %scan3A_30, %sign3A : i32
      %sign3A_32 = arith.extui %sign3A_31 : i1 to i32
      %sign3A_33 = arith.constant 0 : i32
      %sign3A_34 = arith.cmpi slt, %scan3A_30, %sign3A_33 : i32
      %sign3A_35 = arith.extui %sign3A_34 : i1 to i32
      %sign3A_36 = arith.subi %sign3A_32, %sign3A_35 : i32
      %sign3A_37 = arith.constant 0 : i32
      %sign3A_38 = arith.cmpi sgt, %jit3A, %sign3A_37 : i32
      %sign3A_39 = arith.extui %sign3A_38 : i1 to i32
      %sign3A_40 = arith.constant 0 : i32
      %sign3A_41 = arith.cmpi slt, %jit3A, %sign3A_40 : i32
      %sign3A_42 = arith.extui %sign3A_41 : i1 to i32
      %sign3A_43 = arith.subi %sign3A_39, %sign3A_42 : i32
      %ne3A_44 = arith.cmpi ne, %sign3A_36, %sign3A_43 : i32
      %rem3A = arith.remsi %scan3A_30, %jit3A : i32
      %ne3A_45 = arith.constant 0 : i32
      %ne3A_46 = arith.cmpi ne, %rem3A, %ne3A_45 : i32
      %and3A = arith.andi %ne3A_44, %ne3A_46 : i1
      %sub3A = arith.constant 1 : i32
      %sub3A_47 = arith.subi %div3A, %sub3A : i32
      %select_n3A = arith.select %and3A, %sub3A_47, %div3A : i32
      %mul3A = arith.constant 8 : i32
      %mul3A_48 = arith.muli %select_n3A, %mul3A : i32
      %sub3A_49 = arith.subi %scan3A_30, %mul3A_48 : i32
      %broadcast_in_dim3A_50 = arith.constant 0.000000e+00 : f32
      %broadcast_in_dim3A_51 = vector.broadcast %broadcast_in_dim3A_50 : f32 to vector<16xf32>
      %mul3A_52 = arith.constant 16 : i32
      %mul3A_53 = arith.muli %sub3A_49, %mul3A_52 : i32
      %swap3A = arith.index_cast %select_n3A : i32 to index
      %swap3A_54 = arith.index_cast %mul3A_53 : i32 to index
      %swap3A_55 = tpu.vector_load %arg5[%swap3A, %swap3A_54] {strides = array<i32>} : memref<80x128xf32, #tpu.memory_space<vmem>>, vector<16xf32>,
      tpu.vector_store %arg5[%swap3A, %swap3A_54], %broadcast_in_dim3A_51 {strides = array<i32>} : memref<80x128xf32, #tpu.memory_space<vmem>>, vector<16xf32>,
    }
    %scan3A_10 = arith.constant 640 : i32
    %run_scoped3A = arith.constant 0 : i32
    "tpu.region"() ({
      %run_scoped3A_30 = tpu.sem_alloc : memref<!tpu.dma_semaphore, #tpu.memory_space<semaphore_mem>>
      %dma_start3A = arith.constant 0 : i32
      %dma_start3A_31 = tpu.memref_slice %arg2[%arg0, %arg1, %run_scoped3A, %dma_start3A] : memref<2x16x1x10240xi32, #tpu.memory_space<hbm>> -> memref<1x1x1x10240xi32, #tpu.memory_space<hbm>>
      %dma_start3A_32 = tpu.memref_squeeze %dma_start3A_31 : memref<1x1x1x10240xi32, #tpu.memory_space<hbm>> -> memref<10240xi32, #tpu.memory_space<hbm>>
      %dma_start3A_33 = arith.constant 0 : i32
      %dma_start3A_34 = tpu.memref_slice %arg2[%arg0, %arg1, %run_scoped3A, %dma_start3A_33] : memref<2x16x1x10240xi32, #tpu.memory_space<hbm>> -> memref<1x1x1x10240xi32, #tpu.memory_space<hbm>>
      %dma_start3A_35 = tpu.memref_squeeze %dma_start3A_34 : memref<1x1x1x10240xi32, #tpu.memory_space<hbm>> -> memref<10240xi32, #tpu.memory_space<hbm>>
      tpu.enqueue_dma source(%dma_start3A_35 : memref<10240xi32, #tpu.memory_space<hbm>>) target(%arg4 : memref<10240xi32, #tpu.memory_space<vmem>>) target_semaphore(%run_scoped3A_30 : memref<!tpu.dma_semaphore, #tpu.memory_space<semaphore_mem>>)
      %dma_wait3A = arith.constant 0 : i32
      %dma_wait3A_36 = tpu.memref_slice %arg2[%arg0, %arg1, %run_scoped3A, %dma_wait3A] : memref<2x16x1x10240xi32, #tpu.memory_space<hbm>> -> memref<1x1x1x10240xi32, #tpu.memory_space<hbm>>
      %dma_wait3A_37 = tpu.memref_squeeze %dma_wait3A_36 : memref<1x1x1x10240xi32, #tpu.memory_space<hbm>> -> memref<10240xi32, #tpu.memory_space<hbm>>
      %dma_wait3A_38 = arith.constant 0 : i32
      %dma_wait3A_39 = tpu.memref_slice %arg2[%arg0, %arg1, %run_scoped3A, %dma_wait3A_38] : memref<2x16x1x10240xi32, #tpu.memory_space<hbm>> -> memref<1x1x1x10240xi32, #tpu.memory_space<hbm>>
      %dma_wait3A_40 = tpu.memref_squeeze %dma_wait3A_39 : memref<1x1x1x10240xi32, #tpu.memory_space<hbm>> -> memref<10240xi32, #tpu.memory_space<hbm>>
      tpu.wait_dma2 semaphore(%run_scoped3A_30 : memref<!tpu.dma_semaphore, #tpu.memory_space<semaphore_mem>>) src(%dma_wait3A_40 : memref<10240xi32, #tpu.memory_space<hbm>>) dst(%arg4 : memref<10240xi32, #tpu.memory_space<vmem>>)
      tpu.yield
    }) : () -> ()
    %broadcast_in_dim3A = arith.constant 1.000000e+00 : f32
    %broadcast_in_dim3A_11 = vector.broadcast %broadcast_in_dim3A : f32 to vector<16xf32>
    %scan3A_12 = arith.constant 0 : i32
    %scan3A_13 = arith.constant 0 : i32
    %scan3A_14 = arith.constant 640 : i32
    %scan3A_15 = arith.addi %scan3A_13, %scan3A_14 : i32
    %scan3A_16 = arith.constant 1 : i32
    scf.for %scan3A_30 = %scan3A_13 to %scan3A_15 step %scan3A_16  : i32 {
      %mul3A = arith.constant 16 : i32
      %mul3A_31 = arith.muli %scan3A_30, %mul3A : i32
      %get3A = arith.index_cast %mul3A_31 : i32 to index
      %get3A_32 = tpu.vector_load %arg4[%get3A] {strides = array<i32>} : memref<10240xi32, #tpu.memory_space<vmem>>, vector<16xi32>,
      %shift_right_logical3A = arith.constant 7 : i32
      %shift_right_logical3A_33 = vector.broadcast %shift_right_logical3A : i32 to vector<16xi32>
      %shift_right_logical3A_34 = arith.shrui %get3A_32, %shift_right_logical3A_33 : vector<16xi32>
      %and3A = arith.constant 127 : i32
      %and3A_35 = vector.broadcast %and3A : i32 to vector<16xi32>
      %and3A_36 = arith.andi %get3A_32, %and3A_35 : vector<16xi32>
      tpu.vector_store_idx %arg5[%shift_right_logical3A_34, %and3A_36], %broadcast_in_dim3A_11 {add = true} : memref<80x128xf32, #tpu.memory_space<vmem>>[vector<16xi32>, vector<16xi32>], vector<16xf32>,
    }
    %scan3A_17 = arith.constant 640 : i32
    %eq3A = arith.constant 0 : i32
    %eq3A_18 = arith.cmpi eq, %arg1, %eq3A : i32
    %convert_element_type3A = arith.extui %eq3A_18 : i1 to i32
    %cond3A = arith.constant 0 : i32
    %cond3A_19 = arith.cmpi ne, %convert_element_type3A, %cond3A : i32
    scf.if %cond3A_19 {
      "tpu.region"() ({
        %run_scoped3A_30 = tpu.sem_alloc : memref<!tpu.dma_semaphore, #tpu.memory_space<semaphore_mem>>
        tpu.enqueue_dma source(%arg5 : memref<80x128xf32, #tpu.memory_space<vmem>>) target(%arg7 : memref<80x128xf32, #tpu.memory_space<vmem_shared>>) target_semaphore(%run_scoped3A_30 : memref<!tpu.dma_semaphore, #tpu.memory_space<semaphore_mem>>)
        tpu.wait_dma2 semaphore(%run_scoped3A_30 : memref<!tpu.dma_semaphore, #tpu.memory_space<semaphore_mem>>) src(%arg5 : memref<80x128xf32, #tpu.memory_space<vmem>>) dst(%arg7 : memref<80x128xf32, #tpu.memory_space<vmem_shared>>)
        tpu.yield
      }) : () -> ()
    } else {
    }
    %barrier3A = arith.constant 0 : index
    tpu.barrier barrier_id(%barrier3A)
    %ne3A = arith.constant 0 : i32
    %ne3A_20 = arith.cmpi ne, %arg1, %ne3A : i32
    %convert_element_type3A_21 = arith.extui %ne3A_20 : i1 to i32
    %cond3A_22 = arith.constant 0 : i32
    %cond3A_23 = arith.cmpi ne, %convert_element_type3A_21, %cond3A_22 : i32
    scf.if %cond3A_23 {
      "tpu.region"() ({
        %run_scoped3A_30 = tpu.sem_alloc : memref<!tpu.dma_semaphore, #tpu.memory_space<semaphore_mem>>
        %dma_start3A = arith.constant 0 : i32
        %dma_start3A_31 = arith.constant 0 : i32
        %dma_start3A_32 = tpu.memref_slice %arg7[%dma_start3A, %dma_start3A_31] : memref<80x128xf32, #tpu.memory_space<vmem_shared>> -> memref<80x128xf32, #tpu.memory_space<vmem_shared>>
        tpu.enqueue_indirect_dma source(%arg5 : memref<80x128xf32, #tpu.memory_space<vmem>>) target(%dma_start3A_32 : memref<80x128xf32, #tpu.memory_space<vmem_shared>>) offsets(%arg6 : memref<80xi32, #tpu.memory_space<vmem>>) semaphore(%run_scoped3A_30 : memref<!tpu.dma_semaphore, #tpu.memory_space<semaphore_mem>>) {add = true}
        %dma_wait3A = arith.constant 0 : i32
        %dma_wait3A_33 = arith.constant 0 : i32
        %dma_wait3A_34 = tpu.memref_slice %arg7[%dma_wait3A, %dma_wait3A_33] : memref<80x128xf32, #tpu.memory_space<vmem_shared>> -> memref<80x128xf32, #tpu.memory_space<vmem_shared>>
        tpu.wait_indirect_dma semaphore(%run_scoped3A_30 : memref<!tpu.dma_semaphore, #tpu.memory_space<semaphore_mem>>) src(%arg5 : memref<80x128xf32, #tpu.memory_space<vmem>>) dst(%dma_wait3A_34 : memref<80x128xf32, #tpu.memory_space<vmem_shared>>)
        tpu.yield
      }) : () -> ()
    } else {
    }
    %barrier3A_24 = arith.constant 0 : index
    tpu.barrier barrier_id(%barrier3A_24)
    %eq3A_25 = arith.constant 0 : i32
    %eq3A_26 = arith.cmpi eq, %arg1, %eq3A_25 : i32
    %convert_element_type3A_27 = arith.extui %eq3A_26 : i1 to i32
    %cond3A_28 = arith.constant 0 : i32
    %cond3A_29 = arith.cmpi ne, %convert_element_type3A_27, %cond3A_28 : i32
    scf.if %cond3A_29 {
      "tpu.region"() ({
        %run_scoped3A_30 = tpu.sem_alloc : memref<!tpu.dma_semaphore, #tpu.memory_space<semaphore_mem>>
        %dma_start3A = arith.constant 0 : i32
        %dma_start3A_31 = arith.constant 0 : i32
        %dma_start3A_32 = tpu.memref_slice %arg3[%arg0, %dma_start3A, %dma_start3A_31] : memref<2x80x128xf32, #tpu.memory_space<hbm>> -> memref<1x80x128xf32, #tpu.memory_space<hbm>>
        %dma_start3A_33 = tpu.memref_squeeze %dma_start3A_32 : memref<1x80x128xf32, #tpu.memory_space<hbm>> -> memref<80x128xf32, #tpu.memory_space<hbm>>
        tpu.enqueue_dma source(%arg7 : memref<80x128xf32, #tpu.memory_space<vmem_shared>>) target(%dma_start3A_33 : memref<80x128xf32, #tpu.memory_space<hbm>>) target_semaphore(%run_scoped3A_30 : memref<!tpu.dma_semaphore, #tpu.memory_space<semaphore_mem>>)
        %dma_wait3A = arith.constant 0 : i32
        %dma_wait3A_34 = arith.constant 0 : i32
        %dma_wait3A_35 = tpu.memref_slice %arg3[%arg0, %dma_wait3A, %dma_wait3A_34] : memref<2x80x128xf32, #tpu.memory_space<hbm>> -> memref<1x80x128xf32, #tpu.memory_space<hbm>>
        %dma_wait3A_36 = tpu.memref_squeeze %dma_wait3A_35 : memref<1x80x128xf32, #tpu.memory_space<hbm>> -> memref<80x128xf32, #tpu.memory_space<hbm>>
        tpu.wait_dma2 semaphore(%run_scoped3A_30 : memref<!tpu.dma_semaphore, #tpu.memory_space<semaphore_mem>>) src(%arg7 : memref<80x128xf32, #tpu.memory_space<vmem_shared>>) dst(%dma_wait3A_36 : memref<80x128xf32, #tpu.memory_space<hbm>>)
        tpu.yield
      }) : () -> ()
    } else {
    }
    return
  }
}

#map = affine_map<(d0, d1) -> (0, 0)>
#map1 = affine_map<(d0, d1) -> (0, 0, 0)>
module attributes {stable_mosaic.version = 14 : i64} {
  func.func @_scat_body(%arg0: i32, %arg1: i32, %arg2: memref<10240x128xf32, #tpu.memory_space<hbm>>, %arg3: memref<10240x128xf32, #tpu.memory_space<hbm>>, %arg4: memref<16x160x128xi32, #tpu.memory_space<hbm>>, %arg5: memref<16x160x128xi32, #tpu.memory_space<hbm>>, %arg6: memref<10240x128xf32, #tpu.memory_space<hbm>>, %arg7: memref<10240x128xf32, #tpu.memory_space<hbm>>, %arg8: memref<40x128xi32, #tpu.memory_space<vmem>>, %arg9: memref<40x128xi32, #tpu.memory_space<vmem>>, %arg10: memref<128x128xf32, #tpu.memory_space<vmem>>, %arg11: memref<128x128xf32, #tpu.memory_space<vmem>>, %arg12: memref<10240x128xf32, #tpu.memory_space<vmem_shared>>, %arg13: memref<!tpu.dma_semaphore, #tpu.memory_space<semaphore_mem>>, %arg14: memref<!tpu.dma_semaphore, #tpu.memory_space<semaphore_mem>>) attributes {dimension_semantics = [#tpu.dimension_semantics<core_parallel>, #tpu.dimension_semantics<subcore_parallel>], iteration_bounds = array<i64: 2, 16>, scalar_prefetch = 0 : i64, scratch_operands = 7 : i64, tpu.core_type = #tpu.core_type<sc_vector_subcore>, window_params = [{transform_indices = #map}, {transform_indices = #map}, {transform_indices = #map1}, {transform_indices = #map1}, {transform_indices = #map}, {transform_indices = #map}]} {
    %scan3A = arith.constant 0 : i32
    %scan3A_0 = arith.constant 0 : i32
    %scan3A_1 = arith.constant 1024 : i32
    %scan3A_2 = arith.addi %scan3A_0, %scan3A_1 : i32
    %scan3A_3 = arith.constant 1 : i32
    scf.for %scan3A_26 = %scan3A_0 to %scan3A_2 step %scan3A_3  : i32 {
      %jit3A_27 = arith.constant 8 : i32
      %div3A = arith.divsi %scan3A_26, %jit3A_27 : i32
      %sign3A = arith.constant 0 : i32
      %sign3A_28 = arith.cmpi sgt, %scan3A_26, %sign3A : i32
      %sign3A_29 = arith.extui %sign3A_28 : i1 to i32
      %sign3A_30 = arith.constant 0 : i32
      %sign3A_31 = arith.cmpi slt, %scan3A_26, %sign3A_30 : i32
      %sign3A_32 = arith.extui %sign3A_31 : i1 to i32
      %sign3A_33 = arith.subi %sign3A_29, %sign3A_32 : i32
      %sign3A_34 = arith.constant 0 : i32
      %sign3A_35 = arith.cmpi sgt, %jit3A_27, %sign3A_34 : i32
      %sign3A_36 = arith.extui %sign3A_35 : i1 to i32
      %sign3A_37 = arith.constant 0 : i32
      %sign3A_38 = arith.cmpi slt, %jit3A_27, %sign3A_37 : i32
      %sign3A_39 = arith.extui %sign3A_38 : i1 to i32
      %sign3A_40 = arith.subi %sign3A_36, %sign3A_39 : i32
      %ne3A = arith.cmpi ne, %sign3A_33, %sign3A_40 : i32
      %rem3A = arith.remsi %scan3A_26, %jit3A_27 : i32
      %ne3A_41 = arith.constant 0 : i32
      %ne3A_42 = arith.cmpi ne, %rem3A, %ne3A_41 : i32
      %and3A = arith.andi %ne3A, %ne3A_42 : i1
      %sub3A = arith.constant 1 : i32
      %sub3A_43 = arith.subi %div3A, %sub3A : i32
      %select_n3A_44 = arith.select %and3A, %sub3A_43, %div3A : i32
      %mul3A = arith.constant 8 : i32
      %mul3A_45 = arith.muli %select_n3A_44, %mul3A : i32
      %sub3A_46 = arith.subi %scan3A_26, %mul3A_45 : i32
      %broadcast_in_dim3A = arith.constant 0.000000e+00 : f32
      %broadcast_in_dim3A_47 = vector.broadcast %broadcast_in_dim3A : f32 to vector<16xf32>
      %mul3A_48 = arith.constant 16 : i32
      %mul3A_49 = arith.muli %sub3A_46, %mul3A_48 : i32
      %swap3A = arith.index_cast %select_n3A_44 : i32 to index
      %swap3A_50 = arith.index_cast %mul3A_49 : i32 to index
      %swap3A_51 = tpu.vector_load %arg10[%swap3A, %swap3A_50] {strides = array<i32>} : memref<128x128xf32, #tpu.memory_space<vmem>>, vector<16xf32>,
      tpu.vector_store %arg10[%swap3A, %swap3A_50], %broadcast_in_dim3A_47 {strides = array<i32>} : memref<128x128xf32, #tpu.memory_space<vmem>>, vector<16xf32>,
    }
    %scan3A_4 = arith.constant 1024 : i32
    %scan3A_5 = arith.constant 0 : i32
    %scan3A_6 = arith.constant 0 : i32
    %scan3A_7 = arith.constant 5 : i32
    %scan3A_8 = arith.addi %scan3A_6, %scan3A_7 : i32
    %scan3A_9 = arith.constant 1 : i32
    scf.for %scan3A_26 = %scan3A_6 to %scan3A_8 step %scan3A_9  : i32 {
      %mul3A = arith.constant 640 : i32
      %mul3A_27 = arith.muli %arg1, %mul3A : i32
      %mul3A_28 = arith.constant 128 : i32
      %mul3A_29 = arith.muli %scan3A_26, %mul3A_28 : i32
      %add3A = arith.addi %mul3A_27, %mul3A_29 : i32
      "tpu.region"() ({
        %run_scoped3A = tpu.sem_alloc : memref<!tpu.dma_semaphore, #tpu.memory_space<semaphore_mem>>
        %dma_start3A = arith.constant 0 : i32
        %dma_start3A_30 = tpu.memref_slice %arg12[%add3A, %dma_start3A] : memref<10240x128xf32, #tpu.memory_space<vmem_shared>> -> memref<128x128xf32, #tpu.memory_space<vmem_shared>>
        %dma_start3A_31 = arith.constant 0 : i32
        %dma_start3A_32 = tpu.memref_slice %arg12[%add3A, %dma_start3A_31] : memref<10240x128xf32, #tpu.memory_space<vmem_shared>> -> memref<128x128xf32, #tpu.memory_space<vmem_shared>>
        tpu.enqueue_dma source(%arg10 : memref<128x128xf32, #tpu.memory_space<vmem>>) target(%dma_start3A_32 : memref<128x128xf32, #tpu.memory_space<vmem_shared>>) target_semaphore(%run_scoped3A : memref<!tpu.dma_semaphore, #tpu.memory_space<semaphore_mem>>)
        %dma_wait3A = arith.constant 0 : i32
        %dma_wait3A_33 = tpu.memref_slice %arg12[%add3A, %dma_wait3A] : memref<10240x128xf32, #tpu.memory_space<vmem_shared>> -> memref<128x128xf32, #tpu.memory_space<vmem_shared>>
        %dma_wait3A_34 = arith.constant 0 : i32
        %dma_wait3A_35 = tpu.memref_slice %arg12[%add3A, %dma_wait3A_34] : memref<10240x128xf32, #tpu.memory_space<vmem_shared>> -> memref<128x128xf32, #tpu.memory_space<vmem_shared>>
        tpu.wait_dma2 semaphore(%run_scoped3A : memref<!tpu.dma_semaphore, #tpu.memory_space<semaphore_mem>>) src(%arg10 : memref<128x128xf32, #tpu.memory_space<vmem>>) dst(%dma_wait3A_35 : memref<128x128xf32, #tpu.memory_space<vmem_shared>>)
        tpu.yield
      }) : () -> ()
    }
    %scan3A_10 = arith.constant 5 : i32
    %barrier3A = arith.constant 0 : index
    tpu.barrier barrier_id(%barrier3A)
    %eq3A = arith.constant 0 : i32
    %eq3A_11 = arith.cmpi eq, %arg0, %eq3A : i32
    %jit3A = arith.constant 0 : i32
    %jit3A_12 = arith.constant 120 : i32
    %select_n3A = arith.select %eq3A_11, %jit3A, %jit3A_12 : i32
    %eq3A_13 = arith.constant 0 : i32
    %eq3A_14 = arith.cmpi eq, %arg0, %eq3A_13 : i32
    %jit3A_15 = arith.constant 3 : i32
    %jit3A_16 = arith.constant 1 : i32
    %select_n3A_17 = arith.select %eq3A_14, %jit3A_15, %jit3A_16 : i32
    %eq3A_18 = arith.constant 0 : i32
    %eq3A_19 = arith.cmpi eq, %arg0, %eq3A_18 : i32
    %convert_element_type3A = arith.extui %eq3A_19 : i1 to i32
    %cond3A = arith.constant 0 : i32
    %cond3A_20 = arith.cmpi ne, %convert_element_type3A, %cond3A : i32
    scf.if %cond3A_20 {
      %while3A = arith.constant 0 : i32
      %while3A_26 = arith.constant 0 : i32
      %while3A_27 = arith.subi %select_n3A_17, %while3A_26 : i32
      %while3A_28 = arith.addi %while3A_26, %while3A_27 : i32
      %while3A_29 = arith.constant 1 : i32
      %while3A_30 = arith.divsi %while3A_27, %while3A_29 : i32
      %while3A_31 = arith.muli %while3A_30, %while3A_29 : i32
      %while3A_32 = arith.addi %while3A_26, %while3A_31 : i32
      %while3A_33 = arith.constant 1 : i32
      scf.for %while3A_39 = %while3A_26 to %while3A_32 step %while3A_33  : i32 {
        %mul3A_40 = arith.constant 40 : i32
        %mul3A_41 = arith.muli %while3A_39, %mul3A_40 : i32
        %add3A = arith.addi %select_n3A, %mul3A_41 : i32
        "tpu.region"() ({
          %run_scoped3A = tpu.sem_alloc : memref<!tpu.dma_semaphore, #tpu.memory_space<semaphore_mem>>
          %dma_start3A_54 = arith.constant 0 : i32
          %dma_start3A_55 = tpu.memref_slice %arg4[%arg1, %add3A, %dma_start3A_54] : memref<16x160x128xi32, #tpu.memory_space<hbm>> -> memref<1x40x128xi32, #tpu.memory_space<hbm>>
          %dma_start3A_56 = tpu.memref_squeeze %dma_start3A_55 : memref<1x40x128xi32, #tpu.memory_space<hbm>> -> memref<40x128xi32, #tpu.memory_space<hbm>>
          %dma_start3A_57 = arith.constant 0 : i32
          %dma_start3A_58 = tpu.memref_slice %arg4[%arg1, %add3A, %dma_start3A_57] : memref<16x160x128xi32, #tpu.memory_space<hbm>> -> memref<1x40x128xi32, #tpu.memory_space<hbm>>
          %dma_start3A_59 = tpu.memref_squeeze %dma_start3A_58 : memref<1x40x128xi32, #tpu.memory_space<hbm>> -> memref<40x128xi32, #tpu.memory_space<hbm>>
          tpu.enqueue_dma source(%dma_start3A_59 : memref<40x128xi32, #tpu.memory_space<hbm>>) target(%arg8 : memref<40x128xi32, #tpu.memory_space<vmem>>) target_semaphore(%run_scoped3A : memref<!tpu.dma_semaphore, #tpu.memory_space<semaphore_mem>>)
          %dma_wait3A = arith.constant 0 : i32
          %dma_wait3A_60 = tpu.memref_slice %arg4[%arg1, %add3A, %dma_wait3A] : memref<16x160x128xi32, #tpu.memory_space<hbm>> -> memref<1x40x128xi32, #tpu.memory_space<hbm>>
          %dma_wait3A_61 = tpu.memref_squeeze %dma_wait3A_60 : memref<1x40x128xi32, #tpu.memory_space<hbm>> -> memref<40x128xi32, #tpu.memory_space<hbm>>
          %dma_wait3A_62 = arith.constant 0 : i32
          %dma_wait3A_63 = tpu.memref_slice %arg4[%arg1, %add3A, %dma_wait3A_62] : memref<16x160x128xi32, #tpu.memory_space<hbm>> -> memref<1x40x128xi32, #tpu.memory_space<hbm>>
          %dma_wait3A_64 = tpu.memref_squeeze %dma_wait3A_63 : memref<1x40x128xi32, #tpu.memory_space<hbm>> -> memref<40x128xi32, #tpu.memory_space<hbm>>
          tpu.wait_dma2 semaphore(%run_scoped3A : memref<!tpu.dma_semaphore, #tpu.memory_space<semaphore_mem>>) src(%dma_wait3A_64 : memref<40x128xi32, #tpu.memory_space<hbm>>) dst(%arg8 : memref<40x128xi32, #tpu.memory_space<vmem>>)
          tpu.yield
        }) : () -> ()
        "tpu.region"() ({
          %run_scoped3A = tpu.sem_alloc : memref<!tpu.dma_semaphore, #tpu.memory_space<semaphore_mem>>
          %dma_start3A_54 = arith.constant 0 : i32
          %dma_start3A_55 = tpu.memref_slice %arg5[%arg1, %add3A, %dma_start3A_54] : memref<16x160x128xi32, #tpu.memory_space<hbm>> -> memref<1x40x128xi32, #tpu.memory_space<hbm>>
          %dma_start3A_56 = tpu.memref_squeeze %dma_start3A_55 : memref<1x40x128xi32, #tpu.memory_space<hbm>> -> memref<40x128xi32, #tpu.memory_space<hbm>>
          %dma_start3A_57 = arith.constant 0 : i32
          %dma_start3A_58 = tpu.memref_slice %arg5[%arg1, %add3A, %dma_start3A_57] : memref<16x160x128xi32, #tpu.memory_space<hbm>> -> memref<1x40x128xi32, #tpu.memory_space<hbm>>
          %dma_start3A_59 = tpu.memref_squeeze %dma_start3A_58 : memref<1x40x128xi32, #tpu.memory_space<hbm>> -> memref<40x128xi32, #tpu.memory_space<hbm>>
          tpu.enqueue_dma source(%dma_start3A_59 : memref<40x128xi32, #tpu.memory_space<hbm>>) target(%arg9 : memref<40x128xi32, #tpu.memory_space<vmem>>) target_semaphore(%run_scoped3A : memref<!tpu.dma_semaphore, #tpu.memory_space<semaphore_mem>>)
          %dma_wait3A = arith.constant 0 : i32
          %dma_wait3A_60 = tpu.memref_slice %arg5[%arg1, %add3A, %dma_wait3A] : memref<16x160x128xi32, #tpu.memory_space<hbm>> -> memref<1x40x128xi32, #tpu.memory_space<hbm>>
          %dma_wait3A_61 = tpu.memref_squeeze %dma_wait3A_60 : memref<1x40x128xi32, #tpu.memory_space<hbm>> -> memref<40x128xi32, #tpu.memory_space<hbm>>
          %dma_wait3A_62 = arith.constant 0 : i32
          %dma_wait3A_63 = tpu.memref_slice %arg5[%arg1, %add3A, %dma_wait3A_62] : memref<16x160x128xi32, #tpu.memory_space<hbm>> -> memref<1x40x128xi32, #tpu.memory_space<hbm>>
          %dma_wait3A_64 = tpu.memref_squeeze %dma_wait3A_63 : memref<1x40x128xi32, #tpu.memory_space<hbm>> -> memref<40x128xi32, #tpu.memory_space<hbm>>
          tpu.wait_dma2 semaphore(%run_scoped3A : memref<!tpu.dma_semaphore, #tpu.memory_space<semaphore_mem>>) src(%dma_wait3A_64 : memref<40x128xi32, #tpu.memory_space<hbm>>) dst(%arg9 : memref<40x128xi32, #tpu.memory_space<vmem>>)
          tpu.yield
        }) : () -> ()
        %dma_start3A = arith.constant 0 : i32
        %dma_start3A_42 = arith.constant 0 : i32
        %dma_start3A_43 = tpu.memref_slice %arg8[%dma_start3A, %dma_start3A_42] : memref<40x128xi32, #tpu.memory_space<vmem>> -> memref<1x128xi32, #tpu.memory_space<vmem>>
        %dma_start3A_44 = tpu.memref_squeeze %dma_start3A_43 : memref<1x128xi32, #tpu.memory_space<vmem>> -> memref<128xi32, #tpu.memory_space<vmem>>
        %dma_start3A_45 = arith.constant 0 : i32
        %dma_start3A_46 = arith.constant 0 : i32
        %dma_start3A_47 = tpu.memref_slice %arg2[%dma_start3A_45, %dma_start3A_46] : memref<10240x128xf32, #tpu.memory_space<hbm>> -> memref<10240x128xf32, #tpu.memory_space<hbm>>
        tpu.enqueue_indirect_dma source(%dma_start3A_47 : memref<10240x128xf32, #tpu.memory_space<hbm>>) target(%arg10 : memref<128x128xf32, #tpu.memory_space<vmem>>) offsets(%dma_start3A_44 : memref<128xi32, #tpu.memory_space<vmem>>) semaphore(%arg13 : memref<!tpu.dma_semaphore, #tpu.memory_space<semaphore_mem>>)
        %scan3A_48 = arith.constant 0 : i32
        %scan3A_49 = arith.constant 0 : i32
        %scan3A_50 = arith.constant 20 : i32
        %scan3A_51 = arith.addi %scan3A_49, %scan3A_50 : i32
        %scan3A_52 = arith.constant 1 : i32
        scf.for %scan3A_54 = %scan3A_49 to %scan3A_51 step %scan3A_52  : i32 {
          %mul3A_55 = arith.constant 2 : i32
          %mul3A_56 = arith.muli %mul3A_55, %scan3A_54 : i32
          %add3A_57 = arith.constant 1 : i32
          %add3A_58 = arith.addi %mul3A_56, %add3A_57 : i32
          %dma_start3A_59 = arith.constant 0 : i32
          %dma_start3A_60 = tpu.memref_slice %arg8[%add3A_58, %dma_start3A_59] : memref<40x128xi32, #tpu.memory_space<vmem>> -> memref<1x128xi32, #tpu.memory_space<vmem>>
          %dma_start3A_61 = tpu.memref_squeeze %dma_start3A_60 : memref<1x128xi32, #tpu.memory_space<vmem>> -> memref<128xi32, #tpu.memory_space<vmem>>
          %dma_start3A_62 = arith.constant 0 : i32
          %dma_start3A_63 = arith.constant 0 : i32
          %dma_start3A_64 = tpu.memref_slice %arg2[%dma_start3A_62, %dma_start3A_63] : memref<10240x128xf32, #tpu.memory_space<hbm>> -> memref<10240x128xf32, #tpu.memory_space<hbm>>
          tpu.enqueue_indirect_dma source(%dma_start3A_64 : memref<10240x128xf32, #tpu.memory_space<hbm>>) target(%arg11 : memref<128x128xf32, #tpu.memory_space<vmem>>) offsets(%dma_start3A_61 : memref<128xi32, #tpu.memory_space<vmem>>) semaphore(%arg14 : memref<!tpu.dma_semaphore, #tpu.memory_space<semaphore_mem>>)
          %dma_wait3A = arith.constant 0 : i32
          %dma_wait3A_65 = tpu.memref_slice %arg8[%mul3A_56, %dma_wait3A] : memref<40x128xi32, #tpu.memory_space<vmem>> -> memref<1x128xi32, #tpu.memory_space<vmem>>
          %dma_wait3A_66 = tpu.memref_squeeze %dma_wait3A_65 : memref<1x128xi32, #tpu.memory_space<vmem>> -> memref<128xi32, #tpu.memory_space<vmem>>
          %dma_wait3A_67 = arith.constant 0 : i32
          %dma_wait3A_68 = arith.constant 0 : i32
          %dma_wait3A_69 = tpu.memref_slice %arg2[%dma_wait3A_67, %dma_wait3A_68] : memref<10240x128xf32, #tpu.memory_space<hbm>> -> memref<10240x128xf32, #tpu.memory_space<hbm>>
          tpu.wait_indirect_dma semaphore(%arg13 : memref<!tpu.dma_semaphore, #tpu.memory_space<semaphore_mem>>) src(%dma_wait3A_69 : memref<10240x128xf32, #tpu.memory_space<hbm>>) dst(%arg10 : memref<128x128xf32, #tpu.memory_space<vmem>>)
          "tpu.region"() ({
            %run_scoped3A = tpu.sem_alloc : memref<!tpu.dma_semaphore, #tpu.memory_space<semaphore_mem>>
            %dma_start3A_82 = arith.constant 0 : i32
            %dma_start3A_83 = tpu.memref_slice %arg9[%mul3A_56, %dma_start3A_82] : memref<40x128xi32, #tpu.memory_space<vmem>> -> memref<1x128xi32, #tpu.memory_space<vmem>>
            %dma_start3A_84 = tpu.memref_squeeze %dma_start3A_83 : memref<1x128xi32, #tpu.memory_space<vmem>> -> memref<128xi32, #tpu.memory_space<vmem>>
            %dma_start3A_85 = arith.constant 0 : i32
            %dma_start3A_86 = arith.constant 0 : i32
            %dma_start3A_87 = tpu.memref_slice %arg12[%dma_start3A_85, %dma_start3A_86] : memref<10240x128xf32, #tpu.memory_space<vmem_shared>> -> memref<10240x128xf32, #tpu.memory_space<vmem_shared>>
            tpu.enqueue_indirect_dma source(%arg10 : memref<128x128xf32, #tpu.memory_space<vmem>>) target(%dma_start3A_87 : memref<10240x128xf32, #tpu.memory_space<vmem_shared>>) offsets(%dma_start3A_84 : memref<128xi32, #tpu.memory_space<vmem>>) semaphore(%run_scoped3A : memref<!tpu.dma_semaphore, #tpu.memory_space<semaphore_mem>>) {add = true}
            %dma_wait3A_88 = arith.constant 0 : i32
            %dma_wait3A_89 = tpu.memref_slice %arg9[%mul3A_56, %dma_wait3A_88] : memref<40x128xi32, #tpu.memory_space<vmem>> -> memref<1x128xi32, #tpu.memory_space<vmem>>
            %dma_wait3A_90 = tpu.memref_squeeze %dma_wait3A_89 : memref<1x128xi32, #tpu.memory_space<vmem>> -> memref<128xi32, #tpu.memory_space<vmem>>
            %dma_wait3A_91 = arith.constant 0 : i32
            %dma_wait3A_92 = arith.constant 0 : i32
            %dma_wait3A_93 = tpu.memref_slice %arg12[%dma_wait3A_91, %dma_wait3A_92] : memref<10240x128xf32, #tpu.memory_space<vmem_shared>> -> memref<10240x128xf32, #tpu.memory_space<vmem_shared>>
            tpu.wait_indirect_dma semaphore(%run_scoped3A : memref<!tpu.dma_semaphore, #tpu.memory_space<semaphore_mem>>) src(%arg10 : memref<128x128xf32, #tpu.memory_space<vmem>>) dst(%dma_wait3A_93 : memref<10240x128xf32, #tpu.memory_space<vmem_shared>>)
            tpu.yield
          }) : () -> ()
          %lt3A = arith.constant 19 : i32
          %lt3A_70 = arith.cmpi slt, %scan3A_54, %lt3A : i32
          %convert_element_type3A_71 = arith.extui %lt3A_70 : i1 to i32
          %cond3A_72 = arith.constant 0 : i32
          %cond3A_73 = arith.cmpi ne, %convert_element_type3A_71, %cond3A_72 : i32
          scf.if %cond3A_73 {
            %add3A_82 = arith.constant 2 : i32
            %add3A_83 = arith.addi %mul3A_56, %add3A_82 : i32
            %dma_start3A_84 = arith.constant 0 : i32
            %dma_start3A_85 = tpu.memref_slice %arg8[%add3A_83, %dma_start3A_84] : memref<40x128xi32, #tpu.memory_space<vmem>> -> memref<1x128xi32, #tpu.memory_space<vmem>>
            %dma_start3A_86 = tpu.memref_squeeze %dma_start3A_85 : memref<1x128xi32, #tpu.memory_space<vmem>> -> memref<128xi32, #tpu.memory_space<vmem>>
            %dma_start3A_87 = arith.constant 0 : i32
            %dma_start3A_88 = arith.constant 0 : i32
            %dma_start3A_89 = tpu.memref_slice %arg2[%dma_start3A_87, %dma_start3A_88] : memref<10240x128xf32, #tpu.memory_space<hbm>> -> memref<10240x128xf32, #tpu.memory_space<hbm>>
            tpu.enqueue_indirect_dma source(%dma_start3A_89 : memref<10240x128xf32, #tpu.memory_space<hbm>>) target(%arg10 : memref<128x128xf32, #tpu.memory_space<vmem>>) offsets(%dma_start3A_86 : memref<128xi32, #tpu.memory_space<vmem>>) semaphore(%arg13 : memref<!tpu.dma_semaphore, #tpu.memory_space<semaphore_mem>>)
          } else {
          }
          %dma_wait3A_74 = arith.constant 0 : i32
          %dma_wait3A_75 = tpu.memref_slice %arg8[%add3A_58, %dma_wait3A_74] : memref<40x128xi32, #tpu.memory_space<vmem>> -> memref<1x128xi32, #tpu.memory_space<vmem>>
          %dma_wait3A_76 = tpu.memref_squeeze %dma_wait3A_75 : memref<1x128xi32, #tpu.memory_space<vmem>> -> memref<128xi32, #tpu.memory_space<vmem>>
          %dma_wait3A_77 = arith.constant 0 : i32
          %dma_wait3A_78 = arith.constant 0 : i32
          %dma_wait3A_79 = tpu.memref_slice %arg2[%dma_wait3A_77, %dma_wait3A_78] : memref<10240x128xf32, #tpu.memory_space<hbm>> -> memref<10240x128xf32, #tpu.memory_space<hbm>>
          tpu.wait_indirect_dma semaphore(%arg14 : memref<!tpu.dma_semaphore, #tpu.memory_space<semaphore_mem>>) src(%dma_wait3A_79 : memref<10240x128xf32, #tpu.memory_space<hbm>>) dst(%arg11 : memref<128x128xf32, #tpu.memory_space<vmem>>)
          %add3A_80 = arith.constant 1 : i32
          %add3A_81 = arith.addi %mul3A_56, %add3A_80 : i32
          "tpu.region"() ({
            %run_scoped3A = tpu.sem_alloc : memref<!tpu.dma_semaphore, #tpu.memory_space<semaphore_mem>>
            %dma_start3A_82 = arith.constant 0 : i32
            %dma_start3A_83 = tpu.memref_slice %arg9[%add3A_81, %dma_start3A_82] : memref<40x128xi32, #tpu.memory_space<vmem>> -> memref<1x128xi32, #tpu.memory_space<vmem>>
            %dma_start3A_84 = tpu.memref_squeeze %dma_start3A_83 : memref<1x128xi32, #tpu.memory_space<vmem>> -> memref<128xi32, #tpu.memory_space<vmem>>
            %dma_start3A_85 = arith.constant 0 : i32
            %dma_start3A_86 = arith.constant 0 : i32
            %dma_start3A_87 = tpu.memref_slice %arg12[%dma_start3A_85, %dma_start3A_86] : memref<10240x128xf32, #tpu.memory_space<vmem_shared>> -> memref<10240x128xf32, #tpu.memory_space<vmem_shared>>
            tpu.enqueue_indirect_dma source(%arg11 : memref<128x128xf32, #tpu.memory_space<vmem>>) target(%dma_start3A_87 : memref<10240x128xf32, #tpu.memory_space<vmem_shared>>) offsets(%dma_start3A_84 : memref<128xi32, #tpu.memory_space<vmem>>) semaphore(%run_scoped3A : memref<!tpu.dma_semaphore, #tpu.memory_space<semaphore_mem>>) {add = true}
            %dma_wait3A_88 = arith.constant 0 : i32
            %dma_wait3A_89 = tpu.memref_slice %arg9[%add3A_81, %dma_wait3A_88] : memref<40x128xi32, #tpu.memory_space<vmem>> -> memref<1x128xi32, #tpu.memory_space<vmem>>
            %dma_wait3A_90 = tpu.memref_squeeze %dma_wait3A_89 : memref<1x128xi32, #tpu.memory_space<vmem>> -> memref<128xi32, #tpu.memory_space<vmem>>
            %dma_wait3A_91 = arith.constant 0 : i32
            %dma_wait3A_92 = arith.constant 0 : i32
            %dma_wait3A_93 = tpu.memref_slice %arg12[%dma_wait3A_91, %dma_wait3A_92] : memref<10240x128xf32, #tpu.memory_space<vmem_shared>> -> memref<10240x128xf32, #tpu.memory_space<vmem_shared>>
            tpu.wait_indirect_dma semaphore(%run_scoped3A : memref<!tpu.dma_semaphore, #tpu.memory_space<semaphore_mem>>) src(%arg11 : memref<128x128xf32, #tpu.memory_space<vmem>>) dst(%dma_wait3A_93 : memref<10240x128xf32, #tpu.memory_space<vmem_shared>>)
            tpu.yield
          }) : () -> ()
        }
        %scan3A_53 = arith.constant 20 : i32
      }
      %while3A_34 = arith.constant 1 : i32
      scf.for %while3A_39 = %while3A_32 to %while3A_28 step %while3A_34  : i32 {
        %mul3A_40 = arith.constant 40 : i32
        %mul3A_41 = arith.muli %while3A_39, %mul3A_40 : i32
        %add3A = arith.addi %select_n3A, %mul3A_41 : i32
        "tpu.region"() ({
          %run_scoped3A = tpu.sem_alloc : memref<!tpu.dma_semaphore, #tpu.memory_space<semaphore_mem>>
          %dma_start3A_54 = arith.constant 0 : i32
          %dma_start3A_55 = tpu.memref_slice %arg4[%arg1, %add3A, %dma_start3A_54] : memref<16x160x128xi32, #tpu.memory_space<hbm>> -> memref<1x40x128xi32, #tpu.memory_space<hbm>>
          %dma_start3A_56 = tpu.memref_squeeze %dma_start3A_55 : memref<1x40x128xi32, #tpu.memory_space<hbm>> -> memref<40x128xi32, #tpu.memory_space<hbm>>
          %dma_start3A_57 = arith.constant 0 : i32
          %dma_start3A_58 = tpu.memref_slice %arg4[%arg1, %add3A, %dma_start3A_57] : memref<16x160x128xi32, #tpu.memory_space<hbm>> -> memref<1x40x128xi32, #tpu.memory_space<hbm>>
          %dma_start3A_59 = tpu.memref_squeeze %dma_start3A_58 : memref<1x40x128xi32, #tpu.memory_space<hbm>> -> memref<40x128xi32, #tpu.memory_space<hbm>>
          tpu.enqueue_dma source(%dma_start3A_59 : memref<40x128xi32, #tpu.memory_space<hbm>>) target(%arg8 : memref<40x128xi32, #tpu.memory_space<vmem>>) target_semaphore(%run_scoped3A : memref<!tpu.dma_semaphore, #tpu.memory_space<semaphore_mem>>)
          %dma_wait3A = arith.constant 0 : i32
          %dma_wait3A_60 = tpu.memref_slice %arg4[%arg1, %add3A, %dma_wait3A] : memref<16x160x128xi32, #tpu.memory_space<hbm>> -> memref<1x40x128xi32, #tpu.memory_space<hbm>>
          %dma_wait3A_61 = tpu.memref_squeeze %dma_wait3A_60 : memref<1x40x128xi32, #tpu.memory_space<hbm>> -> memref<40x128xi32, #tpu.memory_space<hbm>>
          %dma_wait3A_62 = arith.constant 0 : i32
          %dma_wait3A_63 = tpu.memref_slice %arg4[%arg1, %add3A, %dma_wait3A_62] : memref<16x160x128xi32, #tpu.memory_space<hbm>> -> memref<1x40x128xi32, #tpu.memory_space<hbm>>
          %dma_wait3A_64 = tpu.memref_squeeze %dma_wait3A_63 : memref<1x40x128xi32, #tpu.memory_space<hbm>> -> memref<40x128xi32, #tpu.memory_space<hbm>>
          tpu.wait_dma2 semaphore(%run_scoped3A : memref<!tpu.dma_semaphore, #tpu.memory_space<semaphore_mem>>) src(%dma_wait3A_64 : memref<40x128xi32, #tpu.memory_space<hbm>>) dst(%arg8 : memref<40x128xi32, #tpu.memory_space<vmem>>)
          tpu.yield
        }) : () -> ()
        "tpu.region"() ({
          %run_scoped3A = tpu.sem_alloc : memref<!tpu.dma_semaphore, #tpu.memory_space<semaphore_mem>>
          %dma_start3A_54 = arith.constant 0 : i32
          %dma_start3A_55 = tpu.memref_slice %arg5[%arg1, %add3A, %dma_start3A_54] : memref<16x160x128xi32, #tpu.memory_space<hbm>> -> memref<1x40x128xi32, #tpu.memory_space<hbm>>
          %dma_start3A_56 = tpu.memref_squeeze %dma_start3A_55 : memref<1x40x128xi32, #tpu.memory_space<hbm>> -> memref<40x128xi32, #tpu.memory_space<hbm>>
          %dma_start3A_57 = arith.constant 0 : i32
          %dma_start3A_58 = tpu.memref_slice %arg5[%arg1, %add3A, %dma_start3A_57] : memref<16x160x128xi32, #tpu.memory_space<hbm>> -> memref<1x40x128xi32, #tpu.memory_space<hbm>>
          %dma_start3A_59 = tpu.memref_squeeze %dma_start3A_58 : memref<1x40x128xi32, #tpu.memory_space<hbm>> -> memref<40x128xi32, #tpu.memory_space<hbm>>
          tpu.enqueue_dma source(%dma_start3A_59 : memref<40x128xi32, #tpu.memory_space<hbm>>) target(%arg9 : memref<40x128xi32, #tpu.memory_space<vmem>>) target_semaphore(%run_scoped3A : memref<!tpu.dma_semaphore, #tpu.memory_space<semaphore_mem>>)
          %dma_wait3A = arith.constant 0 : i32
          %dma_wait3A_60 = tpu.memref_slice %arg5[%arg1, %add3A, %dma_wait3A] : memref<16x160x128xi32, #tpu.memory_space<hbm>> -> memref<1x40x128xi32, #tpu.memory_space<hbm>>
          %dma_wait3A_61 = tpu.memref_squeeze %dma_wait3A_60 : memref<1x40x128xi32, #tpu.memory_space<hbm>> -> memref<40x128xi32, #tpu.memory_space<hbm>>
          %dma_wait3A_62 = arith.constant 0 : i32
          %dma_wait3A_63 = tpu.memref_slice %arg5[%arg1, %add3A, %dma_wait3A_62] : memref<16x160x128xi32, #tpu.memory_space<hbm>> -> memref<1x40x128xi32, #tpu.memory_space<hbm>>
          %dma_wait3A_64 = tpu.memref_squeeze %dma_wait3A_63 : memref<1x40x128xi32, #tpu.memory_space<hbm>> -> memref<40x128xi32, #tpu.memory_space<hbm>>
          tpu.wait_dma2 semaphore(%run_scoped3A : memref<!tpu.dma_semaphore, #tpu.memory_space<semaphore_mem>>) src(%dma_wait3A_64 : memref<40x128xi32, #tpu.memory_space<hbm>>) dst(%arg9 : memref<40x128xi32, #tpu.memory_space<vmem>>)
          tpu.yield
        }) : () -> ()
        %dma_start3A = arith.constant 0 : i32
        %dma_start3A_42 = arith.constant 0 : i32
        %dma_start3A_43 = tpu.memref_slice %arg8[%dma_start3A, %dma_start3A_42] : memref<40x128xi32, #tpu.memory_space<vmem>> -> memref<1x128xi32, #tpu.memory_space<vmem>>
        %dma_start3A_44 = tpu.memref_squeeze %dma_start3A_43 : memref<1x128xi32, #tpu.memory_space<vmem>> -> memref<128xi32, #tpu.memory_space<vmem>>
        %dma_start3A_45 = arith.constant 0 : i32
        %dma_start3A_46 = arith.constant 0 : i32
        %dma_start3A_47 = tpu.memref_slice %arg2[%dma_start3A_45, %dma_start3A_46] : memref<10240x128xf32, #tpu.memory_space<hbm>> -> memref<10240x128xf32, #tpu.memory_space<hbm>>
        tpu.enqueue_indirect_dma source(%dma_start3A_47 : memref<10240x128xf32, #tpu.memory_space<hbm>>) target(%arg10 : memref<128x128xf32, #tpu.memory_space<vmem>>) offsets(%dma_start3A_44 : memref<128xi32, #tpu.memory_space<vmem>>) semaphore(%arg13 : memref<!tpu.dma_semaphore, #tpu.memory_space<semaphore_mem>>)
        %scan3A_48 = arith.constant 0 : i32
        %scan3A_49 = arith.constant 0 : i32
        %scan3A_50 = arith.constant 20 : i32
        %scan3A_51 = arith.addi %scan3A_49, %scan3A_50 : i32
        %scan3A_52 = arith.constant 1 : i32
        scf.for %scan3A_54 = %scan3A_49 to %scan3A_51 step %scan3A_52  : i32 {
          %mul3A_55 = arith.constant 2 : i32
          %mul3A_56 = arith.muli %mul3A_55, %scan3A_54 : i32
          %add3A_57 = arith.constant 1 : i32
          %add3A_58 = arith.addi %mul3A_56, %add3A_57 : i32
          %dma_start3A_59 = arith.constant 0 : i32
          %dma_start3A_60 = tpu.memref_slice %arg8[%add3A_58, %dma_start3A_59] : memref<40x128xi32, #tpu.memory_space<vmem>> -> memref<1x128xi32, #tpu.memory_space<vmem>>
          %dma_start3A_61 = tpu.memref_squeeze %dma_start3A_60 : memref<1x128xi32, #tpu.memory_space<vmem>> -> memref<128xi32, #tpu.memory_space<vmem>>
          %dma_start3A_62 = arith.constant 0 : i32
          %dma_start3A_63 = arith.constant 0 : i32
          %dma_start3A_64 = tpu.memref_slice %arg2[%dma_start3A_62, %dma_start3A_63] : memref<10240x128xf32, #tpu.memory_space<hbm>> -> memref<10240x128xf32, #tpu.memory_space<hbm>>
          tpu.enqueue_indirect_dma source(%dma_start3A_64 : memref<10240x128xf32, #tpu.memory_space<hbm>>) target(%arg11 : memref<128x128xf32, #tpu.memory_space<vmem>>) offsets(%dma_start3A_61 : memref<128xi32, #tpu.memory_space<vmem>>) semaphore(%arg14 : memref<!tpu.dma_semaphore, #tpu.memory_space<semaphore_mem>>)
          %dma_wait3A = arith.constant 0 : i32
          %dma_wait3A_65 = tpu.memref_slice %arg8[%mul3A_56, %dma_wait3A] : memref<40x128xi32, #tpu.memory_space<vmem>> -> memref<1x128xi32, #tpu.memory_space<vmem>>
          %dma_wait3A_66 = tpu.memref_squeeze %dma_wait3A_65 : memref<1x128xi32, #tpu.memory_space<vmem>> -> memref<128xi32, #tpu.memory_space<vmem>>
          %dma_wait3A_67 = arith.constant 0 : i32
          %dma_wait3A_68 = arith.constant 0 : i32
          %dma_wait3A_69 = tpu.memref_slice %arg2[%dma_wait3A_67, %dma_wait3A_68] : memref<10240x128xf32, #tpu.memory_space<hbm>> -> memref<10240x128xf32, #tpu.memory_space<hbm>>
          tpu.wait_indirect_dma semaphore(%arg13 : memref<!tpu.dma_semaphore, #tpu.memory_space<semaphore_mem>>) src(%dma_wait3A_69 : memref<10240x128xf32, #tpu.memory_space<hbm>>) dst(%arg10 : memref<128x128xf32, #tpu.memory_space<vmem>>)
          "tpu.region"() ({
            %run_scoped3A = tpu.sem_alloc : memref<!tpu.dma_semaphore, #tpu.memory_space<semaphore_mem>>
            %dma_start3A_82 = arith.constant 0 : i32
            %dma_start3A_83 = tpu.memref_slice %arg9[%mul3A_56, %dma_start3A_82] : memref<40x128xi32, #tpu.memory_space<vmem>> -> memref<1x128xi32, #tpu.memory_space<vmem>>
            %dma_start3A_84 = tpu.memref_squeeze %dma_start3A_83 : memref<1x128xi32, #tpu.memory_space<vmem>> -> memref<128xi32, #tpu.memory_space<vmem>>
            %dma_start3A_85 = arith.constant 0 : i32
            %dma_start3A_86 = arith.constant 0 : i32
            %dma_start3A_87 = tpu.memref_slice %arg12[%dma_start3A_85, %dma_start3A_86] : memref<10240x128xf32, #tpu.memory_space<vmem_shared>> -> memref<10240x128xf32, #tpu.memory_space<vmem_shared>>
            tpu.enqueue_indirect_dma source(%arg10 : memref<128x128xf32, #tpu.memory_space<vmem>>) target(%dma_start3A_87 : memref<10240x128xf32, #tpu.memory_space<vmem_shared>>) offsets(%dma_start3A_84 : memref<128xi32, #tpu.memory_space<vmem>>) semaphore(%run_scoped3A : memref<!tpu.dma_semaphore, #tpu.memory_space<semaphore_mem>>) {add = true}
            %dma_wait3A_88 = arith.constant 0 : i32
            %dma_wait3A_89 = tpu.memref_slice %arg9[%mul3A_56, %dma_wait3A_88] : memref<40x128xi32, #tpu.memory_space<vmem>> -> memref<1x128xi32, #tpu.memory_space<vmem>>
            %dma_wait3A_90 = tpu.memref_squeeze %dma_wait3A_89 : memref<1x128xi32, #tpu.memory_space<vmem>> -> memref<128xi32, #tpu.memory_space<vmem>>
            %dma_wait3A_91 = arith.constant 0 : i32
            %dma_wait3A_92 = arith.constant 0 : i32
            %dma_wait3A_93 = tpu.memref_slice %arg12[%dma_wait3A_91, %dma_wait3A_92] : memref<10240x128xf32, #tpu.memory_space<vmem_shared>> -> memref<10240x128xf32, #tpu.memory_space<vmem_shared>>
            tpu.wait_indirect_dma semaphore(%run_scoped3A : memref<!tpu.dma_semaphore, #tpu.memory_space<semaphore_mem>>) src(%arg10 : memref<128x128xf32, #tpu.memory_space<vmem>>) dst(%dma_wait3A_93 : memref<10240x128xf32, #tpu.memory_space<vmem_shared>>)
            tpu.yield
          }) : () -> ()
          %lt3A = arith.constant 19 : i32
          %lt3A_70 = arith.cmpi slt, %scan3A_54, %lt3A : i32
          %convert_element_type3A_71 = arith.extui %lt3A_70 : i1 to i32
          %cond3A_72 = arith.constant 0 : i32
          %cond3A_73 = arith.cmpi ne, %convert_element_type3A_71, %cond3A_72 : i32
          scf.if %cond3A_73 {
            %add3A_82 = arith.constant 2 : i32
            %add3A_83 = arith.addi %mul3A_56, %add3A_82 : i32
            %dma_start3A_84 = arith.constant 0 : i32
            %dma_start3A_85 = tpu.memref_slice %arg8[%add3A_83, %dma_start3A_84] : memref<40x128xi32, #tpu.memory_space<vmem>> -> memref<1x128xi32, #tpu.memory_space<vmem>>
            %dma_start3A_86 = tpu.memref_squeeze %dma_start3A_85 : memref<1x128xi32, #tpu.memory_space<vmem>> -> memref<128xi32, #tpu.memory_space<vmem>>
            %dma_start3A_87 = arith.constant 0 : i32
            %dma_start3A_88 = arith.constant 0 : i32
            %dma_start3A_89 = tpu.memref_slice %arg2[%dma_start3A_87, %dma_start3A_88] : memref<10240x128xf32, #tpu.memory_space<hbm>> -> memref<10240x128xf32, #tpu.memory_space<hbm>>
            tpu.enqueue_indirect_dma source(%dma_start3A_89 : memref<10240x128xf32, #tpu.memory_space<hbm>>) target(%arg10 : memref<128x128xf32, #tpu.memory_space<vmem>>) offsets(%dma_start3A_86 : memref<128xi32, #tpu.memory_space<vmem>>) semaphore(%arg13 : memref<!tpu.dma_semaphore, #tpu.memory_space<semaphore_mem>>)
          } else {
          }
          %dma_wait3A_74 = arith.constant 0 : i32
          %dma_wait3A_75 = tpu.memref_slice %arg8[%add3A_58, %dma_wait3A_74] : memref<40x128xi32, #tpu.memory_space<vmem>> -> memref<1x128xi32, #tpu.memory_space<vmem>>
          %dma_wait3A_76 = tpu.memref_squeeze %dma_wait3A_75 : memref<1x128xi32, #tpu.memory_space<vmem>> -> memref<128xi32, #tpu.memory_space<vmem>>
          %dma_wait3A_77 = arith.constant 0 : i32
          %dma_wait3A_78 = arith.constant 0 : i32
          %dma_wait3A_79 = tpu.memref_slice %arg2[%dma_wait3A_77, %dma_wait3A_78] : memref<10240x128xf32, #tpu.memory_space<hbm>> -> memref<10240x128xf32, #tpu.memory_space<hbm>>
          tpu.wait_indirect_dma semaphore(%arg14 : memref<!tpu.dma_semaphore, #tpu.memory_space<semaphore_mem>>) src(%dma_wait3A_79 : memref<10240x128xf32, #tpu.memory_space<hbm>>) dst(%arg11 : memref<128x128xf32, #tpu.memory_space<vmem>>)
          %add3A_80 = arith.constant 1 : i32
          %add3A_81 = arith.addi %mul3A_56, %add3A_80 : i32
          "tpu.region"() ({
            %run_scoped3A = tpu.sem_alloc : memref<!tpu.dma_semaphore, #tpu.memory_space<semaphore_mem>>
            %dma_start3A_82 = arith.constant 0 : i32
            %dma_start3A_83 = tpu.memref_slice %arg9[%add3A_81, %dma_start3A_82] : memref<40x128xi32, #tpu.memory_space<vmem>> -> memref<1x128xi32, #tpu.memory_space<vmem>>
            %dma_start3A_84 = tpu.memref_squeeze %dma_start3A_83 : memref<1x128xi32, #tpu.memory_space<vmem>> -> memref<128xi32, #tpu.memory_space<vmem>>
            %dma_start3A_85 = arith.constant 0 : i32
            %dma_start3A_86 = arith.constant 0 : i32
            %dma_start3A_87 = tpu.memref_slice %arg12[%dma_start3A_85, %dma_start3A_86] : memref<10240x128xf32, #tpu.memory_space<vmem_shared>> -> memref<10240x128xf32, #tpu.memory_space<vmem_shared>>
            tpu.enqueue_indirect_dma source(%arg11 : memref<128x128xf32, #tpu.memory_space<vmem>>) target(%dma_start3A_87 : memref<10240x128xf32, #tpu.memory_space<vmem_shared>>) offsets(%dma_start3A_84 : memref<128xi32, #tpu.memory_space<vmem>>) semaphore(%run_scoped3A : memref<!tpu.dma_semaphore, #tpu.memory_space<semaphore_mem>>) {add = true}
            %dma_wait3A_88 = arith.constant 0 : i32
            %dma_wait3A_89 = tpu.memref_slice %arg9[%add3A_81, %dma_wait3A_88] : memref<40x128xi32, #tpu.memory_space<vmem>> -> memref<1x128xi32, #tpu.memory_space<vmem>>
            %dma_wait3A_90 = tpu.memref_squeeze %dma_wait3A_89 : memref<1x128xi32, #tpu.memory_space<vmem>> -> memref<128xi32, #tpu.memory_space<vmem>>
            %dma_wait3A_91 = arith.constant 0 : i32
            %dma_wait3A_92 = arith.constant 0 : i32
            %dma_wait3A_93 = tpu.memref_slice %arg12[%dma_wait3A_91, %dma_wait3A_92] : memref<10240x128xf32, #tpu.memory_space<vmem_shared>> -> memref<10240x128xf32, #tpu.memory_space<vmem_shared>>
            tpu.wait_indirect_dma semaphore(%run_scoped3A : memref<!tpu.dma_semaphore, #tpu.memory_space<semaphore_mem>>) src(%arg11 : memref<128x128xf32, #tpu.memory_space<vmem>>) dst(%dma_wait3A_93 : memref<10240x128xf32, #tpu.memory_space<vmem_shared>>)
            tpu.yield
          }) : () -> ()
        }
        %scan3A_53 = arith.constant 20 : i32
      }
      %barrier3A_35 = arith.constant 0 : index
      tpu.barrier barrier_id(%barrier3A_35)
      %mul3A = arith.constant 640 : i32
      %mul3A_36 = arith.muli %arg1, %mul3A : i32
      %mul3A_37 = arith.constant 640 : i32
      %mul3A_38 = arith.muli %arg1, %mul3A_37 : i32
      "tpu.region"() ({
        %run_scoped3A = tpu.sem_alloc : memref<!tpu.dma_semaphore, #tpu.memory_space<semaphore_mem>>
        %dma_start3A = arith.constant 0 : i32
        %dma_start3A_39 = tpu.memref_slice %arg6[%mul3A_38, %dma_start3A] : memref<10240x128xf32, #tpu.memory_space<hbm>> -> memref<640x128xf32, #tpu.memory_space<hbm>>
        %dma_start3A_40 = arith.constant 0 : i32
        %dma_start3A_41 = tpu.memref_slice %arg12[%mul3A_36, %dma_start3A_40] : memref<10240x128xf32, #tpu.memory_space<vmem_shared>> -> memref<640x128xf32, #tpu.memory_space<vmem_shared>>
        tpu.enqueue_dma source(%dma_start3A_41 : memref<640x128xf32, #tpu.memory_space<vmem_shared>>) target(%dma_start3A_39 : memref<640x128xf32, #tpu.memory_space<hbm>>) target_semaphore(%run_scoped3A : memref<!tpu.dma_semaphore, #tpu.memory_space<semaphore_mem>>)
        %dma_wait3A = arith.constant 0 : i32
        %dma_wait3A_42 = tpu.memref_slice %arg6[%mul3A_38, %dma_wait3A] : memref<10240x128xf32, #tpu.memory_space<hbm>> -> memref<640x128xf32, #tpu.memory_space<hbm>>
        %dma_wait3A_43 = arith.constant 0 : i32
        %dma_wait3A_44 = tpu.memref_slice %arg12[%mul3A_36, %dma_wait3A_43] : memref<10240x128xf32, #tpu.memory_space<vmem_shared>> -> memref<640x128xf32, #tpu.memory_space<vmem_shared>>
        tpu.wait_dma2 semaphore(%run_scoped3A : memref<!tpu.dma_semaphore, #tpu.memory_space<semaphore_mem>>) src(%dma_wait3A_44 : memref<640x128xf32, #tpu.memory_space<vmem_shared>>) dst(%dma_wait3A_42 : memref<640x128xf32, #tpu.memory_space<hbm>>)
        tpu.yield
      }) : () -> ()
    } else {
    }
    %eq3A_21 = arith.constant 1 : i32
    %eq3A_22 = arith.cmpi eq, %arg0, %eq3A_21 : i32
    %convert_element_type3A_23 = arith.extui %eq3A_22 : i1 to i32
    %cond3A_24 = arith.constant 0 : i32
    %cond3A_25 = arith.cmpi ne, %convert_element_type3A_23, %cond3A_24 : i32
    scf.if %cond3A_25 {
      %while3A = arith.constant 0 : i32
      %while3A_26 = arith.constant 0 : i32
      %while3A_27 = arith.subi %select_n3A_17, %while3A_26 : i32
      %while3A_28 = arith.addi %while3A_26, %while3A_27 : i32
      %while3A_29 = arith.constant 1 : i32
      %while3A_30 = arith.divsi %while3A_27, %while3A_29 : i32
      %while3A_31 = arith.muli %while3A_30, %while3A_29 : i32
      %while3A_32 = arith.addi %while3A_26, %while3A_31 : i32
      %while3A_33 = arith.constant 1 : i32
      scf.for %while3A_39 = %while3A_26 to %while3A_32 step %while3A_33  : i32 {
        %mul3A_40 = arith.constant 40 : i32
        %mul3A_41 = arith.muli %while3A_39, %mul3A_40 : i32
        %add3A = arith.addi %select_n3A, %mul3A_41 : i32
        "tpu.region"() ({
          %run_scoped3A = tpu.sem_alloc : memref<!tpu.dma_semaphore, #tpu.memory_space<semaphore_mem>>
          %dma_start3A_54 = arith.constant 0 : i32
          %dma_start3A_55 = tpu.memref_slice %arg4[%arg1, %add3A, %dma_start3A_54] : memref<16x160x128xi32, #tpu.memory_space<hbm>> -> memref<1x40x128xi32, #tpu.memory_space<hbm>>
          %dma_start3A_56 = tpu.memref_squeeze %dma_start3A_55 : memref<1x40x128xi32, #tpu.memory_space<hbm>> -> memref<40x128xi32, #tpu.memory_space<hbm>>
          %dma_start3A_57 = arith.constant 0 : i32
          %dma_start3A_58 = tpu.memref_slice %arg4[%arg1, %add3A, %dma_start3A_57] : memref<16x160x128xi32, #tpu.memory_space<hbm>> -> memref<1x40x128xi32, #tpu.memory_space<hbm>>
          %dma_start3A_59 = tpu.memref_squeeze %dma_start3A_58 : memref<1x40x128xi32, #tpu.memory_space<hbm>> -> memref<40x128xi32, #tpu.memory_space<hbm>>
          tpu.enqueue_dma source(%dma_start3A_59 : memref<40x128xi32, #tpu.memory_space<hbm>>) target(%arg8 : memref<40x128xi32, #tpu.memory_space<vmem>>) target_semaphore(%run_scoped3A : memref<!tpu.dma_semaphore, #tpu.memory_space<semaphore_mem>>)
          %dma_wait3A = arith.constant 0 : i32
          %dma_wait3A_60 = tpu.memref_slice %arg4[%arg1, %add3A, %dma_wait3A] : memref<16x160x128xi32, #tpu.memory_space<hbm>> -> memref<1x40x128xi32, #tpu.memory_space<hbm>>
          %dma_wait3A_61 = tpu.memref_squeeze %dma_wait3A_60 : memref<1x40x128xi32, #tpu.memory_space<hbm>> -> memref<40x128xi32, #tpu.memory_space<hbm>>
          %dma_wait3A_62 = arith.constant 0 : i32
          %dma_wait3A_63 = tpu.memref_slice %arg4[%arg1, %add3A, %dma_wait3A_62] : memref<16x160x128xi32, #tpu.memory_space<hbm>> -> memref<1x40x128xi32, #tpu.memory_space<hbm>>
          %dma_wait3A_64 = tpu.memref_squeeze %dma_wait3A_63 : memref<1x40x128xi32, #tpu.memory_space<hbm>> -> memref<40x128xi32, #tpu.memory_space<hbm>>
          tpu.wait_dma2 semaphore(%run_scoped3A : memref<!tpu.dma_semaphore, #tpu.memory_space<semaphore_mem>>) src(%dma_wait3A_64 : memref<40x128xi32, #tpu.memory_space<hbm>>) dst(%arg8 : memref<40x128xi32, #tpu.memory_space<vmem>>)
          tpu.yield
        }) : () -> ()
        "tpu.region"() ({
          %run_scoped3A = tpu.sem_alloc : memref<!tpu.dma_semaphore, #tpu.memory_space<semaphore_mem>>
          %dma_start3A_54 = arith.constant 0 : i32
          %dma_start3A_55 = tpu.memref_slice %arg5[%arg1, %add3A, %dma_start3A_54] : memref<16x160x128xi32, #tpu.memory_space<hbm>> -> memref<1x40x128xi32, #tpu.memory_space<hbm>>
          %dma_start3A_56 = tpu.memref_squeeze %dma_start3A_55 : memref<1x40x128xi32, #tpu.memory_space<hbm>> -> memref<40x128xi32, #tpu.memory_space<hbm>>
          %dma_start3A_57 = arith.constant 0 : i32
          %dma_start3A_58 = tpu.memref_slice %arg5[%arg1, %add3A, %dma_start3A_57] : memref<16x160x128xi32, #tpu.memory_space<hbm>> -> memref<1x40x128xi32, #tpu.memory_space<hbm>>
          %dma_start3A_59 = tpu.memref_squeeze %dma_start3A_58 : memref<1x40x128xi32, #tpu.memory_space<hbm>> -> memref<40x128xi32, #tpu.memory_space<hbm>>
          tpu.enqueue_dma source(%dma_start3A_59 : memref<40x128xi32, #tpu.memory_space<hbm>>) target(%arg9 : memref<40x128xi32, #tpu.memory_space<vmem>>) target_semaphore(%run_scoped3A : memref<!tpu.dma_semaphore, #tpu.memory_space<semaphore_mem>>)
          %dma_wait3A = arith.constant 0 : i32
          %dma_wait3A_60 = tpu.memref_slice %arg5[%arg1, %add3A, %dma_wait3A] : memref<16x160x128xi32, #tpu.memory_space<hbm>> -> memref<1x40x128xi32, #tpu.memory_space<hbm>>
          %dma_wait3A_61 = tpu.memref_squeeze %dma_wait3A_60 : memref<1x40x128xi32, #tpu.memory_space<hbm>> -> memref<40x128xi32, #tpu.memory_space<hbm>>
          %dma_wait3A_62 = arith.constant 0 : i32
          %dma_wait3A_63 = tpu.memref_slice %arg5[%arg1, %add3A, %dma_wait3A_62] : memref<16x160x128xi32, #tpu.memory_space<hbm>> -> memref<1x40x128xi32, #tpu.memory_space<hbm>>
          %dma_wait3A_64 = tpu.memref_squeeze %dma_wait3A_63 : memref<1x40x128xi32, #tpu.memory_space<hbm>> -> memref<40x128xi32, #tpu.memory_space<hbm>>
          tpu.wait_dma2 semaphore(%run_scoped3A : memref<!tpu.dma_semaphore, #tpu.memory_space<semaphore_mem>>) src(%dma_wait3A_64 : memref<40x128xi32, #tpu.memory_space<hbm>>) dst(%arg9 : memref<40x128xi32, #tpu.memory_space<vmem>>)
          tpu.yield
        }) : () -> ()
        %dma_start3A = arith.constant 0 : i32
        %dma_start3A_42 = arith.constant 0 : i32
        %dma_start3A_43 = tpu.memref_slice %arg8[%dma_start3A, %dma_start3A_42] : memref<40x128xi32, #tpu.memory_space<vmem>> -> memref<1x128xi32, #tpu.memory_space<vmem>>
        %dma_start3A_44 = tpu.memref_squeeze %dma_start3A_43 : memref<1x128xi32, #tpu.memory_space<vmem>> -> memref<128xi32, #tpu.memory_space<vmem>>
        %dma_start3A_45 = arith.constant 0 : i32
        %dma_start3A_46 = arith.constant 0 : i32
        %dma_start3A_47 = tpu.memref_slice %arg3[%dma_start3A_45, %dma_start3A_46] : memref<10240x128xf32, #tpu.memory_space<hbm>> -> memref<10240x128xf32, #tpu.memory_space<hbm>>
        tpu.enqueue_indirect_dma source(%dma_start3A_47 : memref<10240x128xf32, #tpu.memory_space<hbm>>) target(%arg10 : memref<128x128xf32, #tpu.memory_space<vmem>>) offsets(%dma_start3A_44 : memref<128xi32, #tpu.memory_space<vmem>>) semaphore(%arg13 : memref<!tpu.dma_semaphore, #tpu.memory_space<semaphore_mem>>)
        %scan3A_48 = arith.constant 0 : i32
        %scan3A_49 = arith.constant 0 : i32
        %scan3A_50 = arith.constant 20 : i32
        %scan3A_51 = arith.addi %scan3A_49, %scan3A_50 : i32
        %scan3A_52 = arith.constant 1 : i32
        scf.for %scan3A_54 = %scan3A_49 to %scan3A_51 step %scan3A_52  : i32 {
          %mul3A_55 = arith.constant 2 : i32
          %mul3A_56 = arith.muli %mul3A_55, %scan3A_54 : i32
          %add3A_57 = arith.constant 1 : i32
          %add3A_58 = arith.addi %mul3A_56, %add3A_57 : i32
          %dma_start3A_59 = arith.constant 0 : i32
          %dma_start3A_60 = tpu.memref_slice %arg8[%add3A_58, %dma_start3A_59] : memref<40x128xi32, #tpu.memory_space<vmem>> -> memref<1x128xi32, #tpu.memory_space<vmem>>
          %dma_start3A_61 = tpu.memref_squeeze %dma_start3A_60 : memref<1x128xi32, #tpu.memory_space<vmem>> -> memref<128xi32, #tpu.memory_space<vmem>>
          %dma_start3A_62 = arith.constant 0 : i32
          %dma_start3A_63 = arith.constant 0 : i32
          %dma_start3A_64 = tpu.memref_slice %arg3[%dma_start3A_62, %dma_start3A_63] : memref<10240x128xf32, #tpu.memory_space<hbm>> -> memref<10240x128xf32, #tpu.memory_space<hbm>>
          tpu.enqueue_indirect_dma source(%dma_start3A_64 : memref<10240x128xf32, #tpu.memory_space<hbm>>) target(%arg11 : memref<128x128xf32, #tpu.memory_space<vmem>>) offsets(%dma_start3A_61 : memref<128xi32, #tpu.memory_space<vmem>>) semaphore(%arg14 : memref<!tpu.dma_semaphore, #tpu.memory_space<semaphore_mem>>)
          %dma_wait3A = arith.constant 0 : i32
          %dma_wait3A_65 = tpu.memref_slice %arg8[%mul3A_56, %dma_wait3A] : memref<40x128xi32, #tpu.memory_space<vmem>> -> memref<1x128xi32, #tpu.memory_space<vmem>>
          %dma_wait3A_66 = tpu.memref_squeeze %dma_wait3A_65 : memref<1x128xi32, #tpu.memory_space<vmem>> -> memref<128xi32, #tpu.memory_space<vmem>>
          %dma_wait3A_67 = arith.constant 0 : i32
          %dma_wait3A_68 = arith.constant 0 : i32
          %dma_wait3A_69 = tpu.memref_slice %arg3[%dma_wait3A_67, %dma_wait3A_68] : memref<10240x128xf32, #tpu.memory_space<hbm>> -> memref<10240x128xf32, #tpu.memory_space<hbm>>
          tpu.wait_indirect_dma semaphore(%arg13 : memref<!tpu.dma_semaphore, #tpu.memory_space<semaphore_mem>>) src(%dma_wait3A_69 : memref<10240x128xf32, #tpu.memory_space<hbm>>) dst(%arg10 : memref<128x128xf32, #tpu.memory_space<vmem>>)
          "tpu.region"() ({
            %run_scoped3A = tpu.sem_alloc : memref<!tpu.dma_semaphore, #tpu.memory_space<semaphore_mem>>
            %dma_start3A_82 = arith.constant 0 : i32
            %dma_start3A_83 = tpu.memref_slice %arg9[%mul3A_56, %dma_start3A_82] : memref<40x128xi32, #tpu.memory_space<vmem>> -> memref<1x128xi32, #tpu.memory_space<vmem>>
            %dma_start3A_84 = tpu.memref_squeeze %dma_start3A_83 : memref<1x128xi32, #tpu.memory_space<vmem>> -> memref<128xi32, #tpu.memory_space<vmem>>
            %dma_start3A_85 = arith.constant 0 : i32
            %dma_start3A_86 = arith.constant 0 : i32
            %dma_start3A_87 = tpu.memref_slice %arg12[%dma_start3A_85, %dma_start3A_86] : memref<10240x128xf32, #tpu.memory_space<vmem_shared>> -> memref<10240x128xf32, #tpu.memory_space<vmem_shared>>
            tpu.enqueue_indirect_dma source(%arg10 : memref<128x128xf32, #tpu.memory_space<vmem>>) target(%dma_start3A_87 : memref<10240x128xf32, #tpu.memory_space<vmem_shared>>) offsets(%dma_start3A_84 : memref<128xi32, #tpu.memory_space<vmem>>) semaphore(%run_scoped3A : memref<!tpu.dma_semaphore, #tpu.memory_space<semaphore_mem>>) {add = true}
            %dma_wait3A_88 = arith.constant 0 : i32
            %dma_wait3A_89 = tpu.memref_slice %arg9[%mul3A_56, %dma_wait3A_88] : memref<40x128xi32, #tpu.memory_space<vmem>> -> memref<1x128xi32, #tpu.memory_space<vmem>>
            %dma_wait3A_90 = tpu.memref_squeeze %dma_wait3A_89 : memref<1x128xi32, #tpu.memory_space<vmem>> -> memref<128xi32, #tpu.memory_space<vmem>>
            %dma_wait3A_91 = arith.constant 0 : i32
            %dma_wait3A_92 = arith.constant 0 : i32
            %dma_wait3A_93 = tpu.memref_slice %arg12[%dma_wait3A_91, %dma_wait3A_92] : memref<10240x128xf32, #tpu.memory_space<vmem_shared>> -> memref<10240x128xf32, #tpu.memory_space<vmem_shared>>
            tpu.wait_indirect_dma semaphore(%run_scoped3A : memref<!tpu.dma_semaphore, #tpu.memory_space<semaphore_mem>>) src(%arg10 : memref<128x128xf32, #tpu.memory_space<vmem>>) dst(%dma_wait3A_93 : memref<10240x128xf32, #tpu.memory_space<vmem_shared>>)
            tpu.yield
          }) : () -> ()
          %lt3A = arith.constant 19 : i32
          %lt3A_70 = arith.cmpi slt, %scan3A_54, %lt3A : i32
          %convert_element_type3A_71 = arith.extui %lt3A_70 : i1 to i32
          %cond3A_72 = arith.constant 0 : i32
          %cond3A_73 = arith.cmpi ne, %convert_element_type3A_71, %cond3A_72 : i32
          scf.if %cond3A_73 {
            %add3A_82 = arith.constant 2 : i32
            %add3A_83 = arith.addi %mul3A_56, %add3A_82 : i32
            %dma_start3A_84 = arith.constant 0 : i32
            %dma_start3A_85 = tpu.memref_slice %arg8[%add3A_83, %dma_start3A_84] : memref<40x128xi32, #tpu.memory_space<vmem>> -> memref<1x128xi32, #tpu.memory_space<vmem>>
            %dma_start3A_86 = tpu.memref_squeeze %dma_start3A_85 : memref<1x128xi32, #tpu.memory_space<vmem>> -> memref<128xi32, #tpu.memory_space<vmem>>
            %dma_start3A_87 = arith.constant 0 : i32
            %dma_start3A_88 = arith.constant 0 : i32
            %dma_start3A_89 = tpu.memref_slice %arg3[%dma_start3A_87, %dma_start3A_88] : memref<10240x128xf32, #tpu.memory_space<hbm>> -> memref<10240x128xf32, #tpu.memory_space<hbm>>
            tpu.enqueue_indirect_dma source(%dma_start3A_89 : memref<10240x128xf32, #tpu.memory_space<hbm>>) target(%arg10 : memref<128x128xf32, #tpu.memory_space<vmem>>) offsets(%dma_start3A_86 : memref<128xi32, #tpu.memory_space<vmem>>) semaphore(%arg13 : memref<!tpu.dma_semaphore, #tpu.memory_space<semaphore_mem>>)
          } else {
          }
          %dma_wait3A_74 = arith.constant 0 : i32
          %dma_wait3A_75 = tpu.memref_slice %arg8[%add3A_58, %dma_wait3A_74] : memref<40x128xi32, #tpu.memory_space<vmem>> -> memref<1x128xi32, #tpu.memory_space<vmem>>
          %dma_wait3A_76 = tpu.memref_squeeze %dma_wait3A_75 : memref<1x128xi32, #tpu.memory_space<vmem>> -> memref<128xi32, #tpu.memory_space<vmem>>
          %dma_wait3A_77 = arith.constant 0 : i32
          %dma_wait3A_78 = arith.constant 0 : i32
          %dma_wait3A_79 = tpu.memref_slice %arg3[%dma_wait3A_77, %dma_wait3A_78] : memref<10240x128xf32, #tpu.memory_space<hbm>> -> memref<10240x128xf32, #tpu.memory_space<hbm>>
          tpu.wait_indirect_dma semaphore(%arg14 : memref<!tpu.dma_semaphore, #tpu.memory_space<semaphore_mem>>) src(%dma_wait3A_79 : memref<10240x128xf32, #tpu.memory_space<hbm>>) dst(%arg11 : memref<128x128xf32, #tpu.memory_space<vmem>>)
          %add3A_80 = arith.constant 1 : i32
          %add3A_81 = arith.addi %mul3A_56, %add3A_80 : i32
          "tpu.region"() ({
            %run_scoped3A = tpu.sem_alloc : memref<!tpu.dma_semaphore, #tpu.memory_space<semaphore_mem>>
            %dma_start3A_82 = arith.constant 0 : i32
            %dma_start3A_83 = tpu.memref_slice %arg9[%add3A_81, %dma_start3A_82] : memref<40x128xi32, #tpu.memory_space<vmem>> -> memref<1x128xi32, #tpu.memory_space<vmem>>
            %dma_start3A_84 = tpu.memref_squeeze %dma_start3A_83 : memref<1x128xi32, #tpu.memory_space<vmem>> -> memref<128xi32, #tpu.memory_space<vmem>>
            %dma_start3A_85 = arith.constant 0 : i32
            %dma_start3A_86 = arith.constant 0 : i32
            %dma_start3A_87 = tpu.memref_slice %arg12[%dma_start3A_85, %dma_start3A_86] : memref<10240x128xf32, #tpu.memory_space<vmem_shared>> -> memref<10240x128xf32, #tpu.memory_space<vmem_shared>>
            tpu.enqueue_indirect_dma source(%arg11 : memref<128x128xf32, #tpu.memory_space<vmem>>) target(%dma_start3A_87 : memref<10240x128xf32, #tpu.memory_space<vmem_shared>>) offsets(%dma_start3A_84 : memref<128xi32, #tpu.memory_space<vmem>>) semaphore(%run_scoped3A : memref<!tpu.dma_semaphore, #tpu.memory_space<semaphore_mem>>) {add = true}
            %dma_wait3A_88 = arith.constant 0 : i32
            %dma_wait3A_89 = tpu.memref_slice %arg9[%add3A_81, %dma_wait3A_88] : memref<40x128xi32, #tpu.memory_space<vmem>> -> memref<1x128xi32, #tpu.memory_space<vmem>>
            %dma_wait3A_90 = tpu.memref_squeeze %dma_wait3A_89 : memref<1x128xi32, #tpu.memory_space<vmem>> -> memref<128xi32, #tpu.memory_space<vmem>>
            %dma_wait3A_91 = arith.constant 0 : i32
            %dma_wait3A_92 = arith.constant 0 : i32
            %dma_wait3A_93 = tpu.memref_slice %arg12[%dma_wait3A_91, %dma_wait3A_92] : memref<10240x128xf32, #tpu.memory_space<vmem_shared>> -> memref<10240x128xf32, #tpu.memory_space<vmem_shared>>
            tpu.wait_indirect_dma semaphore(%run_scoped3A : memref<!tpu.dma_semaphore, #tpu.memory_space<semaphore_mem>>) src(%arg11 : memref<128x128xf32, #tpu.memory_space<vmem>>) dst(%dma_wait3A_93 : memref<10240x128xf32, #tpu.memory_space<vmem_shared>>)
            tpu.yield
          }) : () -> ()
        }
        %scan3A_53 = arith.constant 20 : i32
      }
      %while3A_34 = arith.constant 1 : i32
      scf.for %while3A_39 = %while3A_32 to %while3A_28 step %while3A_34  : i32 {
        %mul3A_40 = arith.constant 40 : i32
        %mul3A_41 = arith.muli %while3A_39, %mul3A_40 : i32
        %add3A = arith.addi %select_n3A, %mul3A_41 : i32
        "tpu.region"() ({
          %run_scoped3A = tpu.sem_alloc : memref<!tpu.dma_semaphore, #tpu.memory_space<semaphore_mem>>
          %dma_start3A_54 = arith.constant 0 : i32
          %dma_start3A_55 = tpu.memref_slice %arg4[%arg1, %add3A, %dma_start3A_54] : memref<16x160x128xi32, #tpu.memory_space<hbm>> -> memref<1x40x128xi32, #tpu.memory_space<hbm>>
          %dma_start3A_56 = tpu.memref_squeeze %dma_start3A_55 : memref<1x40x128xi32, #tpu.memory_space<hbm>> -> memref<40x128xi32, #tpu.memory_space<hbm>>
          %dma_start3A_57 = arith.constant 0 : i32
          %dma_start3A_58 = tpu.memref_slice %arg4[%arg1, %add3A, %dma_start3A_57] : memref<16x160x128xi32, #tpu.memory_space<hbm>> -> memref<1x40x128xi32, #tpu.memory_space<hbm>>
          %dma_start3A_59 = tpu.memref_squeeze %dma_start3A_58 : memref<1x40x128xi32, #tpu.memory_space<hbm>> -> memref<40x128xi32, #tpu.memory_space<hbm>>
          tpu.enqueue_dma source(%dma_start3A_59 : memref<40x128xi32, #tpu.memory_space<hbm>>) target(%arg8 : memref<40x128xi32, #tpu.memory_space<vmem>>) target_semaphore(%run_scoped3A : memref<!tpu.dma_semaphore, #tpu.memory_space<semaphore_mem>>)
          %dma_wait3A = arith.constant 0 : i32
          %dma_wait3A_60 = tpu.memref_slice %arg4[%arg1, %add3A, %dma_wait3A] : memref<16x160x128xi32, #tpu.memory_space<hbm>> -> memref<1x40x128xi32, #tpu.memory_space<hbm>>
          %dma_wait3A_61 = tpu.memref_squeeze %dma_wait3A_60 : memref<1x40x128xi32, #tpu.memory_space<hbm>> -> memref<40x128xi32, #tpu.memory_space<hbm>>
          %dma_wait3A_62 = arith.constant 0 : i32
          %dma_wait3A_63 = tpu.memref_slice %arg4[%arg1, %add3A, %dma_wait3A_62] : memref<16x160x128xi32, #tpu.memory_space<hbm>> -> memref<1x40x128xi32, #tpu.memory_space<hbm>>
          %dma_wait3A_64 = tpu.memref_squeeze %dma_wait3A_63 : memref<1x40x128xi32, #tpu.memory_space<hbm>> -> memref<40x128xi32, #tpu.memory_space<hbm>>
          tpu.wait_dma2 semaphore(%run_scoped3A : memref<!tpu.dma_semaphore, #tpu.memory_space<semaphore_mem>>) src(%dma_wait3A_64 : memref<40x128xi32, #tpu.memory_space<hbm>>) dst(%arg8 : memref<40x128xi32, #tpu.memory_space<vmem>>)
          tpu.yield
        }) : () -> ()
        "tpu.region"() ({
          %run_scoped3A = tpu.sem_alloc : memref<!tpu.dma_semaphore, #tpu.memory_space<semaphore_mem>>
          %dma_start3A_54 = arith.constant 0 : i32
          %dma_start3A_55 = tpu.memref_slice %arg5[%arg1, %add3A, %dma_start3A_54] : memref<16x160x128xi32, #tpu.memory_space<hbm>> -> memref<1x40x128xi32, #tpu.memory_space<hbm>>
          %dma_start3A_56 = tpu.memref_squeeze %dma_start3A_55 : memref<1x40x128xi32, #tpu.memory_space<hbm>> -> memref<40x128xi32, #tpu.memory_space<hbm>>
          %dma_start3A_57 = arith.constant 0 : i32
          %dma_start3A_58 = tpu.memref_slice %arg5[%arg1, %add3A, %dma_start3A_57] : memref<16x160x128xi32, #tpu.memory_space<hbm>> -> memref<1x40x128xi32, #tpu.memory_space<hbm>>
          %dma_start3A_59 = tpu.memref_squeeze %dma_start3A_58 : memref<1x40x128xi32, #tpu.memory_space<hbm>> -> memref<40x128xi32, #tpu.memory_space<hbm>>
          tpu.enqueue_dma source(%dma_start3A_59 : memref<40x128xi32, #tpu.memory_space<hbm>>) target(%arg9 : memref<40x128xi32, #tpu.memory_space<vmem>>) target_semaphore(%run_scoped3A : memref<!tpu.dma_semaphore, #tpu.memory_space<semaphore_mem>>)
          %dma_wait3A = arith.constant 0 : i32
          %dma_wait3A_60 = tpu.memref_slice %arg5[%arg1, %add3A, %dma_wait3A] : memref<16x160x128xi32, #tpu.memory_space<hbm>> -> memref<1x40x128xi32, #tpu.memory_space<hbm>>
          %dma_wait3A_61 = tpu.memref_squeeze %dma_wait3A_60 : memref<1x40x128xi32, #tpu.memory_space<hbm>> -> memref<40x128xi32, #tpu.memory_space<hbm>>
          %dma_wait3A_62 = arith.constant 0 : i32
          %dma_wait3A_63 = tpu.memref_slice %arg5[%arg1, %add3A, %dma_wait3A_62] : memref<16x160x128xi32, #tpu.memory_space<hbm>> -> memref<1x40x128xi32, #tpu.memory_space<hbm>>
          %dma_wait3A_64 = tpu.memref_squeeze %dma_wait3A_63 : memref<1x40x128xi32, #tpu.memory_space<hbm>> -> memref<40x128xi32, #tpu.memory_space<hbm>>
          tpu.wait_dma2 semaphore(%run_scoped3A : memref<!tpu.dma_semaphore, #tpu.memory_space<semaphore_mem>>) src(%dma_wait3A_64 : memref<40x128xi32, #tpu.memory_space<hbm>>) dst(%arg9 : memref<40x128xi32, #tpu.memory_space<vmem>>)
          tpu.yield
        }) : () -> ()
        %dma_start3A = arith.constant 0 : i32
        %dma_start3A_42 = arith.constant 0 : i32
        %dma_start3A_43 = tpu.memref_slice %arg8[%dma_start3A, %dma_start3A_42] : memref<40x128xi32, #tpu.memory_space<vmem>> -> memref<1x128xi32, #tpu.memory_space<vmem>>
        %dma_start3A_44 = tpu.memref_squeeze %dma_start3A_43 : memref<1x128xi32, #tpu.memory_space<vmem>> -> memref<128xi32, #tpu.memory_space<vmem>>
        %dma_start3A_45 = arith.constant 0 : i32
        %dma_start3A_46 = arith.constant 0 : i32
        %dma_start3A_47 = tpu.memref_slice %arg3[%dma_start3A_45, %dma_start3A_46] : memref<10240x128xf32, #tpu.memory_space<hbm>> -> memref<10240x128xf32, #tpu.memory_space<hbm>>
        tpu.enqueue_indirect_dma source(%dma_start3A_47 : memref<10240x128xf32, #tpu.memory_space<hbm>>) target(%arg10 : memref<128x128xf32, #tpu.memory_space<vmem>>) offsets(%dma_start3A_44 : memref<128xi32, #tpu.memory_space<vmem>>) semaphore(%arg13 : memref<!tpu.dma_semaphore, #tpu.memory_space<semaphore_mem>>)
        %scan3A_48 = arith.constant 0 : i32
        %scan3A_49 = arith.constant 0 : i32
        %scan3A_50 = arith.constant 20 : i32
        %scan3A_51 = arith.addi %scan3A_49, %scan3A_50 : i32
        %scan3A_52 = arith.constant 1 : i32
        scf.for %scan3A_54 = %scan3A_49 to %scan3A_51 step %scan3A_52  : i32 {
          %mul3A_55 = arith.constant 2 : i32
          %mul3A_56 = arith.muli %mul3A_55, %scan3A_54 : i32
          %add3A_57 = arith.constant 1 : i32
          %add3A_58 = arith.addi %mul3A_56, %add3A_57 : i32
          %dma_start3A_59 = arith.constant 0 : i32
          %dma_start3A_60 = tpu.memref_slice %arg8[%add3A_58, %dma_start3A_59] : memref<40x128xi32, #tpu.memory_space<vmem>> -> memref<1x128xi32, #tpu.memory_space<vmem>>
          %dma_start3A_61 = tpu.memref_squeeze %dma_start3A_60 : memref<1x128xi32, #tpu.memory_space<vmem>> -> memref<128xi32, #tpu.memory_space<vmem>>
          %dma_start3A_62 = arith.constant 0 : i32
          %dma_start3A_63 = arith.constant 0 : i32
          %dma_start3A_64 = tpu.memref_slice %arg3[%dma_start3A_62, %dma_start3A_63] : memref<10240x128xf32, #tpu.memory_space<hbm>> -> memref<10240x128xf32, #tpu.memory_space<hbm>>
          tpu.enqueue_indirect_dma source(%dma_start3A_64 : memref<10240x128xf32, #tpu.memory_space<hbm>>) target(%arg11 : memref<128x128xf32, #tpu.memory_space<vmem>>) offsets(%dma_start3A_61 : memref<128xi32, #tpu.memory_space<vmem>>) semaphore(%arg14 : memref<!tpu.dma_semaphore, #tpu.memory_space<semaphore_mem>>)
          %dma_wait3A = arith.constant 0 : i32
          %dma_wait3A_65 = tpu.memref_slice %arg8[%mul3A_56, %dma_wait3A] : memref<40x128xi32, #tpu.memory_space<vmem>> -> memref<1x128xi32, #tpu.memory_space<vmem>>
          %dma_wait3A_66 = tpu.memref_squeeze %dma_wait3A_65 : memref<1x128xi32, #tpu.memory_space<vmem>> -> memref<128xi32, #tpu.memory_space<vmem>>
          %dma_wait3A_67 = arith.constant 0 : i32
          %dma_wait3A_68 = arith.constant 0 : i32
          %dma_wait3A_69 = tpu.memref_slice %arg3[%dma_wait3A_67, %dma_wait3A_68] : memref<10240x128xf32, #tpu.memory_space<hbm>> -> memref<10240x128xf32, #tpu.memory_space<hbm>>
          tpu.wait_indirect_dma semaphore(%arg13 : memref<!tpu.dma_semaphore, #tpu.memory_space<semaphore_mem>>) src(%dma_wait3A_69 : memref<10240x128xf32, #tpu.memory_space<hbm>>) dst(%arg10 : memref<128x128xf32, #tpu.memory_space<vmem>>)
          "tpu.region"() ({
            %run_scoped3A = tpu.sem_alloc : memref<!tpu.dma_semaphore, #tpu.memory_space<semaphore_mem>>
            %dma_start3A_82 = arith.constant 0 : i32
            %dma_start3A_83 = tpu.memref_slice %arg9[%mul3A_56, %dma_start3A_82] : memref<40x128xi32, #tpu.memory_space<vmem>> -> memref<1x128xi32, #tpu.memory_space<vmem>>
            %dma_start3A_84 = tpu.memref_squeeze %dma_start3A_83 : memref<1x128xi32, #tpu.memory_space<vmem>> -> memref<128xi32, #tpu.memory_space<vmem>>
            %dma_start3A_85 = arith.constant 0 : i32
            %dma_start3A_86 = arith.constant 0 : i32
            %dma_start3A_87 = tpu.memref_slice %arg12[%dma_start3A_85, %dma_start3A_86] : memref<10240x128xf32, #tpu.memory_space<vmem_shared>> -> memref<10240x128xf32, #tpu.memory_space<vmem_shared>>
            tpu.enqueue_indirect_dma source(%arg10 : memref<128x128xf32, #tpu.memory_space<vmem>>) target(%dma_start3A_87 : memref<10240x128xf32, #tpu.memory_space<vmem_shared>>) offsets(%dma_start3A_84 : memref<128xi32, #tpu.memory_space<vmem>>) semaphore(%run_scoped3A : memref<!tpu.dma_semaphore, #tpu.memory_space<semaphore_mem>>) {add = true}
            %dma_wait3A_88 = arith.constant 0 : i32
            %dma_wait3A_89 = tpu.memref_slice %arg9[%mul3A_56, %dma_wait3A_88] : memref<40x128xi32, #tpu.memory_space<vmem>> -> memref<1x128xi32, #tpu.memory_space<vmem>>
            %dma_wait3A_90 = tpu.memref_squeeze %dma_wait3A_89 : memref<1x128xi32, #tpu.memory_space<vmem>> -> memref<128xi32, #tpu.memory_space<vmem>>
            %dma_wait3A_91 = arith.constant 0 : i32
            %dma_wait3A_92 = arith.constant 0 : i32
            %dma_wait3A_93 = tpu.memref_slice %arg12[%dma_wait3A_91, %dma_wait3A_92] : memref<10240x128xf32, #tpu.memory_space<vmem_shared>> -> memref<10240x128xf32, #tpu.memory_space<vmem_shared>>
            tpu.wait_indirect_dma semaphore(%run_scoped3A : memref<!tpu.dma_semaphore, #tpu.memory_space<semaphore_mem>>) src(%arg10 : memref<128x128xf32, #tpu.memory_space<vmem>>) dst(%dma_wait3A_93 : memref<10240x128xf32, #tpu.memory_space<vmem_shared>>)
            tpu.yield
          }) : () -> ()
          %lt3A = arith.constant 19 : i32
          %lt3A_70 = arith.cmpi slt, %scan3A_54, %lt3A : i32
          %convert_element_type3A_71 = arith.extui %lt3A_70 : i1 to i32
          %cond3A_72 = arith.constant 0 : i32
          %cond3A_73 = arith.cmpi ne, %convert_element_type3A_71, %cond3A_72 : i32
          scf.if %cond3A_73 {
            %add3A_82 = arith.constant 2 : i32
            %add3A_83 = arith.addi %mul3A_56, %add3A_82 : i32
            %dma_start3A_84 = arith.constant 0 : i32
            %dma_start3A_85 = tpu.memref_slice %arg8[%add3A_83, %dma_start3A_84] : memref<40x128xi32, #tpu.memory_space<vmem>> -> memref<1x128xi32, #tpu.memory_space<vmem>>
            %dma_start3A_86 = tpu.memref_squeeze %dma_start3A_85 : memref<1x128xi32, #tpu.memory_space<vmem>> -> memref<128xi32, #tpu.memory_space<vmem>>
            %dma_start3A_87 = arith.constant 0 : i32
            %dma_start3A_88 = arith.constant 0 : i32
            %dma_start3A_89 = tpu.memref_slice %arg3[%dma_start3A_87, %dma_start3A_88] : memref<10240x128xf32, #tpu.memory_space<hbm>> -> memref<10240x128xf32, #tpu.memory_space<hbm>>
            tpu.enqueue_indirect_dma source(%dma_start3A_89 : memref<10240x128xf32, #tpu.memory_space<hbm>>) target(%arg10 : memref<128x128xf32, #tpu.memory_space<vmem>>) offsets(%dma_start3A_86 : memref<128xi32, #tpu.memory_space<vmem>>) semaphore(%arg13 : memref<!tpu.dma_semaphore, #tpu.memory_space<semaphore_mem>>)
          } else {
          }
          %dma_wait3A_74 = arith.constant 0 : i32
          %dma_wait3A_75 = tpu.memref_slice %arg8[%add3A_58, %dma_wait3A_74] : memref<40x128xi32, #tpu.memory_space<vmem>> -> memref<1x128xi32, #tpu.memory_space<vmem>>
          %dma_wait3A_76 = tpu.memref_squeeze %dma_wait3A_75 : memref<1x128xi32, #tpu.memory_space<vmem>> -> memref<128xi32, #tpu.memory_space<vmem>>
          %dma_wait3A_77 = arith.constant 0 : i32
          %dma_wait3A_78 = arith.constant 0 : i32
          %dma_wait3A_79 = tpu.memref_slice %arg3[%dma_wait3A_77, %dma_wait3A_78] : memref<10240x128xf32, #tpu.memory_space<hbm>> -> memref<10240x128xf32, #tpu.memory_space<hbm>>
          tpu.wait_indirect_dma semaphore(%arg14 : memref<!tpu.dma_semaphore, #tpu.memory_space<semaphore_mem>>) src(%dma_wait3A_79 : memref<10240x128xf32, #tpu.memory_space<hbm>>) dst(%arg11 : memref<128x128xf32, #tpu.memory_space<vmem>>)
          %add3A_80 = arith.constant 1 : i32
          %add3A_81 = arith.addi %mul3A_56, %add3A_80 : i32
          "tpu.region"() ({
            %run_scoped3A = tpu.sem_alloc : memref<!tpu.dma_semaphore, #tpu.memory_space<semaphore_mem>>
            %dma_start3A_82 = arith.constant 0 : i32
            %dma_start3A_83 = tpu.memref_slice %arg9[%add3A_81, %dma_start3A_82] : memref<40x128xi32, #tpu.memory_space<vmem>> -> memref<1x128xi32, #tpu.memory_space<vmem>>
            %dma_start3A_84 = tpu.memref_squeeze %dma_start3A_83 : memref<1x128xi32, #tpu.memory_space<vmem>> -> memref<128xi32, #tpu.memory_space<vmem>>
            %dma_start3A_85 = arith.constant 0 : i32
            %dma_start3A_86 = arith.constant 0 : i32
            %dma_start3A_87 = tpu.memref_slice %arg12[%dma_start3A_85, %dma_start3A_86] : memref<10240x128xf32, #tpu.memory_space<vmem_shared>> -> memref<10240x128xf32, #tpu.memory_space<vmem_shared>>
            tpu.enqueue_indirect_dma source(%arg11 : memref<128x128xf32, #tpu.memory_space<vmem>>) target(%dma_start3A_87 : memref<10240x128xf32, #tpu.memory_space<vmem_shared>>) offsets(%dma_start3A_84 : memref<128xi32, #tpu.memory_space<vmem>>) semaphore(%run_scoped3A : memref<!tpu.dma_semaphore, #tpu.memory_space<semaphore_mem>>) {add = true}
            %dma_wait3A_88 = arith.constant 0 : i32
            %dma_wait3A_89 = tpu.memref_slice %arg9[%add3A_81, %dma_wait3A_88] : memref<40x128xi32, #tpu.memory_space<vmem>> -> memref<1x128xi32, #tpu.memory_space<vmem>>
            %dma_wait3A_90 = tpu.memref_squeeze %dma_wait3A_89 : memref<1x128xi32, #tpu.memory_space<vmem>> -> memref<128xi32, #tpu.memory_space<vmem>>
            %dma_wait3A_91 = arith.constant 0 : i32
            %dma_wait3A_92 = arith.constant 0 : i32
            %dma_wait3A_93 = tpu.memref_slice %arg12[%dma_wait3A_91, %dma_wait3A_92] : memref<10240x128xf32, #tpu.memory_space<vmem_shared>> -> memref<10240x128xf32, #tpu.memory_space<vmem_shared>>
            tpu.wait_indirect_dma semaphore(%run_scoped3A : memref<!tpu.dma_semaphore, #tpu.memory_space<semaphore_mem>>) src(%arg11 : memref<128x128xf32, #tpu.memory_space<vmem>>) dst(%dma_wait3A_93 : memref<10240x128xf32, #tpu.memory_space<vmem_shared>>)
            tpu.yield
          }) : () -> ()
        }
        %scan3A_53 = arith.constant 20 : i32
      }
      %barrier3A_35 = arith.constant 0 : index
      tpu.barrier barrier_id(%barrier3A_35)
      %mul3A = arith.constant 640 : i32
      %mul3A_36 = arith.muli %arg1, %mul3A : i32
      %mul3A_37 = arith.constant 640 : i32
      %mul3A_38 = arith.muli %arg1, %mul3A_37 : i32
      "tpu.region"() ({
        %run_scoped3A = tpu.sem_alloc : memref<!tpu.dma_semaphore, #tpu.memory_space<semaphore_mem>>
        %dma_start3A = arith.constant 0 : i32
        %dma_start3A_39 = tpu.memref_slice %arg7[%mul3A_38, %dma_start3A] : memref<10240x128xf32, #tpu.memory_space<hbm>> -> memref<640x128xf32, #tpu.memory_space<hbm>>
        %dma_start3A_40 = arith.constant 0 : i32
        %dma_start3A_41 = tpu.memref_slice %arg12[%mul3A_36, %dma_start3A_40] : memref<10240x128xf32, #tpu.memory_space<vmem_shared>> -> memref<640x128xf32, #tpu.memory_space<vmem_shared>>
        tpu.enqueue_dma source(%dma_start3A_41 : memref<640x128xf32, #tpu.memory_space<vmem_shared>>) target(%dma_start3A_39 : memref<640x128xf32, #tpu.memory_space<hbm>>) target_semaphore(%run_scoped3A : memref<!tpu.dma_semaphore, #tpu.memory_space<semaphore_mem>>)
        %dma_wait3A = arith.constant 0 : i32
        %dma_wait3A_42 = tpu.memref_slice %arg7[%mul3A_38, %dma_wait3A] : memref<10240x128xf32, #tpu.memory_space<hbm>> -> memref<640x128xf32, #tpu.memory_space<hbm>>
        %dma_wait3A_43 = arith.constant 0 : i32
        %dma_wait3A_44 = tpu.memref_slice %arg12[%mul3A_36, %dma_wait3A_43] : memref<10240x128xf32, #tpu.memory_space<vmem_shared>> -> memref<640x128xf32, #tpu.memory_space<vmem_shared>>
        tpu.wait_dma2 semaphore(%run_scoped3A : memref<!tpu.dma_semaphore, #tpu.memory_space<semaphore_mem>>) src(%dma_wait3A_44 : memref<640x128xf32, #tpu.memory_space<vmem_shared>>) dst(%dma_wait3A_42 : memref<640x128xf32, #tpu.memory_space<hbm>>)
        tpu.yield
      }) : () -> ()
    } else {
    }
    return
  }
}

#map = affine_map<(d0, d1) -> (0, 0)>
#map1 = affine_map<(d0, d1) -> (0, 0, 0)>
module attributes {stable_mosaic.version = 14 : i64} {
  func.func @_scat_body(%arg0: i32, %arg1: i32, %arg2: memref<10240x128xf32, #tpu.memory_space<hbm>>, %arg3: memref<10240x128xf32, #tpu.memory_space<hbm>>, %arg4: memref<16x160x128xi32, #tpu.memory_space<hbm>>, %arg5: memref<16x160x128xi32, #tpu.memory_space<hbm>>, %arg6: memref<10240x128xf32, #tpu.memory_space<hbm>>, %arg7: memref<10240x128xf32, #tpu.memory_space<hbm>>, %arg8: memref<40x128xi32, #tpu.memory_space<vmem>>, %arg9: memref<40x128xi32, #tpu.memory_space<vmem>>, %arg10: memref<128x128xf32, #tpu.memory_space<vmem>>, %arg11: memref<128x128xf32, #tpu.memory_space<vmem>>, %arg12: memref<10240x128xf32, #tpu.memory_space<vmem_shared>>, %arg13: memref<!tpu.dma_semaphore, #tpu.memory_space<semaphore_mem>>, %arg14: memref<!tpu.dma_semaphore, #tpu.memory_space<semaphore_mem>>) attributes {dimension_semantics = [#tpu.dimension_semantics<core_parallel>, #tpu.dimension_semantics<subcore_parallel>], iteration_bounds = array<i64: 2, 16>, scalar_prefetch = 0 : i64, scratch_operands = 7 : i64, tpu.core_type = #tpu.core_type<sc_vector_subcore>, window_params = [{transform_indices = #map}, {transform_indices = #map}, {transform_indices = #map1}, {transform_indices = #map1}, {transform_indices = #map}, {transform_indices = #map}]} {
    %scan3A = arith.constant 0 : i32
    %scan3A_0 = arith.constant 0 : i32
    %scan3A_1 = arith.constant 1024 : i32
    %scan3A_2 = arith.addi %scan3A_0, %scan3A_1 : i32
    %scan3A_3 = arith.constant 1 : i32
    scf.for %scan3A_18 = %scan3A_0 to %scan3A_2 step %scan3A_3  : i32 {
      %jit3A = arith.constant 8 : i32
      %div3A = arith.divsi %scan3A_18, %jit3A : i32
      %sign3A = arith.constant 0 : i32
      %sign3A_19 = arith.cmpi sgt, %scan3A_18, %sign3A : i32
      %sign3A_20 = arith.extui %sign3A_19 : i1 to i32
      %sign3A_21 = arith.constant 0 : i32
      %sign3A_22 = arith.cmpi slt, %scan3A_18, %sign3A_21 : i32
      %sign3A_23 = arith.extui %sign3A_22 : i1 to i32
      %sign3A_24 = arith.subi %sign3A_20, %sign3A_23 : i32
      %sign3A_25 = arith.constant 0 : i32
      %sign3A_26 = arith.cmpi sgt, %jit3A, %sign3A_25 : i32
      %sign3A_27 = arith.extui %sign3A_26 : i1 to i32
      %sign3A_28 = arith.constant 0 : i32
      %sign3A_29 = arith.cmpi slt, %jit3A, %sign3A_28 : i32
      %sign3A_30 = arith.extui %sign3A_29 : i1 to i32
      %sign3A_31 = arith.subi %sign3A_27, %sign3A_30 : i32
      %ne3A = arith.cmpi ne, %sign3A_24, %sign3A_31 : i32
      %rem3A = arith.remsi %scan3A_18, %jit3A : i32
      %ne3A_32 = arith.constant 0 : i32
      %ne3A_33 = arith.cmpi ne, %rem3A, %ne3A_32 : i32
      %and3A = arith.andi %ne3A, %ne3A_33 : i1
      %sub3A = arith.constant 1 : i32
      %sub3A_34 = arith.subi %div3A, %sub3A : i32
      %select_n3A = arith.select %and3A, %sub3A_34, %div3A : i32
      %mul3A = arith.constant 8 : i32
      %mul3A_35 = arith.muli %select_n3A, %mul3A : i32
      %sub3A_36 = arith.subi %scan3A_18, %mul3A_35 : i32
      %broadcast_in_dim3A = arith.constant 0.000000e+00 : f32
      %broadcast_in_dim3A_37 = vector.broadcast %broadcast_in_dim3A : f32 to vector<16xf32>
      %mul3A_38 = arith.constant 16 : i32
      %mul3A_39 = arith.muli %sub3A_36, %mul3A_38 : i32
      %swap3A = arith.index_cast %select_n3A : i32 to index
      %swap3A_40 = arith.index_cast %mul3A_39 : i32 to index
      %swap3A_41 = tpu.vector_load %arg10[%swap3A, %swap3A_40] {strides = array<i32>} : memref<128x128xf32, #tpu.memory_space<vmem>>, vector<16xf32>,
      tpu.vector_store %arg10[%swap3A, %swap3A_40], %broadcast_in_dim3A_37 {strides = array<i32>} : memref<128x128xf32, #tpu.memory_space<vmem>>, vector<16xf32>,
    }
    %scan3A_4 = arith.constant 1024 : i32
    %scan3A_5 = arith.constant 0 : i32
    %scan3A_6 = arith.constant 0 : i32
    %scan3A_7 = arith.constant 5 : i32
    %scan3A_8 = arith.addi %scan3A_6, %scan3A_7 : i32
    %scan3A_9 = arith.constant 1 : i32
    scf.for %scan3A_18 = %scan3A_6 to %scan3A_8 step %scan3A_9  : i32 {
      %mul3A = arith.constant 640 : i32
      %mul3A_19 = arith.muli %arg1, %mul3A : i32
      %mul3A_20 = arith.constant 128 : i32
      %mul3A_21 = arith.muli %scan3A_18, %mul3A_20 : i32
      %add3A = arith.addi %mul3A_19, %mul3A_21 : i32
      "tpu.region"() ({
        %run_scoped3A = tpu.sem_alloc : memref<!tpu.dma_semaphore, #tpu.memory_space<semaphore_mem>>
        %dma_start3A = arith.constant 0 : i32
        %dma_start3A_22 = tpu.memref_slice %arg12[%add3A, %dma_start3A] : memref<10240x128xf32, #tpu.memory_space<vmem_shared>> -> memref<128x128xf32, #tpu.memory_space<vmem_shared>>
        %dma_start3A_23 = arith.constant 0 : i32
        %dma_start3A_24 = tpu.memref_slice %arg12[%add3A, %dma_start3A_23] : memref<10240x128xf32, #tpu.memory_space<vmem_shared>> -> memref<128x128xf32, #tpu.memory_space<vmem_shared>>
        tpu.enqueue_dma source(%arg10 : memref<128x128xf32, #tpu.memory_space<vmem>>) target(%dma_start3A_24 : memref<128x128xf32, #tpu.memory_space<vmem_shared>>) target_semaphore(%run_scoped3A : memref<!tpu.dma_semaphore, #tpu.memory_space<semaphore_mem>>)
        %dma_wait3A = arith.constant 0 : i32
        %dma_wait3A_25 = tpu.memref_slice %arg12[%add3A, %dma_wait3A] : memref<10240x128xf32, #tpu.memory_space<vmem_shared>> -> memref<128x128xf32, #tpu.memory_space<vmem_shared>>
        %dma_wait3A_26 = arith.constant 0 : i32
        %dma_wait3A_27 = tpu.memref_slice %arg12[%add3A, %dma_wait3A_26] : memref<10240x128xf32, #tpu.memory_space<vmem_shared>> -> memref<128x128xf32, #tpu.memory_space<vmem_shared>>
        tpu.wait_dma2 semaphore(%run_scoped3A : memref<!tpu.dma_semaphore, #tpu.memory_space<semaphore_mem>>) src(%arg10 : memref<128x128xf32, #tpu.memory_space<vmem>>) dst(%dma_wait3A_27 : memref<128x128xf32, #tpu.memory_space<vmem_shared>>)
        tpu.yield
      }) : () -> ()
    }
    %scan3A_10 = arith.constant 5 : i32
    %barrier3A = arith.constant 0 : index
    tpu.barrier barrier_id(%barrier3A)
    %eq3A = arith.constant 0 : i32
    %eq3A_11 = arith.cmpi eq, %arg0, %eq3A : i32
    %convert_element_type3A = arith.extui %eq3A_11 : i1 to i32
    %cond3A = arith.constant 0 : i32
    %cond3A_12 = arith.cmpi ne, %convert_element_type3A, %cond3A : i32
    scf.if %cond3A_12 {
      %scan3A_18 = arith.constant 0 : i32
      %scan3A_19 = arith.constant 0 : i32
      %scan3A_20 = arith.constant 4 : i32
      %scan3A_21 = arith.addi %scan3A_19, %scan3A_20 : i32
      %scan3A_22 = arith.constant 1 : i32
      scf.for %scan3A_28 = %scan3A_19 to %scan3A_21 step %scan3A_22  : i32 {
        %mul3A_29 = arith.constant 40 : i32
        %mul3A_30 = arith.muli %scan3A_28, %mul3A_29 : i32
        %add3A = arith.constant 0 : i32
        %add3A_31 = arith.addi %add3A, %mul3A_30 : i32
        "tpu.region"() ({
          %run_scoped3A = tpu.sem_alloc : memref<!tpu.dma_semaphore, #tpu.memory_space<semaphore_mem>>
          %dma_start3A_44 = arith.constant 0 : i32
          %dma_start3A_45 = tpu.memref_slice %arg4[%arg1, %add3A_31, %dma_start3A_44] : memref<16x160x128xi32, #tpu.memory_space<hbm>> -> memref<1x40x128xi32, #tpu.memory_space<hbm>>
          %dma_start3A_46 = tpu.memref_squeeze %dma_start3A_45 : memref<1x40x128xi32, #tpu.memory_space<hbm>> -> memref<40x128xi32, #tpu.memory_space<hbm>>
          %dma_start3A_47 = arith.constant 0 : i32
          %dma_start3A_48 = tpu.memref_slice %arg4[%arg1, %add3A_31, %dma_start3A_47] : memref<16x160x128xi32, #tpu.memory_space<hbm>> -> memref<1x40x128xi32, #tpu.memory_space<hbm>>
          %dma_start3A_49 = tpu.memref_squeeze %dma_start3A_48 : memref<1x40x128xi32, #tpu.memory_space<hbm>> -> memref<40x128xi32, #tpu.memory_space<hbm>>
          tpu.enqueue_dma source(%dma_start3A_49 : memref<40x128xi32, #tpu.memory_space<hbm>>) target(%arg8 : memref<40x128xi32, #tpu.memory_space<vmem>>) target_semaphore(%run_scoped3A : memref<!tpu.dma_semaphore, #tpu.memory_space<semaphore_mem>>)
          %dma_wait3A = arith.constant 0 : i32
          %dma_wait3A_50 = tpu.memref_slice %arg4[%arg1, %add3A_31, %dma_wait3A] : memref<16x160x128xi32, #tpu.memory_space<hbm>> -> memref<1x40x128xi32, #tpu.memory_space<hbm>>
          %dma_wait3A_51 = tpu.memref_squeeze %dma_wait3A_50 : memref<1x40x128xi32, #tpu.memory_space<hbm>> -> memref<40x128xi32, #tpu.memory_space<hbm>>
          %dma_wait3A_52 = arith.constant 0 : i32
          %dma_wait3A_53 = tpu.memref_slice %arg4[%arg1, %add3A_31, %dma_wait3A_52] : memref<16x160x128xi32, #tpu.memory_space<hbm>> -> memref<1x40x128xi32, #tpu.memory_space<hbm>>
          %dma_wait3A_54 = tpu.memref_squeeze %dma_wait3A_53 : memref<1x40x128xi32, #tpu.memory_space<hbm>> -> memref<40x128xi32, #tpu.memory_space<hbm>>
          tpu.wait_dma2 semaphore(%run_scoped3A : memref<!tpu.dma_semaphore, #tpu.memory_space<semaphore_mem>>) src(%dma_wait3A_54 : memref<40x128xi32, #tpu.memory_space<hbm>>) dst(%arg8 : memref<40x128xi32, #tpu.memory_space<vmem>>)
          tpu.yield
        }) : () -> ()
        "tpu.region"() ({
          %run_scoped3A = tpu.sem_alloc : memref<!tpu.dma_semaphore, #tpu.memory_space<semaphore_mem>>
          %dma_start3A_44 = arith.constant 0 : i32
          %dma_start3A_45 = tpu.memref_slice %arg5[%arg1, %add3A_31, %dma_start3A_44] : memref<16x160x128xi32, #tpu.memory_space<hbm>> -> memref<1x40x128xi32, #tpu.memory_space<hbm>>
          %dma_start3A_46 = tpu.memref_squeeze %dma_start3A_45 : memref<1x40x128xi32, #tpu.memory_space<hbm>> -> memref<40x128xi32, #tpu.memory_space<hbm>>
          %dma_start3A_47 = arith.constant 0 : i32
          %dma_start3A_48 = tpu.memref_slice %arg5[%arg1, %add3A_31, %dma_start3A_47] : memref<16x160x128xi32, #tpu.memory_space<hbm>> -> memref<1x40x128xi32, #tpu.memory_space<hbm>>
          %dma_start3A_49 = tpu.memref_squeeze %dma_start3A_48 : memref<1x40x128xi32, #tpu.memory_space<hbm>> -> memref<40x128xi32, #tpu.memory_space<hbm>>
          tpu.enqueue_dma source(%dma_start3A_49 : memref<40x128xi32, #tpu.memory_space<hbm>>) target(%arg9 : memref<40x128xi32, #tpu.memory_space<vmem>>) target_semaphore(%run_scoped3A : memref<!tpu.dma_semaphore, #tpu.memory_space<semaphore_mem>>)
          %dma_wait3A = arith.constant 0 : i32
          %dma_wait3A_50 = tpu.memref_slice %arg5[%arg1, %add3A_31, %dma_wait3A] : memref<16x160x128xi32, #tpu.memory_space<hbm>> -> memref<1x40x128xi32, #tpu.memory_space<hbm>>
          %dma_wait3A_51 = tpu.memref_squeeze %dma_wait3A_50 : memref<1x40x128xi32, #tpu.memory_space<hbm>> -> memref<40x128xi32, #tpu.memory_space<hbm>>
          %dma_wait3A_52 = arith.constant 0 : i32
          %dma_wait3A_53 = tpu.memref_slice %arg5[%arg1, %add3A_31, %dma_wait3A_52] : memref<16x160x128xi32, #tpu.memory_space<hbm>> -> memref<1x40x128xi32, #tpu.memory_space<hbm>>
          %dma_wait3A_54 = tpu.memref_squeeze %dma_wait3A_53 : memref<1x40x128xi32, #tpu.memory_space<hbm>> -> memref<40x128xi32, #tpu.memory_space<hbm>>
          tpu.wait_dma2 semaphore(%run_scoped3A : memref<!tpu.dma_semaphore, #tpu.memory_space<semaphore_mem>>) src(%dma_wait3A_54 : memref<40x128xi32, #tpu.memory_space<hbm>>) dst(%arg9 : memref<40x128xi32, #tpu.memory_space<vmem>>)
          tpu.yield
        }) : () -> ()
        %dma_start3A = arith.constant 0 : i32
        %dma_start3A_32 = arith.constant 0 : i32
        %dma_start3A_33 = tpu.memref_slice %arg8[%dma_start3A, %dma_start3A_32] : memref<40x128xi32, #tpu.memory_space<vmem>> -> memref<1x128xi32, #tpu.memory_space<vmem>>
        %dma_start3A_34 = tpu.memref_squeeze %dma_start3A_33 : memref<1x128xi32, #tpu.memory_space<vmem>> -> memref<128xi32, #tpu.memory_space<vmem>>
        %dma_start3A_35 = arith.constant 0 : i32
        %dma_start3A_36 = arith.constant 0 : i32
        %dma_start3A_37 = tpu.memref_slice %arg2[%dma_start3A_35, %dma_start3A_36] : memref<10240x128xf32, #tpu.memory_space<hbm>> -> memref<10240x128xf32, #tpu.memory_space<hbm>>
        tpu.enqueue_indirect_dma source(%dma_start3A_37 : memref<10240x128xf32, #tpu.memory_space<hbm>>) target(%arg10 : memref<128x128xf32, #tpu.memory_space<vmem>>) offsets(%dma_start3A_34 : memref<128xi32, #tpu.memory_space<vmem>>) semaphore(%arg13 : memref<!tpu.dma_semaphore, #tpu.memory_space<semaphore_mem>>)
        %scan3A_38 = arith.constant 0 : i32
        %scan3A_39 = arith.constant 0 : i32
        %scan3A_40 = arith.constant 20 : i32
        %scan3A_41 = arith.addi %scan3A_39, %scan3A_40 : i32
        %scan3A_42 = arith.constant 1 : i32
        scf.for %scan3A_44 = %scan3A_39 to %scan3A_41 step %scan3A_42  : i32 {
          %mul3A_45 = arith.constant 2 : i32
          %mul3A_46 = arith.muli %mul3A_45, %scan3A_44 : i32
          %add3A_47 = arith.constant 1 : i32
          %add3A_48 = arith.addi %mul3A_46, %add3A_47 : i32
          %dma_start3A_49 = arith.constant 0 : i32
          %dma_start3A_50 = tpu.memref_slice %arg8[%add3A_48, %dma_start3A_49] : memref<40x128xi32, #tpu.memory_space<vmem>> -> memref<1x128xi32, #tpu.memory_space<vmem>>
          %dma_start3A_51 = tpu.memref_squeeze %dma_start3A_50 : memref<1x128xi32, #tpu.memory_space<vmem>> -> memref<128xi32, #tpu.memory_space<vmem>>
          %dma_start3A_52 = arith.constant 0 : i32
          %dma_start3A_53 = arith.constant 0 : i32
          %dma_start3A_54 = tpu.memref_slice %arg2[%dma_start3A_52, %dma_start3A_53] : memref<10240x128xf32, #tpu.memory_space<hbm>> -> memref<10240x128xf32, #tpu.memory_space<hbm>>
          tpu.enqueue_indirect_dma source(%dma_start3A_54 : memref<10240x128xf32, #tpu.memory_space<hbm>>) target(%arg11 : memref<128x128xf32, #tpu.memory_space<vmem>>) offsets(%dma_start3A_51 : memref<128xi32, #tpu.memory_space<vmem>>) semaphore(%arg14 : memref<!tpu.dma_semaphore, #tpu.memory_space<semaphore_mem>>)
          %dma_wait3A = arith.constant 0 : i32
          %dma_wait3A_55 = tpu.memref_slice %arg8[%mul3A_46, %dma_wait3A] : memref<40x128xi32, #tpu.memory_space<vmem>> -> memref<1x128xi32, #tpu.memory_space<vmem>>
          %dma_wait3A_56 = tpu.memref_squeeze %dma_wait3A_55 : memref<1x128xi32, #tpu.memory_space<vmem>> -> memref<128xi32, #tpu.memory_space<vmem>>
          %dma_wait3A_57 = arith.constant 0 : i32
          %dma_wait3A_58 = arith.constant 0 : i32
          %dma_wait3A_59 = tpu.memref_slice %arg2[%dma_wait3A_57, %dma_wait3A_58] : memref<10240x128xf32, #tpu.memory_space<hbm>> -> memref<10240x128xf32, #tpu.memory_space<hbm>>
          tpu.wait_indirect_dma semaphore(%arg13 : memref<!tpu.dma_semaphore, #tpu.memory_space<semaphore_mem>>) src(%dma_wait3A_59 : memref<10240x128xf32, #tpu.memory_space<hbm>>) dst(%arg10 : memref<128x128xf32, #tpu.memory_space<vmem>>)
          "tpu.region"() ({
            %run_scoped3A = tpu.sem_alloc : memref<!tpu.dma_semaphore, #tpu.memory_space<semaphore_mem>>
            %dma_start3A_72 = arith.constant 0 : i32
            %dma_start3A_73 = tpu.memref_slice %arg9[%mul3A_46, %dma_start3A_72] : memref<40x128xi32, #tpu.memory_space<vmem>> -> memref<1x128xi32, #tpu.memory_space<vmem>>
            %dma_start3A_74 = tpu.memref_squeeze %dma_start3A_73 : memref<1x128xi32, #tpu.memory_space<vmem>> -> memref<128xi32, #tpu.memory_space<vmem>>
            %dma_start3A_75 = arith.constant 0 : i32
            %dma_start3A_76 = arith.constant 0 : i32
            %dma_start3A_77 = tpu.memref_slice %arg12[%dma_start3A_75, %dma_start3A_76] : memref<10240x128xf32, #tpu.memory_space<vmem_shared>> -> memref<10240x128xf32, #tpu.memory_space<vmem_shared>>
            tpu.enqueue_indirect_dma source(%arg10 : memref<128x128xf32, #tpu.memory_space<vmem>>) target(%dma_start3A_77 : memref<10240x128xf32, #tpu.memory_space<vmem_shared>>) offsets(%dma_start3A_74 : memref<128xi32, #tpu.memory_space<vmem>>) semaphore(%run_scoped3A : memref<!tpu.dma_semaphore, #tpu.memory_space<semaphore_mem>>) {add = true}
            %dma_wait3A_78 = arith.constant 0 : i32
            %dma_wait3A_79 = tpu.memref_slice %arg9[%mul3A_46, %dma_wait3A_78] : memref<40x128xi32, #tpu.memory_space<vmem>> -> memref<1x128xi32, #tpu.memory_space<vmem>>
            %dma_wait3A_80 = tpu.memref_squeeze %dma_wait3A_79 : memref<1x128xi32, #tpu.memory_space<vmem>> -> memref<128xi32, #tpu.memory_space<vmem>>
            %dma_wait3A_81 = arith.constant 0 : i32
            %dma_wait3A_82 = arith.constant 0 : i32
            %dma_wait3A_83 = tpu.memref_slice %arg12[%dma_wait3A_81, %dma_wait3A_82] : memref<10240x128xf32, #tpu.memory_space<vmem_shared>> -> memref<10240x128xf32, #tpu.memory_space<vmem_shared>>
            tpu.wait_indirect_dma semaphore(%run_scoped3A : memref<!tpu.dma_semaphore, #tpu.memory_space<semaphore_mem>>) src(%arg10 : memref<128x128xf32, #tpu.memory_space<vmem>>) dst(%dma_wait3A_83 : memref<10240x128xf32, #tpu.memory_space<vmem_shared>>)
            tpu.yield
          }) : () -> ()
          %lt3A = arith.constant 19 : i32
          %lt3A_60 = arith.cmpi slt, %scan3A_44, %lt3A : i32
          %convert_element_type3A_61 = arith.extui %lt3A_60 : i1 to i32
          %cond3A_62 = arith.constant 0 : i32
          %cond3A_63 = arith.cmpi ne, %convert_element_type3A_61, %cond3A_62 : i32
          scf.if %cond3A_63 {
            %add3A_72 = arith.constant 2 : i32
            %add3A_73 = arith.addi %mul3A_46, %add3A_72 : i32
            %dma_start3A_74 = arith.constant 0 : i32
            %dma_start3A_75 = tpu.memref_slice %arg8[%add3A_73, %dma_start3A_74] : memref<40x128xi32, #tpu.memory_space<vmem>> -> memref<1x128xi32, #tpu.memory_space<vmem>>
            %dma_start3A_76 = tpu.memref_squeeze %dma_start3A_75 : memref<1x128xi32, #tpu.memory_space<vmem>> -> memref<128xi32, #tpu.memory_space<vmem>>
            %dma_start3A_77 = arith.constant 0 : i32
            %dma_start3A_78 = arith.constant 0 : i32
            %dma_start3A_79 = tpu.memref_slice %arg2[%dma_start3A_77, %dma_start3A_78] : memref<10240x128xf32, #tpu.memory_space<hbm>> -> memref<10240x128xf32, #tpu.memory_space<hbm>>
            tpu.enqueue_indirect_dma source(%dma_start3A_79 : memref<10240x128xf32, #tpu.memory_space<hbm>>) target(%arg10 : memref<128x128xf32, #tpu.memory_space<vmem>>) offsets(%dma_start3A_76 : memref<128xi32, #tpu.memory_space<vmem>>) semaphore(%arg13 : memref<!tpu.dma_semaphore, #tpu.memory_space<semaphore_mem>>)
          } else {
          }
          %dma_wait3A_64 = arith.constant 0 : i32
          %dma_wait3A_65 = tpu.memref_slice %arg8[%add3A_48, %dma_wait3A_64] : memref<40x128xi32, #tpu.memory_space<vmem>> -> memref<1x128xi32, #tpu.memory_space<vmem>>
          %dma_wait3A_66 = tpu.memref_squeeze %dma_wait3A_65 : memref<1x128xi32, #tpu.memory_space<vmem>> -> memref<128xi32, #tpu.memory_space<vmem>>
          %dma_wait3A_67 = arith.constant 0 : i32
          %dma_wait3A_68 = arith.constant 0 : i32
          %dma_wait3A_69 = tpu.memref_slice %arg2[%dma_wait3A_67, %dma_wait3A_68] : memref<10240x128xf32, #tpu.memory_space<hbm>> -> memref<10240x128xf32, #tpu.memory_space<hbm>>
          tpu.wait_indirect_dma semaphore(%arg14 : memref<!tpu.dma_semaphore, #tpu.memory_space<semaphore_mem>>) src(%dma_wait3A_69 : memref<10240x128xf32, #tpu.memory_space<hbm>>) dst(%arg11 : memref<128x128xf32, #tpu.memory_space<vmem>>)
          %add3A_70 = arith.constant 1 : i32
          %add3A_71 = arith.addi %mul3A_46, %add3A_70 : i32
          "tpu.region"() ({
            %run_scoped3A = tpu.sem_alloc : memref<!tpu.dma_semaphore, #tpu.memory_space<semaphore_mem>>
            %dma_start3A_72 = arith.constant 0 : i32
            %dma_start3A_73 = tpu.memref_slice %arg9[%add3A_71, %dma_start3A_72] : memref<40x128xi32, #tpu.memory_space<vmem>> -> memref<1x128xi32, #tpu.memory_space<vmem>>
            %dma_start3A_74 = tpu.memref_squeeze %dma_start3A_73 : memref<1x128xi32, #tpu.memory_space<vmem>> -> memref<128xi32, #tpu.memory_space<vmem>>
            %dma_start3A_75 = arith.constant 0 : i32
            %dma_start3A_76 = arith.constant 0 : i32
            %dma_start3A_77 = tpu.memref_slice %arg12[%dma_start3A_75, %dma_start3A_76] : memref<10240x128xf32, #tpu.memory_space<vmem_shared>> -> memref<10240x128xf32, #tpu.memory_space<vmem_shared>>
            tpu.enqueue_indirect_dma source(%arg11 : memref<128x128xf32, #tpu.memory_space<vmem>>) target(%dma_start3A_77 : memref<10240x128xf32, #tpu.memory_space<vmem_shared>>) offsets(%dma_start3A_74 : memref<128xi32, #tpu.memory_space<vmem>>) semaphore(%run_scoped3A : memref<!tpu.dma_semaphore, #tpu.memory_space<semaphore_mem>>) {add = true}
            %dma_wait3A_78 = arith.constant 0 : i32
            %dma_wait3A_79 = tpu.memref_slice %arg9[%add3A_71, %dma_wait3A_78] : memref<40x128xi32, #tpu.memory_space<vmem>> -> memref<1x128xi32, #tpu.memory_space<vmem>>
            %dma_wait3A_80 = tpu.memref_squeeze %dma_wait3A_79 : memref<1x128xi32, #tpu.memory_space<vmem>> -> memref<128xi32, #tpu.memory_space<vmem>>
            %dma_wait3A_81 = arith.constant 0 : i32
            %dma_wait3A_82 = arith.constant 0 : i32
            %dma_wait3A_83 = tpu.memref_slice %arg12[%dma_wait3A_81, %dma_wait3A_82] : memref<10240x128xf32, #tpu.memory_space<vmem_shared>> -> memref<10240x128xf32, #tpu.memory_space<vmem_shared>>
            tpu.wait_indirect_dma semaphore(%run_scoped3A : memref<!tpu.dma_semaphore, #tpu.memory_space<semaphore_mem>>) src(%arg11 : memref<128x128xf32, #tpu.memory_space<vmem>>) dst(%dma_wait3A_83 : memref<10240x128xf32, #tpu.memory_space<vmem_shared>>)
            tpu.yield
          }) : () -> ()
        }
        %scan3A_43 = arith.constant 20 : i32
      }
      %scan3A_23 = arith.constant 4 : i32
      %barrier3A_24 = arith.constant 0 : index
      tpu.barrier barrier_id(%barrier3A_24)
      %mul3A = arith.constant 640 : i32
      %mul3A_25 = arith.muli %arg1, %mul3A : i32
      %mul3A_26 = arith.constant 640 : i32
      %mul3A_27 = arith.muli %arg1, %mul3A_26 : i32
      "tpu.region"() ({
        %run_scoped3A = tpu.sem_alloc : memref<!tpu.dma_semaphore, #tpu.memory_space<semaphore_mem>>
        %dma_start3A = arith.constant 0 : i32
        %dma_start3A_28 = tpu.memref_slice %arg6[%mul3A_27, %dma_start3A] : memref<10240x128xf32, #tpu.memory_space<hbm>> -> memref<640x128xf32, #tpu.memory_space<hbm>>
        %dma_start3A_29 = arith.constant 0 : i32
        %dma_start3A_30 = tpu.memref_slice %arg12[%mul3A_25, %dma_start3A_29] : memref<10240x128xf32, #tpu.memory_space<vmem_shared>> -> memref<640x128xf32, #tpu.memory_space<vmem_shared>>
        tpu.enqueue_dma source(%dma_start3A_30 : memref<640x128xf32, #tpu.memory_space<vmem_shared>>) target(%dma_start3A_28 : memref<640x128xf32, #tpu.memory_space<hbm>>) target_semaphore(%run_scoped3A : memref<!tpu.dma_semaphore, #tpu.memory_space<semaphore_mem>>)
        %dma_wait3A = arith.constant 0 : i32
        %dma_wait3A_31 = tpu.memref_slice %arg6[%mul3A_27, %dma_wait3A] : memref<10240x128xf32, #tpu.memory_space<hbm>> -> memref<640x128xf32, #tpu.memory_space<hbm>>
        %dma_wait3A_32 = arith.constant 0 : i32
        %dma_wait3A_33 = tpu.memref_slice %arg12[%mul3A_25, %dma_wait3A_32] : memref<10240x128xf32, #tpu.memory_space<vmem_shared>> -> memref<640x128xf32, #tpu.memory_space<vmem_shared>>
        tpu.wait_dma2 semaphore(%run_scoped3A : memref<!tpu.dma_semaphore, #tpu.memory_space<semaphore_mem>>) src(%dma_wait3A_33 : memref<640x128xf32, #tpu.memory_space<vmem_shared>>) dst(%dma_wait3A_31 : memref<640x128xf32, #tpu.memory_space<hbm>>)
        tpu.yield
      }) : () -> ()
    } else {
    }
    %eq3A_13 = arith.constant 1 : i32
    %eq3A_14 = arith.cmpi eq, %arg0, %eq3A_13 : i32
    %convert_element_type3A_15 = arith.extui %eq3A_14 : i1 to i32
    %cond3A_16 = arith.constant 0 : i32
    %cond3A_17 = arith.cmpi ne, %convert_element_type3A_15, %cond3A_16 : i32
    scf.if %cond3A_17 {
      %scan3A_18 = arith.constant 0 : i32
      %scan3A_19 = arith.constant 0 : i32
      %scan3A_20 = arith.constant 4 : i32
      %scan3A_21 = arith.addi %scan3A_19, %scan3A_20 : i32
      %scan3A_22 = arith.constant 1 : i32
      scf.for %scan3A_28 = %scan3A_19 to %scan3A_21 step %scan3A_22  : i32 {
        %mul3A_29 = arith.constant 40 : i32
        %mul3A_30 = arith.muli %scan3A_28, %mul3A_29 : i32
        %add3A = arith.constant 0 : i32
        %add3A_31 = arith.addi %add3A, %mul3A_30 : i32
        "tpu.region"() ({
          %run_scoped3A = tpu.sem_alloc : memref<!tpu.dma_semaphore, #tpu.memory_space<semaphore_mem>>
          %dma_start3A_44 = arith.constant 0 : i32
          %dma_start3A_45 = tpu.memref_slice %arg4[%arg1, %add3A_31, %dma_start3A_44] : memref<16x160x128xi32, #tpu.memory_space<hbm>> -> memref<1x40x128xi32, #tpu.memory_space<hbm>>
          %dma_start3A_46 = tpu.memref_squeeze %dma_start3A_45 : memref<1x40x128xi32, #tpu.memory_space<hbm>> -> memref<40x128xi32, #tpu.memory_space<hbm>>
          %dma_start3A_47 = arith.constant 0 : i32
          %dma_start3A_48 = tpu.memref_slice %arg4[%arg1, %add3A_31, %dma_start3A_47] : memref<16x160x128xi32, #tpu.memory_space<hbm>> -> memref<1x40x128xi32, #tpu.memory_space<hbm>>
          %dma_start3A_49 = tpu.memref_squeeze %dma_start3A_48 : memref<1x40x128xi32, #tpu.memory_space<hbm>> -> memref<40x128xi32, #tpu.memory_space<hbm>>
          tpu.enqueue_dma source(%dma_start3A_49 : memref<40x128xi32, #tpu.memory_space<hbm>>) target(%arg8 : memref<40x128xi32, #tpu.memory_space<vmem>>) target_semaphore(%run_scoped3A : memref<!tpu.dma_semaphore, #tpu.memory_space<semaphore_mem>>)
          %dma_wait3A = arith.constant 0 : i32
          %dma_wait3A_50 = tpu.memref_slice %arg4[%arg1, %add3A_31, %dma_wait3A] : memref<16x160x128xi32, #tpu.memory_space<hbm>> -> memref<1x40x128xi32, #tpu.memory_space<hbm>>
          %dma_wait3A_51 = tpu.memref_squeeze %dma_wait3A_50 : memref<1x40x128xi32, #tpu.memory_space<hbm>> -> memref<40x128xi32, #tpu.memory_space<hbm>>
          %dma_wait3A_52 = arith.constant 0 : i32
          %dma_wait3A_53 = tpu.memref_slice %arg4[%arg1, %add3A_31, %dma_wait3A_52] : memref<16x160x128xi32, #tpu.memory_space<hbm>> -> memref<1x40x128xi32, #tpu.memory_space<hbm>>
          %dma_wait3A_54 = tpu.memref_squeeze %dma_wait3A_53 : memref<1x40x128xi32, #tpu.memory_space<hbm>> -> memref<40x128xi32, #tpu.memory_space<hbm>>
          tpu.wait_dma2 semaphore(%run_scoped3A : memref<!tpu.dma_semaphore, #tpu.memory_space<semaphore_mem>>) src(%dma_wait3A_54 : memref<40x128xi32, #tpu.memory_space<hbm>>) dst(%arg8 : memref<40x128xi32, #tpu.memory_space<vmem>>)
          tpu.yield
        }) : () -> ()
        "tpu.region"() ({
          %run_scoped3A = tpu.sem_alloc : memref<!tpu.dma_semaphore, #tpu.memory_space<semaphore_mem>>
          %dma_start3A_44 = arith.constant 0 : i32
          %dma_start3A_45 = tpu.memref_slice %arg5[%arg1, %add3A_31, %dma_start3A_44] : memref<16x160x128xi32, #tpu.memory_space<hbm>> -> memref<1x40x128xi32, #tpu.memory_space<hbm>>
          %dma_start3A_46 = tpu.memref_squeeze %dma_start3A_45 : memref<1x40x128xi32, #tpu.memory_space<hbm>> -> memref<40x128xi32, #tpu.memory_space<hbm>>
          %dma_start3A_47 = arith.constant 0 : i32
          %dma_start3A_48 = tpu.memref_slice %arg5[%arg1, %add3A_31, %dma_start3A_47] : memref<16x160x128xi32, #tpu.memory_space<hbm>> -> memref<1x40x128xi32, #tpu.memory_space<hbm>>
          %dma_start3A_49 = tpu.memref_squeeze %dma_start3A_48 : memref<1x40x128xi32, #tpu.memory_space<hbm>> -> memref<40x128xi32, #tpu.memory_space<hbm>>
          tpu.enqueue_dma source(%dma_start3A_49 : memref<40x128xi32, #tpu.memory_space<hbm>>) target(%arg9 : memref<40x128xi32, #tpu.memory_space<vmem>>) target_semaphore(%run_scoped3A : memref<!tpu.dma_semaphore, #tpu.memory_space<semaphore_mem>>)
          %dma_wait3A = arith.constant 0 : i32
          %dma_wait3A_50 = tpu.memref_slice %arg5[%arg1, %add3A_31, %dma_wait3A] : memref<16x160x128xi32, #tpu.memory_space<hbm>> -> memref<1x40x128xi32, #tpu.memory_space<hbm>>
          %dma_wait3A_51 = tpu.memref_squeeze %dma_wait3A_50 : memref<1x40x128xi32, #tpu.memory_space<hbm>> -> memref<40x128xi32, #tpu.memory_space<hbm>>
          %dma_wait3A_52 = arith.constant 0 : i32
          %dma_wait3A_53 = tpu.memref_slice %arg5[%arg1, %add3A_31, %dma_wait3A_52] : memref<16x160x128xi32, #tpu.memory_space<hbm>> -> memref<1x40x128xi32, #tpu.memory_space<hbm>>
          %dma_wait3A_54 = tpu.memref_squeeze %dma_wait3A_53 : memref<1x40x128xi32, #tpu.memory_space<hbm>> -> memref<40x128xi32, #tpu.memory_space<hbm>>
          tpu.wait_dma2 semaphore(%run_scoped3A : memref<!tpu.dma_semaphore, #tpu.memory_space<semaphore_mem>>) src(%dma_wait3A_54 : memref<40x128xi32, #tpu.memory_space<hbm>>) dst(%arg9 : memref<40x128xi32, #tpu.memory_space<vmem>>)
          tpu.yield
        }) : () -> ()
        %dma_start3A = arith.constant 0 : i32
        %dma_start3A_32 = arith.constant 0 : i32
        %dma_start3A_33 = tpu.memref_slice %arg8[%dma_start3A, %dma_start3A_32] : memref<40x128xi32, #tpu.memory_space<vmem>> -> memref<1x128xi32, #tpu.memory_space<vmem>>
        %dma_start3A_34 = tpu.memref_squeeze %dma_start3A_33 : memref<1x128xi32, #tpu.memory_space<vmem>> -> memref<128xi32, #tpu.memory_space<vmem>>
        %dma_start3A_35 = arith.constant 0 : i32
        %dma_start3A_36 = arith.constant 0 : i32
        %dma_start3A_37 = tpu.memref_slice %arg3[%dma_start3A_35, %dma_start3A_36] : memref<10240x128xf32, #tpu.memory_space<hbm>> -> memref<10240x128xf32, #tpu.memory_space<hbm>>
        tpu.enqueue_indirect_dma source(%dma_start3A_37 : memref<10240x128xf32, #tpu.memory_space<hbm>>) target(%arg10 : memref<128x128xf32, #tpu.memory_space<vmem>>) offsets(%dma_start3A_34 : memref<128xi32, #tpu.memory_space<vmem>>) semaphore(%arg13 : memref<!tpu.dma_semaphore, #tpu.memory_space<semaphore_mem>>)
        %scan3A_38 = arith.constant 0 : i32
        %scan3A_39 = arith.constant 0 : i32
        %scan3A_40 = arith.constant 20 : i32
        %scan3A_41 = arith.addi %scan3A_39, %scan3A_40 : i32
        %scan3A_42 = arith.constant 1 : i32
        scf.for %scan3A_44 = %scan3A_39 to %scan3A_41 step %scan3A_42  : i32 {
          %mul3A_45 = arith.constant 2 : i32
          %mul3A_46 = arith.muli %mul3A_45, %scan3A_44 : i32
          %add3A_47 = arith.constant 1 : i32
          %add3A_48 = arith.addi %mul3A_46, %add3A_47 : i32
          %dma_start3A_49 = arith.constant 0 : i32
          %dma_start3A_50 = tpu.memref_slice %arg8[%add3A_48, %dma_start3A_49] : memref<40x128xi32, #tpu.memory_space<vmem>> -> memref<1x128xi32, #tpu.memory_space<vmem>>
          %dma_start3A_51 = tpu.memref_squeeze %dma_start3A_50 : memref<1x128xi32, #tpu.memory_space<vmem>> -> memref<128xi32, #tpu.memory_space<vmem>>
          %dma_start3A_52 = arith.constant 0 : i32
          %dma_start3A_53 = arith.constant 0 : i32
          %dma_start3A_54 = tpu.memref_slice %arg3[%dma_start3A_52, %dma_start3A_53] : memref<10240x128xf32, #tpu.memory_space<hbm>> -> memref<10240x128xf32, #tpu.memory_space<hbm>>
          tpu.enqueue_indirect_dma source(%dma_start3A_54 : memref<10240x128xf32, #tpu.memory_space<hbm>>) target(%arg11 : memref<128x128xf32, #tpu.memory_space<vmem>>) offsets(%dma_start3A_51 : memref<128xi32, #tpu.memory_space<vmem>>) semaphore(%arg14 : memref<!tpu.dma_semaphore, #tpu.memory_space<semaphore_mem>>)
          %dma_wait3A = arith.constant 0 : i32
          %dma_wait3A_55 = tpu.memref_slice %arg8[%mul3A_46, %dma_wait3A] : memref<40x128xi32, #tpu.memory_space<vmem>> -> memref<1x128xi32, #tpu.memory_space<vmem>>
          %dma_wait3A_56 = tpu.memref_squeeze %dma_wait3A_55 : memref<1x128xi32, #tpu.memory_space<vmem>> -> memref<128xi32, #tpu.memory_space<vmem>>
          %dma_wait3A_57 = arith.constant 0 : i32
          %dma_wait3A_58 = arith.constant 0 : i32
          %dma_wait3A_59 = tpu.memref_slice %arg3[%dma_wait3A_57, %dma_wait3A_58] : memref<10240x128xf32, #tpu.memory_space<hbm>> -> memref<10240x128xf32, #tpu.memory_space<hbm>>
          tpu.wait_indirect_dma semaphore(%arg13 : memref<!tpu.dma_semaphore, #tpu.memory_space<semaphore_mem>>) src(%dma_wait3A_59 : memref<10240x128xf32, #tpu.memory_space<hbm>>) dst(%arg10 : memref<128x128xf32, #tpu.memory_space<vmem>>)
          "tpu.region"() ({
            %run_scoped3A = tpu.sem_alloc : memref<!tpu.dma_semaphore, #tpu.memory_space<semaphore_mem>>
            %dma_start3A_72 = arith.constant 0 : i32
            %dma_start3A_73 = tpu.memref_slice %arg9[%mul3A_46, %dma_start3A_72] : memref<40x128xi32, #tpu.memory_space<vmem>> -> memref<1x128xi32, #tpu.memory_space<vmem>>
            %dma_start3A_74 = tpu.memref_squeeze %dma_start3A_73 : memref<1x128xi32, #tpu.memory_space<vmem>> -> memref<128xi32, #tpu.memory_space<vmem>>
            %dma_start3A_75 = arith.constant 0 : i32
            %dma_start3A_76 = arith.constant 0 : i32
            %dma_start3A_77 = tpu.memref_slice %arg12[%dma_start3A_75, %dma_start3A_76] : memref<10240x128xf32, #tpu.memory_space<vmem_shared>> -> memref<10240x128xf32, #tpu.memory_space<vmem_shared>>
            tpu.enqueue_indirect_dma source(%arg10 : memref<128x128xf32, #tpu.memory_space<vmem>>) target(%dma_start3A_77 : memref<10240x128xf32, #tpu.memory_space<vmem_shared>>) offsets(%dma_start3A_74 : memref<128xi32, #tpu.memory_space<vmem>>) semaphore(%run_scoped3A : memref<!tpu.dma_semaphore, #tpu.memory_space<semaphore_mem>>) {add = true}
            %dma_wait3A_78 = arith.constant 0 : i32
            %dma_wait3A_79 = tpu.memref_slice %arg9[%mul3A_46, %dma_wait3A_78] : memref<40x128xi32, #tpu.memory_space<vmem>> -> memref<1x128xi32, #tpu.memory_space<vmem>>
            %dma_wait3A_80 = tpu.memref_squeeze %dma_wait3A_79 : memref<1x128xi32, #tpu.memory_space<vmem>> -> memref<128xi32, #tpu.memory_space<vmem>>
            %dma_wait3A_81 = arith.constant 0 : i32
            %dma_wait3A_82 = arith.constant 0 : i32
            %dma_wait3A_83 = tpu.memref_slice %arg12[%dma_wait3A_81, %dma_wait3A_82] : memref<10240x128xf32, #tpu.memory_space<vmem_shared>> -> memref<10240x128xf32, #tpu.memory_space<vmem_shared>>
            tpu.wait_indirect_dma semaphore(%run_scoped3A : memref<!tpu.dma_semaphore, #tpu.memory_space<semaphore_mem>>) src(%arg10 : memref<128x128xf32, #tpu.memory_space<vmem>>) dst(%dma_wait3A_83 : memref<10240x128xf32, #tpu.memory_space<vmem_shared>>)
            tpu.yield
          }) : () -> ()
          %lt3A = arith.constant 19 : i32
          %lt3A_60 = arith.cmpi slt, %scan3A_44, %lt3A : i32
          %convert_element_type3A_61 = arith.extui %lt3A_60 : i1 to i32
          %cond3A_62 = arith.constant 0 : i32
          %cond3A_63 = arith.cmpi ne, %convert_element_type3A_61, %cond3A_62 : i32
          scf.if %cond3A_63 {
            %add3A_72 = arith.constant 2 : i32
            %add3A_73 = arith.addi %mul3A_46, %add3A_72 : i32
            %dma_start3A_74 = arith.constant 0 : i32
            %dma_start3A_75 = tpu.memref_slice %arg8[%add3A_73, %dma_start3A_74] : memref<40x128xi32, #tpu.memory_space<vmem>> -> memref<1x128xi32, #tpu.memory_space<vmem>>
            %dma_start3A_76 = tpu.memref_squeeze %dma_start3A_75 : memref<1x128xi32, #tpu.memory_space<vmem>> -> memref<128xi32, #tpu.memory_space<vmem>>
            %dma_start3A_77 = arith.constant 0 : i32
            %dma_start3A_78 = arith.constant 0 : i32
            %dma_start3A_79 = tpu.memref_slice %arg3[%dma_start3A_77, %dma_start3A_78] : memref<10240x128xf32, #tpu.memory_space<hbm>> -> memref<10240x128xf32, #tpu.memory_space<hbm>>
            tpu.enqueue_indirect_dma source(%dma_start3A_79 : memref<10240x128xf32, #tpu.memory_space<hbm>>) target(%arg10 : memref<128x128xf32, #tpu.memory_space<vmem>>) offsets(%dma_start3A_76 : memref<128xi32, #tpu.memory_space<vmem>>) semaphore(%arg13 : memref<!tpu.dma_semaphore, #tpu.memory_space<semaphore_mem>>)
          } else {
          }
          %dma_wait3A_64 = arith.constant 0 : i32
          %dma_wait3A_65 = tpu.memref_slice %arg8[%add3A_48, %dma_wait3A_64] : memref<40x128xi32, #tpu.memory_space<vmem>> -> memref<1x128xi32, #tpu.memory_space<vmem>>
          %dma_wait3A_66 = tpu.memref_squeeze %dma_wait3A_65 : memref<1x128xi32, #tpu.memory_space<vmem>> -> memref<128xi32, #tpu.memory_space<vmem>>
          %dma_wait3A_67 = arith.constant 0 : i32
          %dma_wait3A_68 = arith.constant 0 : i32
          %dma_wait3A_69 = tpu.memref_slice %arg3[%dma_wait3A_67, %dma_wait3A_68] : memref<10240x128xf32, #tpu.memory_space<hbm>> -> memref<10240x128xf32, #tpu.memory_space<hbm>>
          tpu.wait_indirect_dma semaphore(%arg14 : memref<!tpu.dma_semaphore, #tpu.memory_space<semaphore_mem>>) src(%dma_wait3A_69 : memref<10240x128xf32, #tpu.memory_space<hbm>>) dst(%arg11 : memref<128x128xf32, #tpu.memory_space<vmem>>)
          %add3A_70 = arith.constant 1 : i32
          %add3A_71 = arith.addi %mul3A_46, %add3A_70 : i32
          "tpu.region"() ({
            %run_scoped3A = tpu.sem_alloc : memref<!tpu.dma_semaphore, #tpu.memory_space<semaphore_mem>>
            %dma_start3A_72 = arith.constant 0 : i32
            %dma_start3A_73 = tpu.memref_slice %arg9[%add3A_71, %dma_start3A_72] : memref<40x128xi32, #tpu.memory_space<vmem>> -> memref<1x128xi32, #tpu.memory_space<vmem>>
            %dma_start3A_74 = tpu.memref_squeeze %dma_start3A_73 : memref<1x128xi32, #tpu.memory_space<vmem>> -> memref<128xi32, #tpu.memory_space<vmem>>
            %dma_start3A_75 = arith.constant 0 : i32
            %dma_start3A_76 = arith.constant 0 : i32
            %dma_start3A_77 = tpu.memref_slice %arg12[%dma_start3A_75, %dma_start3A_76] : memref<10240x128xf32, #tpu.memory_space<vmem_shared>> -> memref<10240x128xf32, #tpu.memory_space<vmem_shared>>
            tpu.enqueue_indirect_dma source(%arg11 : memref<128x128xf32, #tpu.memory_space<vmem>>) target(%dma_start3A_77 : memref<10240x128xf32, #tpu.memory_space<vmem_shared>>) offsets(%dma_start3A_74 : memref<128xi32, #tpu.memory_space<vmem>>) semaphore(%run_scoped3A : memref<!tpu.dma_semaphore, #tpu.memory_space<semaphore_mem>>) {add = true}
            %dma_wait3A_78 = arith.constant 0 : i32
            %dma_wait3A_79 = tpu.memref_slice %arg9[%add3A_71, %dma_wait3A_78] : memref<40x128xi32, #tpu.memory_space<vmem>> -> memref<1x128xi32, #tpu.memory_space<vmem>>
            %dma_wait3A_80 = tpu.memref_squeeze %dma_wait3A_79 : memref<1x128xi32, #tpu.memory_space<vmem>> -> memref<128xi32, #tpu.memory_space<vmem>>
            %dma_wait3A_81 = arith.constant 0 : i32
            %dma_wait3A_82 = arith.constant 0 : i32
            %dma_wait3A_83 = tpu.memref_slice %arg12[%dma_wait3A_81, %dma_wait3A_82] : memref<10240x128xf32, #tpu.memory_space<vmem_shared>> -> memref<10240x128xf32, #tpu.memory_space<vmem_shared>>
            tpu.wait_indirect_dma semaphore(%run_scoped3A : memref<!tpu.dma_semaphore, #tpu.memory_space<semaphore_mem>>) src(%arg11 : memref<128x128xf32, #tpu.memory_space<vmem>>) dst(%dma_wait3A_83 : memref<10240x128xf32, #tpu.memory_space<vmem_shared>>)
            tpu.yield
          }) : () -> ()
        }
        %scan3A_43 = arith.constant 20 : i32
      }
      %scan3A_23 = arith.constant 4 : i32
      %barrier3A_24 = arith.constant 0 : index
      tpu.barrier barrier_id(%barrier3A_24)
      %mul3A = arith.constant 640 : i32
      %mul3A_25 = arith.muli %arg1, %mul3A : i32
      %mul3A_26 = arith.constant 640 : i32
      %mul3A_27 = arith.muli %arg1, %mul3A_26 : i32
      "tpu.region"() ({
        %run_scoped3A = tpu.sem_alloc : memref<!tpu.dma_semaphore, #tpu.memory_space<semaphore_mem>>
        %dma_start3A = arith.constant 0 : i32
        %dma_start3A_28 = tpu.memref_slice %arg7[%mul3A_27, %dma_start3A] : memref<10240x128xf32, #tpu.memory_space<hbm>> -> memref<640x128xf32, #tpu.memory_space<hbm>>
        %dma_start3A_29 = arith.constant 0 : i32
        %dma_start3A_30 = tpu.memref_slice %arg12[%mul3A_25, %dma_start3A_29] : memref<10240x128xf32, #tpu.memory_space<vmem_shared>> -> memref<640x128xf32, #tpu.memory_space<vmem_shared>>
        tpu.enqueue_dma source(%dma_start3A_30 : memref<640x128xf32, #tpu.memory_space<vmem_shared>>) target(%dma_start3A_28 : memref<640x128xf32, #tpu.memory_space<hbm>>) target_semaphore(%run_scoped3A : memref<!tpu.dma_semaphore, #tpu.memory_space<semaphore_mem>>)
        %dma_wait3A = arith.constant 0 : i32
        %dma_wait3A_31 = tpu.memref_slice %arg7[%mul3A_27, %dma_wait3A] : memref<10240x128xf32, #tpu.memory_space<hbm>> -> memref<640x128xf32, #tpu.memory_space<hbm>>
        %dma_wait3A_32 = arith.constant 0 : i32
        %dma_wait3A_33 = tpu.memref_slice %arg12[%mul3A_25, %dma_wait3A_32] : memref<10240x128xf32, #tpu.memory_space<vmem_shared>> -> memref<640x128xf32, #tpu.memory_space<vmem_shared>>
        tpu.wait_dma2 semaphore(%run_scoped3A : memref<!tpu.dma_semaphore, #tpu.memory_space<semaphore_mem>>) src(%dma_wait3A_33 : memref<640x128xf32, #tpu.memory_space<vmem_shared>>) dst(%dma_wait3A_31 : memref<640x128xf32, #tpu.memory_space<hbm>>)
        tpu.yield
      }) : () -> ()
    } else {
    }
    return
  }
}

module attributes {stable_mosaic.version = 14 : i64} {
  func.func @_tc1_body(%arg0: i32, %arg1: memref<512x1xf32, #tpu.memory_space<vmem>>, %arg2: memref<512x1xf32, #tpu.memory_space<vmem>>, %arg3: memref<512x128xf32, #tpu.memory_space<vmem>>, %arg4: memref<128x256xf32, #tpu.memory_space<vmem>>, %arg5: memref<512x128xf32, #tpu.memory_space<vmem>>, %arg6: memref<512x128xf32, #tpu.memory_space<vmem>>, %arg7: memref<512x1xf32, #tpu.memory_space<vmem>>) attributes {dimension_semantics = [#tpu.dimension_semantics<arbitrary>], iteration_bounds = array<i64: 20>, scalar_prefetch = 0 : i64, scratch_operands = 0 : i64, tpu.core_type = #tpu.core_type<tc>, window_params = [{transform_indices = @transform_0, window_bounds = array<i64: 512, 1>}, {transform_indices = @transform_1, window_bounds = array<i64: 512, 1>}, {transform_indices = @transform_2, window_bounds = array<i64: 512, 128>}, {pipeline_mode = #tpu.pipeline_mode<synchronous>, transform_indices = @transform_3, window_bounds = array<i64: 128, 256>}, {transform_indices = @transform_4, window_bounds = array<i64: 512, 128>}, {transform_indices = @transform_5, window_bounds = array<i64: 512, 128>}, {transform_indices = @transform_6, window_bounds = array<i64: 512, 1>}]} {
    %get3A = arith.constant 0 : index
    %get3A_0 = arith.constant 0 : index
    %get3A_1 = vector.load %arg1[%get3A, %get3A_0] : memref<512x1xf32, #tpu.memory_space<vmem>>, vector<512x1xf32>
    %get3A_2 = arith.constant 0 : index
    %get3A_3 = arith.constant 0 : index
    %get3A_4 = vector.load %arg2[%get3A_2, %get3A_3] : memref<512x1xf32, #tpu.memory_space<vmem>>, vector<512x1xf32>
    %add3A = arith.addf %get3A_1, %get3A_4 : vector<512x1xf32>
    %add3A_5 = arith.constant 1.000000e+00 : f32
    %add3A_6 = vector.broadcast %add3A_5 : f32 to vector<512x1xf32>
    %add3A_7 = arith.addf %add3A, %add3A_6 : vector<512x1xf32>
    %rsqrt3A = math.rsqrt %add3A_7 : vector<512x1xf32>
    %get3A_8 = arith.constant 0 : index
    %get3A_9 = arith.constant 0 : index
    %get3A_10 = vector.load %arg3[%get3A_8, %get3A_9] : memref<512x128xf32, #tpu.memory_space<vmem>>, vector<512x128xf32>
    %get3A_11 = arith.constant 0 : index
    %get3A_12 = arith.constant 0 : index
    %get3A_13 = vector.load %arg4[%get3A_11, %get3A_12] : memref<128x256xf32, #tpu.memory_space<vmem>>, vector<128x256xf32>
    %dot_general3A = arith.constant dense<0.000000e+00> : vector<512x256xf32>
    %dot_general3A_14 = tpu.matmul %get3A_10, %get3A_13, %dot_general3A {dimension_numbers = #tpu.dot_dimension_numbers<[1], [0], [0], [1], [0, 0, 1, 1], [], []>, transpose_lhs_hint = false} : vector<512x128xf32>, vector<128x256xf32>, vector<512x256xf32> -> vector<512x256xf32>
    %mul3A = vector.broadcast %rsqrt3A : vector<512x1xf32> to vector<512x256xf32>
    %mul3A_15 = arith.mulf %dot_general3A_14, %mul3A : vector<512x256xf32>
    %slice3A = vector.extract_strided_slice %mul3A_15 {offsets = [0, 0], sizes = [512, 128], strides = [1, 1]} : vector<512x256xf32> to vector<512x128xf32>
    %swap3A = arith.constant 0 : index
    %swap3A_16 = arith.constant 0 : index
    %swap3A_17 = vector.load %arg5[%swap3A, %swap3A_16] : memref<512x128xf32, #tpu.memory_space<vmem>>, vector<512x128xf32>
    tpu.vector_store %arg5[%swap3A, %swap3A_16], %slice3A {strides = array<i32>} : memref<512x128xf32, #tpu.memory_space<vmem>>, vector<512x128xf32>,
    %slice3A_18 = vector.extract_strided_slice %mul3A_15 {offsets = [0, 128], sizes = [512, 128], strides = [1, 1]} : vector<512x256xf32> to vector<512x128xf32>
    %swap3A_19 = arith.constant 0 : index
    %swap3A_20 = arith.constant 0 : index
    %swap3A_21 = vector.load %arg6[%swap3A_19, %swap3A_20] : memref<512x128xf32, #tpu.memory_space<vmem>>, vector<512x128xf32>
    tpu.vector_store %arg6[%swap3A_19, %swap3A_20], %slice3A_18 {strides = array<i32>} : memref<512x128xf32, #tpu.memory_space<vmem>>, vector<512x128xf32>,
    %swap3A_22 = arith.constant 0 : index
    %swap3A_23 = arith.constant 0 : index
    %swap3A_24 = vector.load %arg7[%swap3A_22, %swap3A_23] : memref<512x1xf32, #tpu.memory_space<vmem>>, vector<512x1xf32>
    tpu.vector_store %arg7[%swap3A_22, %swap3A_23], %rsqrt3A {strides = array<i32>} : memref<512x1xf32, #tpu.memory_space<vmem>>, vector<512x1xf32>,
    return
  }
  func.func @transform_0(%arg0: i32) -> (i32, i32) {
    %c0_i32 = arith.constant 0 : i32
    %c0_i32_0 = arith.constant 0 : i32
    return %arg0, %c0_i32 : i32, i32
  }
  func.func @transform_1(%arg0: i32) -> (i32, i32) {
    %c0_i32 = arith.constant 0 : i32
    %c0_i32_0 = arith.constant 0 : i32
    return %arg0, %c0_i32 : i32, i32
  }
  func.func @transform_2(%arg0: i32) -> (i32, i32) {
    %c0_i32 = arith.constant 0 : i32
    %c0_i32_0 = arith.constant 0 : i32
    return %arg0, %c0_i32 : i32, i32
  }
  func.func @transform_3(%arg0: i32) -> (i32, i32) {
    %c0_i32 = arith.constant 0 : i32
    %c0_i32_0 = arith.constant 0 : i32
    %c0_i32_1 = arith.constant 0 : i32
    return %c0_i32, %c0_i32_0 : i32, i32
  }
  func.func @transform_4(%arg0: i32) -> (i32, i32) {
    %c0_i32 = arith.constant 0 : i32
    %c0_i32_0 = arith.constant 0 : i32
    return %arg0, %c0_i32 : i32, i32
  }
  func.func @transform_5(%arg0: i32) -> (i32, i32) {
    %c0_i32 = arith.constant 0 : i32
    %c0_i32_0 = arith.constant 0 : i32
    return %arg0, %c0_i32 : i32, i32
  }
  func.func @transform_6(%arg0: i32) -> (i32, i32) {
    %c0_i32 = arith.constant 0 : i32
    %c0_i32_0 = arith.constant 0 : i32
    return %arg0, %c0_i32 : i32, i32
  }
}

module attributes {stable_mosaic.version = 14 : i64} {
  func.func @_tc3_body(%arg0: i32, %arg1: memref<512x1xf32, #tpu.memory_space<vmem>>, %arg2: memref<512x128xf32, #tpu.memory_space<vmem>>, %arg3: memref<512x128xf32, #tpu.memory_space<vmem>>, %arg4: memref<512x128xf32, #tpu.memory_space<vmem>>, %arg5: memref<1x128xf32, #tpu.memory_space<vmem>>, %arg6: memref<512x64xf32, #tpu.memory_space<vmem>>, %arg7: memref<512x64xf32, #tpu.memory_space<vmem>>) attributes {dimension_semantics = [#tpu.dimension_semantics<arbitrary>], iteration_bounds = array<i64: 20>, scalar_prefetch = 0 : i64, scratch_operands = 0 : i64, tpu.core_type = #tpu.core_type<tc>, window_params = [{transform_indices = @transform_0, window_bounds = array<i64: 512, 1>}, {transform_indices = @transform_1, window_bounds = array<i64: 512, 128>}, {transform_indices = @transform_2, window_bounds = array<i64: 512, 128>}, {transform_indices = @transform_3, window_bounds = array<i64: 512, 128>}, {pipeline_mode = #tpu.pipeline_mode<synchronous>, transform_indices = @transform_4, window_bounds = array<i64: 1, 128>}, {transform_indices = @transform_5, window_bounds = array<i64: 512, 64>}, {transform_indices = @transform_6, window_bounds = array<i64: 512, 64>}]} {
    %get3A = arith.constant 0 : index
    %get3A_0 = arith.constant 0 : index
    %get3A_1 = vector.load %arg1[%get3A, %get3A_0] : memref<512x1xf32, #tpu.memory_space<vmem>>, vector<512x1xf32>
    %get3A_2 = arith.constant 0 : index
    %get3A_3 = arith.constant 0 : index
    %get3A_4 = vector.load %arg2[%get3A_2, %get3A_3] : memref<512x128xf32, #tpu.memory_space<vmem>>, vector<512x128xf32>
    %get3A_5 = arith.constant 0 : index
    %get3A_6 = arith.constant 0 : index
    %get3A_7 = vector.load %arg3[%get3A_5, %get3A_6] : memref<512x128xf32, #tpu.memory_space<vmem>>, vector<512x128xf32>
    %add3A = arith.addf %get3A_4, %get3A_7 : vector<512x128xf32>
    %get3A_8 = arith.constant 0 : index
    %get3A_9 = arith.constant 0 : index
    %get3A_10 = vector.load %arg4[%get3A_8, %get3A_9] : memref<512x128xf32, #tpu.memory_space<vmem>>, vector<512x128xf32>
    %add3A_11 = arith.addf %add3A, %get3A_10 : vector<512x128xf32>
    %mul3A = vector.broadcast %get3A_1 : vector<512x1xf32> to vector<512x128xf32>
    %mul3A_12 = arith.mulf %add3A_11, %mul3A : vector<512x128xf32>
    %get3A_13 = arith.constant 0 : index
    %get3A_14 = arith.constant 0 : index
    %get3A_15 = vector.load %arg5[%get3A_13, %get3A_14] : memref<1x128xf32, #tpu.memory_space<vmem>>, vector<1x128xf32>
    %add3A_16 = vector.broadcast %get3A_15 : vector<1x128xf32> to vector<512x128xf32>
    %add3A_17 = arith.addf %mul3A_12, %add3A_16 : vector<512x128xf32>
    %slice3A = vector.extract_strided_slice %add3A_17 {offsets = [0, 0], sizes = [512, 64], strides = [1, 1]} : vector<512x128xf32> to vector<512x64xf32>
    %swap3A = arith.constant 0 : index
    %swap3A_18 = arith.constant 0 : index
    %swap3A_19 = vector.load %arg6[%swap3A, %swap3A_18] : memref<512x64xf32, #tpu.memory_space<vmem>>, vector<512x64xf32>
    tpu.vector_store %arg6[%swap3A, %swap3A_18], %slice3A {strides = array<i32>} : memref<512x64xf32, #tpu.memory_space<vmem>>, vector<512x64xf32>,
    %slice3A_20 = vector.extract_strided_slice %add3A_17 {offsets = [0, 64], sizes = [512, 64], strides = [1, 1]} : vector<512x128xf32> to vector<512x64xf32>
    %swap3A_21 = arith.constant 0 : index
    %swap3A_22 = arith.constant 0 : index
    %swap3A_23 = vector.load %arg7[%swap3A_21, %swap3A_22] : memref<512x64xf32, #tpu.memory_space<vmem>>, vector<512x64xf32>
    tpu.vector_store %arg7[%swap3A_21, %swap3A_22], %slice3A_20 {strides = array<i32>} : memref<512x64xf32, #tpu.memory_space<vmem>>, vector<512x64xf32>,
    return
  }
  func.func @transform_0(%arg0: i32) -> (i32, i32) {
    %c0_i32 = arith.constant 0 : i32
    %c0_i32_0 = arith.constant 0 : i32
    return %arg0, %c0_i32 : i32, i32
  }
  func.func @transform_1(%arg0: i32) -> (i32, i32) {
    %c0_i32 = arith.constant 0 : i32
    %c0_i32_0 = arith.constant 0 : i32
    return %arg0, %c0_i32 : i32, i32
  }
  func.func @transform_2(%arg0: i32) -> (i32, i32) {
    %c0_i32 = arith.constant 0 : i32
    %c0_i32_0 = arith.constant 0 : i32
    return %arg0, %c0_i32 : i32, i32
  }
  func.func @transform_3(%arg0: i32) -> (i32, i32) {
    %c0_i32 = arith.constant 0 : i32
    %c0_i32_0 = arith.constant 0 : i32
    return %arg0, %c0_i32 : i32, i32
  }
  func.func @transform_4(%arg0: i32) -> (i32, i32) {
    %c0_i32 = arith.constant 0 : i32
    %c0_i32_0 = arith.constant 0 : i32
    %c0_i32_1 = arith.constant 0 : i32
    return %c0_i32, %c0_i32_0 : i32, i32
  }
  func.func @transform_5(%arg0: i32) -> (i32, i32) {
    %c0_i32 = arith.constant 0 : i32
    %c0_i32_0 = arith.constant 0 : i32
    return %arg0, %c0_i32 : i32, i32
  }
  func.func @transform_6(%arg0: i32) -> (i32, i32) {
    %c0_i32 = arith.constant 0 : i32
    %c0_i32_0 = arith.constant 0 : i32
    return %arg0, %c0_i32 : i32, i32
  }
}

module attributes {stable_mosaic.version = 14 : i64} {
  func.func @_tc2_body(%arg0: i32, %arg1: memref<512x1xf32, #tpu.memory_space<vmem>>, %arg2: memref<512x128xf32, #tpu.memory_space<vmem>>, %arg3: memref<512x128xf32, #tpu.memory_space<vmem>>, %arg4: memref<512x128xf32, #tpu.memory_space<vmem>>, %arg5: memref<512x128xf32, #tpu.memory_space<vmem>>, %arg6: memref<1x256xf32, #tpu.memory_space<vmem>>, %arg7: memref<256x128xf32, #tpu.memory_space<vmem>>, %arg8: memref<512x128xf32, #tpu.memory_space<vmem>>) attributes {dimension_semantics = [#tpu.dimension_semantics<arbitrary>], iteration_bounds = array<i64: 20>, scalar_prefetch = 0 : i64, scratch_operands = 0 : i64, tpu.core_type = #tpu.core_type<tc>, window_params = [{transform_indices = @transform_0, window_bounds = array<i64: 512, 1>}, {transform_indices = @transform_1, window_bounds = array<i64: 512, 128>}, {transform_indices = @transform_2, window_bounds = array<i64: 512, 128>}, {transform_indices = @transform_3, window_bounds = array<i64: 512, 128>}, {transform_indices = @transform_4, window_bounds = array<i64: 512, 128>}, {pipeline_mode = #tpu.pipeline_mode<synchronous>, transform_indices = @transform_5, window_bounds = array<i64: 1, 256>}, {pipeline_mode = #tpu.pipeline_mode<synchronous>, transform_indices = @transform_6, window_bounds = array<i64: 256, 128>}, {transform_indices = @transform_7, window_bounds = array<i64: 512, 128>}]} {
    %get3A = arith.constant 0 : index
    %get3A_0 = arith.constant 0 : index
    %get3A_1 = vector.load %arg1[%get3A, %get3A_0] : memref<512x1xf32, #tpu.memory_space<vmem>>, vector<512x1xf32>
    %get3A_2 = arith.constant 0 : index
    %get3A_3 = arith.constant 0 : index
    %get3A_4 = vector.load %arg2[%get3A_2, %get3A_3] : memref<512x128xf32, #tpu.memory_space<vmem>>, vector<512x128xf32>
    %get3A_5 = arith.constant 0 : index
    %get3A_6 = arith.constant 0 : index
    %get3A_7 = vector.load %arg4[%get3A_5, %get3A_6] : memref<512x128xf32, #tpu.memory_space<vmem>>, vector<512x128xf32>
    %add3A = arith.addf %get3A_4, %get3A_7 : vector<512x128xf32>
    %get3A_8 = arith.constant 0 : index
    %get3A_9 = arith.constant 0 : index
    %get3A_10 = vector.load %arg3[%get3A_8, %get3A_9] : memref<512x128xf32, #tpu.memory_space<vmem>>, vector<512x128xf32>
    %get3A_11 = arith.constant 0 : index
    %get3A_12 = arith.constant 0 : index
    %get3A_13 = vector.load %arg5[%get3A_11, %get3A_12] : memref<512x128xf32, #tpu.memory_space<vmem>>, vector<512x128xf32>
    %add3A_14 = arith.addf %get3A_10, %get3A_13 : vector<512x128xf32>
    %concatenate3A = tpu.concatenate %add3A, %add3A_14 in 1 : vector<512x128xf32>, vector<512x128xf32> -> vector<512x256xf32>
    %mul3A = vector.broadcast %get3A_1 : vector<512x1xf32> to vector<512x256xf32>
    %mul3A_15 = arith.mulf %concatenate3A, %mul3A : vector<512x256xf32>
    %get3A_16 = arith.constant 0 : index
    %get3A_17 = arith.constant 0 : index
    %get3A_18 = vector.load %arg6[%get3A_16, %get3A_17] : memref<1x256xf32, #tpu.memory_space<vmem>>, vector<1x256xf32>
    %add3A_19 = vector.broadcast %get3A_18 : vector<1x256xf32> to vector<512x256xf32>
    %add3A_20 = arith.addf %mul3A_15, %add3A_19 : vector<512x256xf32>
    %max3A = arith.constant 0.000000e+00 : f32
    %max3A_21 = vector.broadcast %max3A : f32 to vector<512x256xf32>
    %max3A_22 = arith.maximumf %add3A_20, %max3A_21 : vector<512x256xf32>
    %get3A_23 = arith.constant 0 : index
    %get3A_24 = arith.constant 0 : index
    %get3A_25 = vector.load %arg7[%get3A_23, %get3A_24] : memref<256x128xf32, #tpu.memory_space<vmem>>, vector<256x128xf32>
    %dot_general3A = arith.constant dense<0.000000e+00> : vector<512x128xf32>
    %dot_general3A_26 = tpu.matmul %max3A_22, %get3A_25, %dot_general3A {dimension_numbers = #tpu.dot_dimension_numbers<[1], [0], [0], [1], [0, 0, 1, 1], [], []>, transpose_lhs_hint = false} : vector<512x256xf32>, vector<256x128xf32>, vector<512x128xf32> -> vector<512x128xf32>
    %mul3A_27 = vector.broadcast %get3A_1 : vector<512x1xf32> to vector<512x128xf32>
    %mul3A_28 = arith.mulf %dot_general3A_26, %mul3A_27 : vector<512x128xf32>
    %swap3A = arith.constant 0 : index
    %swap3A_29 = arith.constant 0 : index
    %swap3A_30 = vector.load %arg8[%swap3A, %swap3A_29] : memref<512x128xf32, #tpu.memory_space<vmem>>, vector<512x128xf32>
    tpu.vector_store %arg8[%swap3A, %swap3A_29], %mul3A_28 {strides = array<i32>} : memref<512x128xf32, #tpu.memory_space<vmem>>, vector<512x128xf32>,
    return
  }
  func.func @transform_0(%arg0: i32) -> (i32, i32) {
    %c0_i32 = arith.constant 0 : i32
    %c0_i32_0 = arith.constant 0 : i32
    return %arg0, %c0_i32 : i32, i32
  }
  func.func @transform_1(%arg0: i32) -> (i32, i32) {
    %c0_i32 = arith.constant 0 : i32
    %c0_i32_0 = arith.constant 0 : i32
    return %arg0, %c0_i32 : i32, i32
  }
  func.func @transform_2(%arg0: i32) -> (i32, i32) {
    %c0_i32 = arith.constant 0 : i32
    %c0_i32_0 = arith.constant 0 : i32
    return %arg0, %c0_i32 : i32, i32
  }
  func.func @transform_3(%arg0: i32) -> (i32, i32) {
    %c0_i32 = arith.constant 0 : i32
    %c0_i32_0 = arith.constant 0 : i32
    return %arg0, %c0_i32 : i32, i32
  }
  func.func @transform_4(%arg0: i32) -> (i32, i32) {
    %c0_i32 = arith.constant 0 : i32
    %c0_i32_0 = arith.constant 0 : i32
    return %arg0, %c0_i32 : i32, i32
  }
  func.func @transform_5(%arg0: i32) -> (i32, i32) {
    %c0_i32 = arith.constant 0 : i32
    %c0_i32_0 = arith.constant 0 : i32
    %c0_i32_1 = arith.constant 0 : i32
    return %c0_i32, %c0_i32_0 : i32, i32
  }
  func.func @transform_6(%arg0: i32) -> (i32, i32) {
    %c0_i32 = arith.constant 0 : i32
    %c0_i32_0 = arith.constant 0 : i32
    %c0_i32_1 = arith.constant 0 : i32
    return %c0_i32, %c0_i32_0 : i32, i32
  }
  func.func @transform_7(%arg0: i32) -> (i32, i32) {
    %c0_i32 = arith.constant 0 : i32
    %c0_i32_0 = arith.constant 0 : i32
    return %arg0, %c0_i32 : i32, i32
  }
}

</mosaic_0001>

<sc_bundles>
// kernel: kernel.11.cloned.1.call-start
scs
__scs_entry_jumppad:
0x0: {  	(pc) =	sbr.rel $0x88, $3  }
0x1: {  	(tag) =	ssettag $0x0;
	lr =	simm.s32 $0x1  }
0x2: {  	[smem:$0x3F99] =	sst lr;
	_ =	strace $0xD0000000  }
0x3: {  	_ = 	snop  }
0x4: {  	_ = 	snop  }
0x5: {  	_ = 	snop  }
0x6: {  	_ = 	snop  }
0x7: {  	_ = 	snop  }
__scs_overlays_trampoline_lowered:
0x8: {  	[smem:$0x3FA8] =	sst s0  }
0x9: {  	[smem:$0x3FA9] =	sst s1  }
0xa: {  	[smem:$0x3FAA] =	sst s2  }
0xb: {  	[smem:$0x3FAB] =	sst s3  }
0xc: {  	[smem:$0x3FAC] =	sst s4  }
0xd: {  	[smem:$0x3FAD] =	sst s5  }
0xe: {  	[smem:$0x3FAE] =	sst s6  }
0xf: {  	[smem:$0x3FAF] =	sst s7  }
0x10: {  	[smem:$0x3FB0] =	sst s8  }
0x11: {  	[smem:$0x3FB1] =	sst s9;
	s0 =	simm.s32 @!p0 $0x0  }
0x12: {  	s1 =	sld [smem:$0x3F97];
	s0 =	simm.s32 @p0 $0x1  }
0x13: {  	[smem:$0x3FB2] =	sst s0;
	s0 =	simm.s32 @!p1 $0x0  }
0x14: {  	s2 =	sld [smem:$0x3F96];
	s0 =	simm.s32 @p1 $0x1  }
0x15: {  	[smem:$0x3FB3] =	sst s0;
	s0 =	simm.s32 @!p2 $0x0  }
0x16: {  	s3 =	sld [smem:$0x3FDB];
	s0 =	simm.s32 @p2 $0x1  }
0x17: {  	s4 =	simm.s32 $0x1BF5;
	[smem:$0x3FB5] =	sst s0  }
0x18: {  	s0 =	sld [smem:$0x3F98];
	_ =	swait.ge [sflag:s4], $0x0  }
0x19: {  	s7 =	sld [smem:$0x3F99]  }
0x1a: {  	s8 =	sadd.s32 $0xFFFFE003, lr  }
0x1b: {  	s9 =	sadd.s32 $0xFFFFFEF7, lr;
	s5 =	simm.s32 $0xFFFFFFFF;
	p2 =	slt.u32 s8, $0xFFFFF086  }
0x1c: {  	p1 =	slt.u32 s9, $0xF7A;
	s5 =	simm.s32 @!p2 $0x0  }
0x1d: {  	s5 =	simm.s32 @p1 $0x1;
	p0 =	seq.s32 s7, s2  }
0x1e: {  	s7 =	smul.u32 @!p0 $0xF7A, s2;
	p2 =	seq.s32 @!p0 s5, $0x0  }
0x1f: {  	s9 =	smul.u32 $0xF7A, s1;
	s8 =	simm.s32 @!p0 $0x1BF5;
	p2 =	por !p2, p0  }
0x20: {  	[sflag:s8] =	ssyncset.s32 @!p0 $0xFFFFF086;
	s6 =	sadd.s32 @!p0 s3, s7;
	s7 =	simm.s32 @!p0 $0x108  }
0x21: {  	s3 =	sadd.s32 s3, s9;
	s6 =	sadd.s32 @!p0 $0x88, s6;
	s7 =	simm.s32 @p2 $0x1082  }
0x22: {  	[simem:s7], [sflag:s8] =	dma.local @!p0 [hbm:s6], $0xF7A  }
0x23: {  	s9 =	sor.u32 $0xD0000000, s2;
	s6 =	simm.s32 $0x108;
	_ =	swait.ge @!p0 [sflag:s8], $0x0  }
0x24: {  	s3 =	sadd.s32 $0x88, s3;
	s6 =	simm.s32 @!p1 $0x1082;
	[sflag:s4] =	ssyncset.s32 $0xFFFFF086  }
0x25: {  	[simem:s6], [sflag:s4] =	dma.local [hbm:s3], $0xF7A  }
0x26: {  	[smem:$0x3F99] =	sst s1;
	(tag) =	ssettag s2;
	_ =	strace s9  }
0x27: {  	s1 =	sld [smem:$0x3FA9]  }
0x28: {  	s2 =	sld [smem:$0x3FAA]  }
0x29: {  	s4 =	sld [smem:$0x3FAC]  }
0x2a: {  	p0 =	seq.s32 s5, $0x0;
	s5 =	sld [smem:$0x3FAD]  }
0x2b: {  	s6 =	sld [smem:$0x3FAE]  }
0x2c: {  	s7 =	sld [smem:$0x3FAF]  }
0x2d: {  	s3 =	simm.s32 $0x108;
	s8 =	sld [smem:$0x3FB0]  }
0x2e: {  	s3 =	simm.s32 @!p0 $0x1082;
	s9 =	sld [smem:$0x3FB1]  }
0x2f: {  	lr =	sadd.s32 s0, s3;
	s0 =	sld [smem:$0x3FA8]  }
0x30: {  	s3 =	sld [smem:$0x3FAB]  }
0x31: {  	[smem:$0x3FB4] =	sst s10  }
0x32: {  	s10 =	sld [smem:$0x3FB2];
	_ =	sdelay $0x3  }
0x33: {  	p0 =	seq.s32 s10, $0x1;
	s10 =	sld [smem:$0x3FB4];
	_ =	sdelay $0x3  }
0x34: {  	[smem:$0x3FB4] =	sst s10  }
0x35: {  	s10 =	sld [smem:$0x3FB3];
	_ =	sdelay $0x3  }
0x36: {  	p1 =	seq.s32 s10, $0x1;
	s10 =	sld [smem:$0x3FB4];
	_ =	sdelay $0x3  }
0x37: {  	[smem:$0x3FB4] =	sst s10  }
0x38: {  	s10 =	sld [smem:$0x3FB5]  }
0x39: {  	_ = 	snop;
	(pc) =	sbr.ind lr, $3  }
0x3a: {  	_ = 	snop  }
0x3b: {  	_ = 	snop  }
0x3c: {  	p2 =	seq.s32 s10, $0x1;
	s10 =	sld [smem:$0x3FB4]  }
0x3d: {  	_ =	shalt  }
0x3e: {  	_ =	shalt  }
0x3f: {  	_ =	shalt  }
0x40: {  	_ =	shalt  }
0x41: {  	_ =	shalt  }
0x42: {  	_ =	shalt  }
0x43: {  	_ =	shalt  }
0x44: {  	_ =	shalt  }
0x45: {  	_ =	shalt  }
0x46: {  	_ =	shalt  }
0x47: {  	_ =	shalt  }
0x48: {  	_ =	shalt  }
0x49: {  	_ =	shalt  }
0x4a: {  	_ =	shalt  }
0x4b: {  	_ =	shalt  }
0x4c: {  	_ =	shalt  }
0x4d: {  	_ =	shalt  }
0x4e: {  	_ =	shalt  }
0x4f: {  	_ =	shalt  }
0x50: {  	_ =	shalt  }
0x51: {  	_ =	shalt  }
0x52: {  	_ =	shalt  }
0x53: {  	_ =	shalt  }
0x54: {  	_ =	shalt  }
0x55: {  	_ =	shalt  }
0x56: {  	_ =	shalt  }
0x57: {  	_ =	shalt  }
0x58: {  	_ =	shalt  }
0x59: {  	_ =	shalt  }
0x5a: {  	_ =	shalt  }
0x5b: {  	_ =	shalt  }
0x5c: {  	_ =	shalt  }
0x5d: {  	_ =	shalt  }
0x5e: {  	_ =	shalt  }
0x5f: {  	_ =	shalt  }
0x60: {  	_ =	shalt  }
0x61: {  	_ =	shalt  }
0x62: {  	_ =	shalt  }
0x63: {  	_ =	shalt  }
0x64: {  	_ =	shalt  }
0x65: {  	_ =	shalt  }
0x66: {  	_ =	shalt  }
0x67: {  	_ =	shalt  }
0x68: {  	_ =	shalt  }
0x69: {  	_ =	shalt  }
0x6a: {  	_ =	shalt  }
0x6b: {  	_ =	shalt  }
0x6c: {  	_ =	shalt  }
0x6d: {  	_ =	shalt  }
0x6e: {  	_ =	shalt  }
0x6f: {  	_ =	shalt  }
0x70: {  	_ =	shalt  }
0x71: {  	_ =	shalt  }
0x72: {  	_ =	shalt  }
0x73: {  	_ =	shalt  }
0x74: {  	_ =	shalt  }
0x75: {  	_ =	shalt  }
0x76: {  	_ =	shalt  }
0x77: {  	_ =	shalt  }
0x78: {  	_ =	shalt  }
0x79: {  	_ =	shalt  }
0x7a: {  	_ =	shalt  }
0x7b: {  	_ =	shalt  }
0x7c: {  	_ =	shalt  }
0x7d: {  	_ =	shalt  }
0x7e: {  	_ =	shalt  }
0x7f: {  	_ =	shalt  }
0x80: {  	_ =	shalt  }
0x81: {  	_ =	shalt  }
0x82: {  	_ =	shalt  }
0x83: {  	_ =	shalt  }
0x84: {  	_ =	shalt  }
0x85: {  	_ =	shalt  }
0x86: {  	_ =	shalt  }
0x87: {  	_ =	shalt  }
.Lfunc_end0:
.L_simem_size_0:
called_computation.1_lowered:
.L_overlay_start_0:
0x88: {  	s2 =	sld [smem:$0x3FD9]  }
0x89: {  	s3 =	sld [smem:$0x3FFE];
	_ =	sdelay $0x1  }
0x8a: {  	s1 =	srdreg.scid  }
0x8b: {  	s0 =	sand.u32 $0x1, s1  }
0x8c: {  	s14 =	sshll.u32 s0, $0xA;
	s2 =	sadd.s32 s3, s2  }
0x8d: {  	s2 =	sadd.s32 s2, s14  }
0x8e: {  	[smem:$0x3FC0] =	sst s2  }
0x8f: {  	_ = 	snop  }
0x90: {  	s2 =	sld [smem:$0x3FD0];
	_ =	sdelay $0x2  }
0x91: {  	s15 =	simm.s32 $0xA;
	s4 =	simm.s32 $0x10  }
0x92: {  	[smem:s4], [sflag:s15] =	dma.local [hbm:s2], $0x1  }
0x93: {  	_ =	swait.eq [sflag:s15], $0x1  }
0x94: {  	[sflag:s15] =	ssyncset.done $0x0  }
0x95: {  	[sflag:s15] =	ssyncadd.s32 $0xFFFFFFFF  }
0x96: {  	s16 =	sld [smem:$0x10];
	(tm) =	ssettm $0x1  }
0x97: {  	s17 =	sld [smem:$0x3FFB];
	_ =	sdelay $0x3  }
0x98: {  	_ =	strace s17  }
0x99: {  	s3 =	sld [smem:$0x3FFC];
	_ =	sdelay $0x3  }
0x9a: {  	_ =	strace s3  }
0x9b: {  	s3 =	sld [smem:$0x3FFD];
	_ =	sdelay $0x3  }
0x9c: {  	_ =	strace s3  }
0x9d: {  	_ =	strace $0x8FFFFFFF  }
0x9e: {  	s18 =	sld [smem:$0x3FDB];
	_ =	sdelay $0x1  }
0x9f: {  	s19 =	simm.s32 $_scs_section_size  }
0xa0: {  	s5 =	simm.s32 $_size__tile_overlayer_lowered;
	s6 =	simm.s32 $_tile_overlayer_lowered  }
0xa1: {  	s22 =	simm.s32 $0x1BFF;
	s21 =	sshll.u32 s6, $0x1;
	s3 =	sadd.s32 s19, s18  }
0xa2: {  	s7 =	simm.s32 $0x0;
	s20 =	sshll.u32 s5, $0x1;
	s5 =	sadd.s32 s21, s3  }
0xa3: {  	[timem:s7], [sflag:s22] =	dma.local [hbm:s5], s20  }
0xa4: {  	_ =	swait.ge [sflag:s22], s20  }
0xa5: {  	s4 =	ssub.s32 $0x0, s20;
	[sflag:s22] =	ssyncset.done $0x0  }
0xa6: {  	[sflag:s22] =	ssyncadd.s32 s4;
	_ =	sdelay $0x1  }
0xa7: {  	s23 =	simm.s32 $0x1B8B  }
0xa8: {  	_ =	swait.ge [sflag:s23], $0x1  }
0xa9: {  	[sflag:s23] =	ssyncset.done $0x0  }
0xaa: {  	s25 =	simm.s32 $0x1B8E;
	s24 =	sld [smem:$0x3FFE];
	[sflag:s23] =	ssyncadd.s32 $0xFFFFFFFF  }
0xab: {  	s26 =	simm.s32 $execute0_lowered;
	[smem:$0x3FD2] =	sst s25  }
0xac: {  	s5 =	sshll.u32 s26, $0x1;
	_ =	strace $0x80000049;
	[dreg:$0x1] =	wrdreg $0xFFFFFFFF  }
0xad: {  	s28 =	simm.s32 $_size_execute0_lowered;
	s3 =	sadd.s32 s3, s5;
	[dreg:$0x0] =	wrdreg $0x0  }
0xae: {  	s5 =	sshll.u32 s28, $0x1;
	[dreg:$0x2] =	wrdreg s3  }
0xaf: {  	[dreg:$0x3] =	wrdreg s5  }
0xb0: {  	[dreg:$0x4] =	wrdreg $0xC0  }
0xb1: {  	_ =	task [dreg:s7], $0x5FFFF  }
0xb2: {  	[dreg:$0x1] =	wrdreg $0xFFFFFFFF  }
0xb3: {  	[dreg:$0x0] =	wrdreg $0x60  }
0xb4: {  	[dreg:$0x2] =	wrdreg s24  }
0xb5: {  	[dreg:$0x3] =	wrdreg s16  }
0xb6: {  	[dreg:$0x4] =	wrdreg $0xA8000  }
0xb7: {  	[dreg:$0x5] =	wrdreg $0x9  }
0xb8: {  	_ =	task.clear_ibuf [dreg:s7], $0x6FFFF;
	_ =	strace $0x90000049  }
0xb9: {  	s29 =	simm.s32 $0x9;
	_ =	strace $0x8000004B  }
0xba: {  	_ =	swait.ge [sflag:s29], $0x1  }
0xbb: {  	[sflag:s29] =	ssyncadd.s32 $0xFFFFFFFF  }
0xbc: {  	_ =	strace $0x9000004B  }
0xbd: {  	_ =	sfence  }
0xbe: {  	s30 =	sld [smem:$0x0];
	_ =	sdelay $0x2  }
0xbf: {  	s31 =	sshll.u32 s1, $0xD;
	s1 =	sshrl.u32 s1, $0x2  }
0xc0: {  	s3 =	sand.u32 $0x4000, s31;
	s1 =	sadd.s32 s1, s30  }
0xc1: {  	s0 =	sor.u32 s3, s0;
	s1 =	sshll.u32 s1, $0x11  }
0xc2: {  	s0 =	sor.u32 s1, s0  }
0xc3: {  	s0 =	sadd.s32 $0x8F2B, s0  }
0xc4: {  	[sflag:s0] =	ssyncadd.remote.s32 $0x1  }
0xc5: {  	_ =	sfence.sel $0xFFFF  }
0xc6: {  	[dreg:$0x0] =	wrdreg $0xFFFFFFFF;
	(pc) =	sbr.abs _section_cstart, $3  }
0xc7: {  	[dreg:$0x1] =	wrdreg $0xFFFFFFFF  }
0xc8: {  	_ =	task.clear_ibuf [dreg:s7], $0x2FFFF;
	_ =	strace $0x9FFFFFFF  }
0xc9: {  	(tm) =	ssettm $0x7FFFFFFF  }
tec
execute0_lowered:
.L_overlay_start_1:
0x0: {  	(tag) =	ssettag $0x1  }
0x1: {  	s0 =	rddreg [dreg:$0x0]  }
0x2: {  	s1 =	rddreg [dreg:$0x1]  }
0x3: {  	s2 =	rddreg [dreg:$0x2]  }
0x4: {  	s3 =	simm.s32 $0x0;
	s30 =	srdreg.scid;
	s4 =	stileid.u32  }
0x5: {  	s18 =	simm.s32 $0x2800;
	s19 =	simm.s32 $0x3;
	s20 =	simm.s32 $0x1400  }
0x6: {  	s21 =	simm.s32 $0x80;
	s22 =	simm.s32 $0x6800;
	s23 =	simm.s32 $0x1  }
0x7: {  	s24 =	simm.s32 $0x2;
	s25 =	simm.s32 $0x1380;
	s26 =	simm.s32 $0x2700  }
0x8: {  	s28 =	simm.s32 $0x2780;
	s29 =	simm.s32 $0x0;
	[smem:$0x7FF] =	sst s3  }
0x9: {  	s5 =	sadd.s32 $0xD400, s0;
	s6 =	sadd.s32 $0x35400, s0;
	s3 =	sand.u32 $0x1, s30  }
0xa: {  	s10 =	smul.u32 $0x50000, s4;
	s7 =	sadd.s32 $0x3400, s0;
	s8 =	sadd.s32 $0x5D400, s0  }
0xb: {  	s0 =	sadd.s32 $0x85400, s0;
	s12 =	smul.u32 $0x2800, s4;
	_ =	strace $0x8000004A  }
.Ltmp0:
0xc: {  	[dreg:$0x4] =	wrdreg s8;
	s11 =	ssub.s32 $0x2, s3;
	(pc) =	sbr.rel .LBB2_1-.Ltmp0, $4  }
0xd: {  	[dreg:$0x5] =	wrdreg s0;
	s31 =	sshrl.u32 s11, $0x1;
	s10 =	sshrl.u32 s10, $0x2  }
0xe: {  	p0 =	seq.s32 s3, $0x1;
	s0 =	ssub.s32 s11, s31;
	s10 =	sadd.s32 s10, s2  }
0xf: {  	s11 =	smul.u32 $0x5000, s4;
	s13 =	smax.u32 s0, $0x1;
	s14 =	sadd.s32 $0x4000, s10  }
0x10: {  	v0 =	vimm.f32 $0.0e+00;
	s15 =	sadd.s32 $0x8000, s10;
	s16 =	sadd.s32 $0xC000, s10;
	s17 =	sadd.s32 $0x10000, s10  }
.LBB2_12:
0x11: {  	s0 =	sadd.s32 s0, s12;
	s3 =	stileid.u32;
	s29 =	sadd.s32 $0x1, s29  }
0x12: {  	[bflag:$0x0] =	sbarrier.arrive $0xFFFF;
	s3 =	sshll.u32 s3, $0x6;
	p1 =	sne.s32 s29, s13  }
.Ltmp1:
0x13: {  	s4 =	sshrl.u32 s10, $0x3;
	s3 =	sor.u32 $0x1C03, s3;
	(pc) =	sbr.rel @!p1 .LBB2_13-.Ltmp1, $4  }
0x14: {  	[hbm:s0], [sflag:s3] =	dma.local [spmem:s4], $0x2800  }
0x15: {  	_ =	swait.ge [sflag:s19], $0x2800  }
0x16: {  	[sflag:s19] =	ssyncset.done $0x0  }
0x17: {  	[sflag:s19] =	ssyncadd.s32 $0xFFFFD800  }
.LBB2_1:
0x18: {  	s0 =	simm.s32 $0x0  }
0x19: {  	s3 =	sand.u32 $0xFFFFFF80, s0  }
0x1a: {  	s3 =	ssub.s32 $0x0, s3  }
0x1b: {  	s4 =	simm.s32 $0x0;
	s0 =	sand.u32 $0x3FFFFF80, s0;
	s3 =	sand.u32 $0xFFFFFF80, s3  }
0x1c: {  	s30 =	sand.u32 $0x70, s4;
	s3 =	sadd.s32 s3, s0  }
0x1d: {  	s0 =	simm.s32 $0x1;
	s3 =	sor.u32 s30, s3;
	s30 =	simm.s32 $0x0  }
.LBB2_2:
0x1e: {  	s31 =	sshll.u32 s0, $0x4;
	p1 =	sne.s32 s0, $0x3FF;
	s0 =	sadd.s32 $0x1, s0;
	[tilespmem:s3+$0x2800] =	vst v0  }
.Ltmp2:
0x1f: {  	s30 =	sadd.s32 $0x10, s30;
	s3 =	sand.u32 $0xFFFFFF80, s31;
	(pc) =	sbr.rel @p1 .LBB2_2-.Ltmp2, $4  }
0x20: {  	s3 =	ssub.s32 s30, s3  }
0x21: {  	s31 =	sand.u32 $0x3FFFFF80, s31;
	s3 =	sand.u32 $0xFFFFFF80, s3  }
0x22: {  	s8 =	sand.u32 $0x70, s30;
	s3 =	sadd.s32 s3, s31  }
0x23: {  	s3 =	sor.u32 s8, s3  }
0x24: {  	[tilespmem:s3+$0x2800] =	vst v0  }
0x25: {  	[spmem:s10] =	stream.linear.scatter [tilespmem:s18], [sflag:$0x3], $0x4000, $0x38;
	[tilespmem:$0x1E800] =	vst v63  }
0x26: {  	_ =	swait.ge [sflag:s19], $0x4000  }
0x27: {  	[sflag:s19] =	ssyncset.done $0x0  }
0x28: {  	[sflag:s19] =	ssyncadd.s32 $0xFFFFC000  }
0x29: {  	[spmem:s14] =	stream.linear.scatter [tilespmem:s18], [sflag:$0x3], $0x4000, $0x38;
	[tilespmem:$0x1E800] =	vst v63  }
0x2a: {  	_ =	swait.ge [sflag:s19], $0x4000  }
0x2b: {  	[sflag:s19] =	ssyncset.done $0x0  }
0x2c: {  	[sflag:s19] =	ssyncadd.s32 $0xFFFFC000  }
0x2d: {  	[spmem:s15] =	stream.linear.scatter [tilespmem:s18], [sflag:$0x3], $0x4000, $0x38;
	[tilespmem:$0x1E800] =	vst v63  }
0x2e: {  	_ =	swait.ge [sflag:s19], $0x4000  }
0x2f: {  	[sflag:s19] =	ssyncset.done $0x0  }
0x30: {  	[sflag:s19] =	ssyncadd.s32 $0xFFFFC000  }
0x31: {  	[spmem:s16] =	stream.linear.scatter [tilespmem:s18], [sflag:$0x3], $0x4000, $0x38;
	[tilespmem:$0x1E800] =	vst v63  }
0x32: {  	_ =	swait.ge [sflag:s19], $0x4000  }
0x33: {  	[sflag:s19] =	ssyncset.done $0x0  }
0x34: {  	[sflag:s19] =	ssyncadd.s32 $0xFFFFC000  }
0x35: {  	[spmem:s17] =	stream.linear.scatter [tilespmem:s18], [sflag:$0x3], $0x4000, $0x38;
	[tilespmem:$0x1E800] =	vst v63  }
.Ltmp3:
0x36: {  	_ =	swait.ge [sflag:s19], $0x4000;
	(pc) =	sbr.rel @!p0 .LBB2_4-.Ltmp3, $4  }
0x37: {  	[sflag:s19] =	ssyncset.done $0x0  }
0x38: {  	[sflag:s19] =	ssyncadd.s32 $0xFFFFC000  }
0x39: {  	[bflag:$0x0] =	sbarrier.arrive $0xFFFF  }
0x3a: {  	s30 =	simm.s32 $0x0;
	s31 =	simm.s32 $0x0;
	s0 =	simm.s32 $0x0  }
.LBB2_8:
0x3b: {  	s3 =	smul.u32 $0x1400, s0;
	_ =	sdelay $0x1  }
0x3c: {  	s3 =	sadd.s32 s11, s3  }
0x3d: {  	s3 =	sshrl.u32 s3, $0x3  }
0x3e: {  	s4 =	sadd.s32 s1, s3  }
0x3f: {  	[tilespmem:s30], [sflag:$0x3] =	stream.linear.gather [hbm4b:s4+s30], $0x1400, $0x38;
	[tilespmem:$0x1E800] =	vst v63  }
0x40: {  	_ =	swait.ge [sflag:s19], $0x1400  }
0x41: {  	[sflag:s19] =	ssyncset.done $0x0  }
0x42: {  	s3 =	sadd.s32 s7, s3;
	[sflag:s19] =	ssyncadd.s32 $0xFFFFEC00  }
0x43: {  	[tilespmem:s20], [sflag:$0x3] =	stream.linear.gather [hbm4b:s3+s30], $0x1400, $0x38;
	[tilespmem:$0x1E800] =	vst v63  }
0x44: {  	_ =	swait.ge [sflag:s19], $0x1400  }
0x45: {  	[sflag:s19] =	ssyncset.done $0x0  }
0x46: {  	[sflag:s19] =	ssyncadd.s32 $0xFFFFEC00  }
0x47: {  	[tilespmem:s18], [sflag:$0x1] =	stream.indirect.gather [hbm4b:s6+s21], $0x80, s30, s21, $0xb8;
	[tilespmem:$0x1E800] =	vst v63  }
0x48: {  	s9 =	simm.s32 $0x80  }
0x49: {  	[tilespmem:s22], [sflag:$0x2] =	stream.indirect.gather [hbm4b:s6+s21], $0x80, s9, s21, $0xb8;
	[tilespmem:$0x1E800] =	vst v63  }
0x4a: {  	_ =	swait.ge [sflag:s23], $0x4000  }
0x4b: {  	[sflag:s23] =	ssyncset.done $0x0  }
0x4c: {  	s4 =	simm.s32 $0x1400;
	[sflag:s23] =	ssyncadd.s32 $0xFFFFC000  }
0x4d: {  	[spmem:s2] =	stream.indirect.scatter.add.f32 [tilespmem:s18], [sflag:$0x3], $0x80, s4, s21, $0xb8;
	[tilespmem:$0x1E800] =	vst v63  }
0x4e: {  	_ =	swait.ge [sflag:s19], $0x4000  }
0x4f: {  	[sflag:s19] =	ssyncset.done $0x0  }
0x50: {  	s8 =	simm.s32 $0x100;
	[sflag:s19] =	ssyncadd.s32 $0xFFFFC000  }
0x51: {  	[tilespmem:s18], [sflag:$0x1] =	stream.indirect.gather [hbm4b:s6+s21], $0x80, s8, s21, $0xb8;
	[tilespmem:$0x1E800] =	vst v63  }
0x52: {  	_ =	swait.ge [sflag:s24], $0x4000  }
0x53: {  	[sflag:s24] =	ssyncset.done $0x0  }
0x54: {  	s9 =	simm.s32 $0x1480;
	[sflag:s24] =	ssyncadd.s32 $0xFFFFC000  }
0x55: {  	[spmem:s2] =	stream.indirect.scatter.add.f32 [tilespmem:s22], [sflag:$0x3], $0x80, s9, s21, $0xb8;
	[tilespmem:$0x1E800] =	vst v63  }
0x56: {  	_ =	swait.ge [sflag:s19], $0x4000  }
0x57: {  	s31 =	simm.s32 $0x100;
	s3 =	simm.s32 $0x800;
	[sflag:s19] =	ssyncset.done $0x0  }
.LBB2_9:
0x58: {  	s4 =	sadd.s32 $0x80, s31  }
0x59: {  	[sflag:s19] =	ssyncadd.s32 $0xFFFFC000;
	s8 =	smov.u32 s3;
	s9 =	sadd.s32 $0x400, s3  }
0x5a: {  	[tilespmem:s22], [sflag:$0x2] =	stream.indirect.gather [hbm4b:s6+s21], $0x80, s4, s21, $0xb8;
	[tilespmem:$0x1E800] =	vst v63  }
0x5b: {  	p1 =	sne.s32 s3, $0x4800;
	_ =	swait.ge [sflag:s23], $0x4000  }
0x5c: {  	[sflag:s23] =	ssyncset.done $0x0  }
0x5d: {  	s3 =	sadd.s32 $0x1400, s31;
	[sflag:s23] =	ssyncadd.s32 $0xFFFFC000  }
0x5e: {  	[spmem:s2] =	stream.indirect.scatter.add.f32 [tilespmem:s18], [sflag:$0x3], $0x80, s3, s21, $0xb8;
	[tilespmem:$0x1E800] =	vst v63  }
0x5f: {  	_ =	swait.ge [sflag:s19], $0x4000  }
0x60: {  	[sflag:s19] =	ssyncset.done $0x0  }
0x61: {  	s3 =	sadd.s32 $0x100, s31;
	[sflag:s19] =	ssyncadd.s32 $0xFFFFC000  }
0x62: {  	[tilespmem:s18], [sflag:$0x1] =	stream.indirect.gather [hbm4b:s6+s21], $0x80, s3, s21, $0xb8;
	[tilespmem:$0x1E800] =	vst v63  }
0x63: {  	_ =	swait.ge [sflag:s24], $0x4000  }
.Ltmp4:
0x64: {  	[sflag:s24] =	ssyncset.done $0x0;
	(pc) =	sbr.rel @p1 .LBB2_9-.Ltmp4, $4  }
0x65: {  	s3 =	sadd.s32 $0x1480, s31;
	[sflag:s24] =	ssyncadd.s32 $0xFFFFC000  }
0x66: {  	[spmem:s2] =	stream.indirect.scatter.add.f32 [tilespmem:s22], [sflag:$0x3], $0x80, s3, s21, $0xb8;
	[tilespmem:$0x1E800] =	vst v63  }
0x67: {  	_ =	swait.ge [sflag:s19], $0x4000  }
0x68: {  	s31 =	sshra.s32 s8, $0x2;
	s3 =	smov.u32 s9;
	[sflag:s19] =	ssyncset.done $0x0  }
0x69: {  	s3 =	sadd.s32 $0x80, s31;
	[sflag:s19] =	ssyncadd.s32 $0xFFFFC000  }
0x6a: {  	[tilespmem:s22], [sflag:$0x2] =	stream.indirect.gather [hbm4b:s6+s21], $0x80, s3, s21, $0xb8;
	[tilespmem:$0x1E800] =	vst v63  }
0x6b: {  	_ =	swait.ge [sflag:s23], $0x4000  }
0x6c: {  	[sflag:s23] =	ssyncset.done $0x0  }
0x6d: {  	s8 =	sadd.s32 $0x1400, s31;
	[sflag:s23] =	ssyncadd.s32 $0xFFFFC000  }
0x6e: {  	[spmem:s2] =	stream.indirect.scatter.add.f32 [tilespmem:s18], [sflag:$0x3], $0x80, s8, s21, $0xb8;
	[tilespmem:$0x1E800] =	vst v63  }
0x6f: {  	_ =	swait.ge [sflag:s19], $0x4000  }
0x70: {  	[sflag:s19] =	ssyncset.done $0x0  }
0x71: {  	s9 =	sadd.s32 $0x100, s31;
	[sflag:s19] =	ssyncadd.s32 $0xFFFFC000  }
0x72: {  	[tilespmem:s18], [sflag:$0x1] =	stream.indirect.gather [hbm4b:s6+s21], $0x80, s9, s21, $0xb8;
	[tilespmem:$0x1E800] =	vst v63  }
0x73: {  	_ =	swait.ge [sflag:s24], $0x4000  }
0x74: {  	[sflag:s24] =	ssyncset.done $0x0  }
0x75: {  	s31 =	sadd.s32 $0x1480, s31;
	[sflag:s24] =	ssyncadd.s32 $0xFFFFC000  }
0x76: {  	[spmem:s2] =	stream.indirect.scatter.add.f32 [tilespmem:s22], [sflag:$0x3], $0x80, s31, s21, $0xb8;
	[tilespmem:$0x1E800] =	vst v63  }
0x77: {  	_ =	swait.ge [sflag:s19], $0x4000  }
0x78: {  	[sflag:s19] =	ssyncset.done $0x0  }
0x79: {  	[sflag:s19] =	ssyncadd.s32 $0xFFFFC000  }
0x7a: {  	[tilespmem:s22], [sflag:$0x2] =	stream.indirect.gather [hbm4b:s6+s21], $0x80, s25, s21, $0xb8;
	[tilespmem:$0x1E800] =	vst v63  }
0x7b: {  	_ =	swait.ge [sflag:s23], $0x4000  }
0x7c: {  	[sflag:s23] =	ssyncset.done $0x0  }
0x7d: {  	[sflag:s23] =	ssyncadd.s32 $0xFFFFC000  }
0x7e: {  	[spmem:s2] =	stream.indirect.scatter.add.f32 [tilespmem:s18], [sflag:$0x3], $0x80, s26, s21, $0xb8;
	[tilespmem:$0x1E800] =	vst v63  }
0x7f: {  	_ =	swait.ge [sflag:s19], $0x4000  }
0x80: {  	[sflag:s19] =	ssyncset.done $0x0  }
0x81: {  	[sflag:s19] =	ssyncadd.s32 $0xFFFFC000  }
0x82: {  	s0 =	sadd.s32 $0x1, s0;
	_ =	swait.ge [sflag:s24], $0x4000  }
0x83: {  	p1 =	sne.s32 s0, $0x4;
	[sflag:s24] =	ssyncset.done $0x0  }
.Ltmp5:
0x84: {  	[sflag:s24] =	ssyncadd.s32 $0xFFFFC000;
	(pc) =	sbr.rel @p1 .LBB2_8-.Ltmp5, $4  }
0x85: {  	[spmem:s2] =	stream.indirect.scatter.add.f32 [tilespmem:s22], [sflag:$0x3], $0x80, s28, s21, $0xb8;
	[tilespmem:$0x1E800] =	vst v63  }
0x86: {  	_ =	swait.ge [sflag:s19], $0x4000  }
0x87: {  	[sflag:s19] =	ssyncset.done $0x0  }
0x88: {  	[sflag:s19] =	ssyncadd.s32 $0xFFFFC000  }
.Ltmp6:
0x89: {  	(pc) =	sbr.rel .LBB2_12-.Ltmp6, $2  }
0x8a: {  	_ =	sdelay $0x2  }
0x8b: {  	s0 =	rddreg [dreg:$0x5]  }
.LBB2_4:
0x8c: {  	s0 =	smul.u32 $0x1400, s31;
	_ =	sdelay $0x1  }
0x8d: {  	s0 =	sadd.s32 s11, s0  }
0x8e: {  	s0 =	sshrl.u32 s0, $0x3  }
0x8f: {  	s3 =	sadd.s32 s1, s0  }
0x90: {  	[tilespmem:s30], [sflag:$0x3] =	stream.linear.gather [hbm4b:s3+s30], $0x1400, $0x38;
	[tilespmem:$0x1E800] =	vst v63  }
0x91: {  	_ =	swait.ge [sflag:s19], $0x1400  }
0x92: {  	[sflag:s19] =	ssyncset.done $0x0  }
0x93: {  	s0 =	sadd.s32 s7, s0;
	[sflag:s19] =	ssyncadd.s32 $0xFFFFEC00  }
0x94: {  	[tilespmem:s20], [sflag:$0x3] =	stream.linear.gather [hbm4b:s0+s30], $0x1400, $0x38;
	[tilespmem:$0x1E800] =	vst v63  }
0x95: {  	_ =	swait.ge [sflag:s19], $0x1400  }
0x96: {  	[sflag:s19] =	ssyncset.done $0x0  }
0x97: {  	[sflag:s19] =	ssyncadd.s32 $0xFFFFEC00  }
0x98: {  	[tilespmem:s18], [sflag:$0x1] =	stream.indirect.gather [hbm4b:s5+s21], $0x80, s30, s21, $0xb8;
	[tilespmem:$0x1E800] =	vst v63  }
0x99: {  	s3 =	simm.s32 $0x80  }
0x9a: {  	[tilespmem:s22], [sflag:$0x2] =	stream.indirect.gather [hbm4b:s5+s21], $0x80, s3, s21, $0xb8;
	[tilespmem:$0x1E800] =	vst v63  }
0x9b: {  	_ =	swait.ge [sflag:s23], $0x4000  }
0x9c: {  	[sflag:s23] =	ssyncset.done $0x0  }
0x9d: {  	s4 =	simm.s32 $0x1400;
	[sflag:s23] =	ssyncadd.s32 $0xFFFFC000  }
0x9e: {  	[spmem:s2] =	stream.indirect.scatter.add.f32 [tilespmem:s18], [sflag:$0x3], $0x80, s4, s21, $0xb8;
	[tilespmem:$0x1E800] =	vst v63  }
0x9f: {  	_ =	swait.ge [sflag:s19], $0x4000  }
0xa0: {  	[sflag:s19] =	ssyncset.done $0x0  }
0xa1: {  	s8 =	simm.s32 $0x100;
	[sflag:s19] =	ssyncadd.s32 $0xFFFFC000  }
0xa2: {  	[tilespmem:s18], [sflag:$0x1] =	stream.indirect.gather [hbm4b:s5+s21], $0x80, s8, s21, $0xb8;
	[tilespmem:$0x1E800] =	vst v63  }
0xa3: {  	_ =	swait.ge [sflag:s24], $0x4000  }
0xa4: {  	[sflag:s24] =	ssyncset.done $0x0  }
0xa5: {  	s9 =	simm.s32 $0x1480;
	[sflag:s24] =	ssyncadd.s32 $0xFFFFC000  }
0xa6: {  	[spmem:s2] =	stream.indirect.scatter.add.f32 [tilespmem:s22], [sflag:$0x3], $0x80, s9, s21, $0xb8;
	[tilespmem:$0x1E800] =	vst v63  }
0xa7: {  	_ =	swait.ge [sflag:s19], $0x4000  }
0xa8: {  	s0 =	simm.s32 $0x100;
	s3 =	simm.s32 $0x800;
	[sflag:s19] =	ssyncset.done $0x0  }
.LBB2_5:
0xa9: {  	s8 =	sadd.s32 $0x80, s0  }
0xaa: {  	[sflag:s19] =	ssyncadd.s32 $0xFFFFC000;
	s9 =	smov.u32 s3;
	s4 =	sadd.s32 $0x400, s3  }
0xab: {  	[tilespmem:s22], [sflag:$0x2] =	stream.indirect.gather [hbm4b:s5+s21], $0x80, s8, s21, $0xb8;
	[tilespmem:$0x1E800] =	vst v63  }
0xac: {  	p1 =	sne.s32 s3, $0x4800;
	_ =	swait.ge [sflag:s23], $0x4000  }
0xad: {  	[sflag:s23] =	ssyncset.done $0x0  }
0xae: {  	s3 =	sadd.s32 $0x1400, s0;
	[sflag:s23] =	ssyncadd.s32 $0xFFFFC000  }
0xaf: {  	[spmem:s2] =	stream.indirect.scatter.add.f32 [tilespmem:s18], [sflag:$0x3], $0x80, s3, s21, $0xb8;
	[tilespmem:$0x1E800] =	vst v63  }
0xb0: {  	_ =	swait.ge [sflag:s19], $0x4000  }
0xb1: {  	[sflag:s19] =	ssyncset.done $0x0  }
0xb2: {  	s3 =	sadd.s32 $0x100, s0;
	[sflag:s19] =	ssyncadd.s32 $0xFFFFC000  }
0xb3: {  	[tilespmem:s18], [sflag:$0x1] =	stream.indirect.gather [hbm4b:s5+s21], $0x80, s3, s21, $0xb8;
	[tilespmem:$0x1E800] =	vst v63  }
0xb4: {  	_ =	swait.ge [sflag:s24], $0x4000  }
.Ltmp7:
0xb5: {  	[sflag:s24] =	ssyncset.done $0x0;
	(pc) =	sbr.rel @p1 .LBB2_5-.Ltmp7, $4  }
0xb6: {  	s0 =	sadd.s32 $0x1480, s0;
	[sflag:s24] =	ssyncadd.s32 $0xFFFFC000  }
0xb7: {  	[spmem:s2] =	stream.indirect.scatter.add.f32 [tilespmem:s22], [sflag:$0x3], $0x80, s0, s21, $0xb8;
	[tilespmem:$0x1E800] =	vst v63  }
0xb8: {  	_ =	swait.ge [sflag:s19], $0x4000  }
0xb9: {  	s3 =	smov.u32 s4;
	s0 =	sshra.s32 s9, $0x2;
	[sflag:s19] =	ssyncset.done $0x0  }
0xba: {  	s3 =	sadd.s32 $0x80, s0;
	[sflag:s19] =	ssyncadd.s32 $0xFFFFC000  }
0xbb: {  	[tilespmem:s22], [sflag:$0x2] =	stream.indirect.gather [hbm4b:s5+s21], $0x80, s3, s21, $0xb8;
	[tilespmem:$0x1E800] =	vst v63  }
0xbc: {  	_ =	swait.ge [sflag:s23], $0x4000  }
0xbd: {  	[sflag:s23] =	ssyncset.done $0x0  }
0xbe: {  	s4 =	sadd.s32 $0x1400, s0;
	[sflag:s23] =	ssyncadd.s32 $0xFFFFC000  }
0xbf: {  	[spmem:s2] =	stream.indirect.scatter.add.f32 [tilespmem:s18], [sflag:$0x3], $0x80, s4, s21, $0xb8;
	[tilespmem:$0x1E800] =	vst v63  }
0xc0: {  	_ =	swait.ge [sflag:s19], $0x4000  }
0xc1: {  	[sflag:s19] =	ssyncset.done $0x0  }
0xc2: {  	s8 =	sadd.s32 $0x100, s0;
	[sflag:s19] =	ssyncadd.s32 $0xFFFFC000  }
0xc3: {  	[tilespmem:s18], [sflag:$0x1] =	stream.indirect.gather [hbm4b:s5+s21], $0x80, s8, s21, $0xb8;
	[tilespmem:$0x1E800] =	vst v63  }
0xc4: {  	_ =	swait.ge [sflag:s24], $0x4000  }
0xc5: {  	[sflag:s24] =	ssyncset.done $0x0  }
0xc6: {  	s9 =	sadd.s32 $0x1480, s0;
	[sflag:s24] =	ssyncadd.s32 $0xFFFFC000  }
0xc7: {  	[spmem:s2] =	stream.indirect.scatter.add.f32 [tilespmem:s22], [sflag:$0x3], $0x80, s9, s21, $0xb8;
	[tilespmem:$0x1E800] =	vst v63  }
0xc8: {  	_ =	swait.ge [sflag:s19], $0x4000  }
0xc9: {  	[sflag:s19] =	ssyncset.done $0x0  }
0xca: {  	[sflag:s19] =	ssyncadd.s32 $0xFFFFC000  }
0xcb: {  	[tilespmem:s22], [sflag:$0x2] =	stream.indirect.gather [hbm4b:s5+s21], $0x80, s25, s21, $0xb8;
	[tilespmem:$0x1E800] =	vst v63  }
0xcc: {  	_ =	swait.ge [sflag:s23], $0x4000  }
0xcd: {  	[sflag:s23] =	ssyncset.done $0x0  }
0xce: {  	[sflag:s23] =	ssyncadd.s32 $0xFFFFC000  }
0xcf: {  	[spmem:s2] =	stream.indirect.scatter.add.f32 [tilespmem:s18], [sflag:$0x3], $0x80, s26, s21, $0xb8;
	[tilespmem:$0x1E800] =	vst v63  }
0xd0: {  	_ =	swait.ge [sflag:s19], $0x4000  }
0xd1: {  	[sflag:s19] =	ssyncset.done $0x0  }
0xd2: {  	[sflag:s19] =	ssyncadd.s32 $0xFFFFC000  }
0xd3: {  	s31 =	sadd.s32 $0x1, s31;
	_ =	swait.ge [sflag:s24], $0x4000  }
0xd4: {  	p1 =	seq.s32 s31, $0x4;
	[sflag:s24] =	ssyncset.done $0x0  }
.Ltmp8:
0xd5: {  	[sflag:s24] =	ssyncadd.s32 $0xFFFFC000;
	(pc) =	sbr.rel @!p1 .LBB2_4-.Ltmp8, $4  }
0xd6: {  	[spmem:s2] =	stream.indirect.scatter.add.f32 [tilespmem:s22], [sflag:$0x3], $0x80, s28, s21, $0xb8;
	[tilespmem:$0x1E800] =	vst v63  }
0xd7: {  	_ =	swait.ge [sflag:s19], $0x4000  }
0xd8: {  	[sflag:s19] =	ssyncset.done $0x0  }
0xd9: {  	[sflag:s19] =	ssyncadd.s32 $0xFFFFC000  }
.Ltmp9:
0xda: {  	(pc) =	sbr.rel .LBB2_12-.Ltmp9, $2  }
0xdb: {  	_ =	sdelay $0x2  }
0xdc: {  	s0 =	rddreg [dreg:$0x4]  }
.LBB2_13:
0xdd: {  	_ =	sfence.sel $0x180000  }
0xde: {  	[bflag:$0x0] =	sbarrier.arrive $0xFFFF  }
0xdf: {  	_ =	strace $0x9000004A  }
0xe0: {  	s0 =	stileid.u32;
	[bflag:$0x2] =	sbarrier.arrive $0xFFFF  }
0xe1: {  	p0 =	sne.s32 s0, $0x0;
	s0 =	rddreg [dreg:$0x3]  }
0xe2: {  	s0 =	sadd.s32 @!p0 $0x100000, s0  }
0xe3: {  	[sflag:s0] =	ssyncadd.tile.s32 @!p0 $0x1;
	_ =	shalt  }
.Lfunc_end2:
_tile_overlayer_lowered:
.L_overlay_start_2:
0xe4: {  	(tag) =	ssettag $0x2  }
0xe5: {  	s0 =	rddreg [dreg:$0x0];
	s2 =	stileid.u32  }
0xe6: {  	s1 =	rddreg [dreg:$0x1];
	p0 =	sne.s32 s2, $0x0  }
0xe7: {  	s3 =	rddreg [dreg:$0x2];
	[bflag:$0x3] =	sbarrier.arrive $0xFFFF;
	s2 =	simm.s32 @!p0 $0x1C03  }
0xe8: {  	[timem:s3], [sflag:s2] =	dma.local @!p0 [hbm:s0], s1  }
0xe9: {  	s0 =	simm.s32 @!p0 $0x3  }
0xea: {  	_ =	swait.ge @!p0 [sflag:s0], s1  }
0xeb: {  	s1 =	ssub.s32 @!p0 $0x0, s1;
	[sflag:s0] =	ssyncset.done @!p0 $0x0  }
0xec: {  	[sflag:s0] =	ssyncadd.s32 @!p0 s1  }
0xed: {  	[bflag:$0x3] =	sbarrier.arrive $0xFFFF  }
0xee: {  	_ =	shalt  }

// kernel: kernel.14.cloned.1.call-start
scs
__scs_entry_jumppad:
0x0: {  	(pc) =	sbr.rel $0x88, $3  }
0x1: {  	(tag) =	ssettag $0x0;
	lr =	simm.s32 $0x1  }
0x2: {  	[smem:$0x3F99] =	sst lr;
	_ =	strace $0xD0000000  }
0x3: {  	_ = 	snop  }
0x4: {  	_ = 	snop  }
0x5: {  	_ = 	snop  }
0x6: {  	_ = 	snop  }
0x7: {  	_ = 	snop  }
__scs_overlays_trampoline_lowered:
0x8: {  	[smem:$0x3FA8] =	sst s0  }
0x9: {  	[smem:$0x3FA9] =	sst s1  }
0xa: {  	[smem:$0x3FAA] =	sst s2  }
0xb: {  	[smem:$0x3FAB] =	sst s3  }
0xc: {  	[smem:$0x3FAC] =	sst s4  }
0xd: {  	[smem:$0x3FAD] =	sst s5  }
0xe: {  	[smem:$0x3FAE] =	sst s6  }
0xf: {  	[smem:$0x3FAF] =	sst s7  }
0x10: {  	[smem:$0x3FB0] =	sst s8  }
0x11: {  	[smem:$0x3FB1] =	sst s9;
	s0 =	simm.s32 @!p0 $0x0  }
0x12: {  	s1 =	sld [smem:$0x3F97];
	s0 =	simm.s32 @p0 $0x1  }
0x13: {  	[smem:$0x3FB2] =	sst s0;
	s0 =	simm.s32 @!p1 $0x0  }
0x14: {  	s2 =	sld [smem:$0x3F96];
	s0 =	simm.s32 @p1 $0x1  }
0x15: {  	[smem:$0x3FB3] =	sst s0;
	s0 =	simm.s32 @!p2 $0x0  }
0x16: {  	s3 =	sld [smem:$0x3FDB];
	s0 =	simm.s32 @p2 $0x1  }
0x17: {  	s4 =	simm.s32 $0x1BF5;
	[smem:$0x3FB5] =	sst s0  }
0x18: {  	s0 =	sld [smem:$0x3F98];
	_ =	swait.ge [sflag:s4], $0x0  }
0x19: {  	s7 =	sld [smem:$0x3F99]  }
0x1a: {  	s8 =	sadd.s32 $0xFFFFE003, lr  }
0x1b: {  	s9 =	sadd.s32 $0xFFFFFEF7, lr;
	s5 =	simm.s32 $0xFFFFFFFF;
	p2 =	slt.u32 s8, $0xFFFFF086  }
0x1c: {  	p1 =	slt.u32 s9, $0xF7A;
	s5 =	simm.s32 @!p2 $0x0  }
0x1d: {  	s5 =	simm.s32 @p1 $0x1;
	p0 =	seq.s32 s7, s2  }
0x1e: {  	s7 =	smul.u32 @!p0 $0xF7A, s2;
	p2 =	seq.s32 @!p0 s5, $0x0  }
0x1f: {  	s9 =	smul.u32 $0xF7A, s1;
	s8 =	simm.s32 @!p0 $0x1BF5;
	p2 =	por !p2, p0  }
0x20: {  	[sflag:s8] =	ssyncset.s32 @!p0 $0xFFFFF086;
	s6 =	sadd.s32 @!p0 s3, s7;
	s7 =	simm.s32 @!p0 $0x108  }
0x21: {  	s3 =	sadd.s32 s3, s9;
	s6 =	sadd.s32 @!p0 $0x88, s6;
	s7 =	simm.s32 @p2 $0x1082  }
0x22: {  	[simem:s7], [sflag:s8] =	dma.local @!p0 [hbm:s6], $0xF7A  }
0x23: {  	s9 =	sor.u32 $0xD0000000, s2;
	s6 =	simm.s32 $0x108;
	_ =	swait.ge @!p0 [sflag:s8], $0x0  }
0x24: {  	s3 =	sadd.s32 $0x88, s3;
	s6 =	simm.s32 @!p1 $0x1082;
	[sflag:s4] =	ssyncset.s32 $0xFFFFF086  }
0x25: {  	[simem:s6], [sflag:s4] =	dma.local [hbm:s3], $0xF7A  }
0x26: {  	[smem:$0x3F99] =	sst s1;
	(tag) =	ssettag s2;
	_ =	strace s9  }
0x27: {  	s1 =	sld [smem:$0x3FA9]  }
0x28: {  	s2 =	sld [smem:$0x3FAA]  }
0x29: {  	s4 =	sld [smem:$0x3FAC]  }
0x2a: {  	p0 =	seq.s32 s5, $0x0;
	s5 =	sld [smem:$0x3FAD]  }
0x2b: {  	s6 =	sld [smem:$0x3FAE]  }
0x2c: {  	s7 =	sld [smem:$0x3FAF]  }
0x2d: {  	s3 =	simm.s32 $0x108;
	s8 =	sld [smem:$0x3FB0]  }
0x2e: {  	s3 =	simm.s32 @!p0 $0x1082;
	s9 =	sld [smem:$0x3FB1]  }
0x2f: {  	lr =	sadd.s32 s0, s3;
	s0 =	sld [smem:$0x3FA8]  }
0x30: {  	s3 =	sld [smem:$0x3FAB]  }
0x31: {  	[smem:$0x3FB4] =	sst s10  }
0x32: {  	s10 =	sld [smem:$0x3FB2];
	_ =	sdelay $0x3  }
0x33: {  	p0 =	seq.s32 s10, $0x1;
	s10 =	sld [smem:$0x3FB4];
	_ =	sdelay $0x3  }
0x34: {  	[smem:$0x3FB4] =	sst s10  }
0x35: {  	s10 =	sld [smem:$0x3FB3];
	_ =	sdelay $0x3  }
0x36: {  	p1 =	seq.s32 s10, $0x1;
	s10 =	sld [smem:$0x3FB4];
	_ =	sdelay $0x3  }
0x37: {  	[smem:$0x3FB4] =	sst s10  }
0x38: {  	s10 =	sld [smem:$0x3FB5]  }
0x39: {  	_ = 	snop;
	(pc) =	sbr.ind lr, $3  }
0x3a: {  	_ = 	snop  }
0x3b: {  	_ = 	snop  }
0x3c: {  	p2 =	seq.s32 s10, $0x1;
	s10 =	sld [smem:$0x3FB4]  }
0x3d: {  	_ =	shalt  }
0x3e: {  	_ =	shalt  }
0x3f: {  	_ =	shalt  }
0x40: {  	_ =	shalt  }
0x41: {  	_ =	shalt  }
0x42: {  	_ =	shalt  }
0x43: {  	_ =	shalt  }
0x44: {  	_ =	shalt  }
0x45: {  	_ =	shalt  }
0x46: {  	_ =	shalt  }
0x47: {  	_ =	shalt  }
0x48: {  	_ =	shalt  }
0x49: {  	_ =	shalt  }
0x4a: {  	_ =	shalt  }
0x4b: {  	_ =	shalt  }
0x4c: {  	_ =	shalt  }
0x4d: {  	_ =	shalt  }
0x4e: {  	_ =	shalt  }
0x4f: {  	_ =	shalt  }
0x50: {  	_ =	shalt  }
0x51: {  	_ =	shalt  }
0x52: {  	_ =	shalt  }
0x53: {  	_ =	shalt  }
0x54: {  	_ =	shalt  }
0x55: {  	_ =	shalt  }
0x56: {  	_ =	shalt  }
0x57: {  	_ =	shalt  }
0x58: {  	_ =	shalt  }
0x59: {  	_ =	shalt  }
0x5a: {  	_ =	shalt  }
0x5b: {  	_ =	shalt  }
0x5c: {  	_ =	shalt  }
0x5d: {  	_ =	shalt  }
0x5e: {  	_ =	shalt  }
0x5f: {  	_ =	shalt  }
0x60: {  	_ =	shalt  }
0x61: {  	_ =	shalt  }
0x62: {  	_ =	shalt  }
0x63: {  	_ =	shalt  }
0x64: {  	_ =	shalt  }
0x65: {  	_ =	shalt  }
0x66: {  	_ =	shalt  }
0x67: {  	_ =	shalt  }
0x68: {  	_ =	shalt  }
0x69: {  	_ =	shalt  }
0x6a: {  	_ =	shalt  }
0x6b: {  	_ =	shalt  }
0x6c: {  	_ =	shalt  }
0x6d: {  	_ =	shalt  }
0x6e: {  	_ =	shalt  }
0x6f: {  	_ =	shalt  }
0x70: {  	_ =	shalt  }
0x71: {  	_ =	shalt  }
0x72: {  	_ =	shalt  }
0x73: {  	_ =	shalt  }
0x74: {  	_ =	shalt  }
0x75: {  	_ =	shalt  }
0x76: {  	_ =	shalt  }
0x77: {  	_ =	shalt  }
0x78: {  	_ =	shalt  }
0x79: {  	_ =	shalt  }
0x7a: {  	_ =	shalt  }
0x7b: {  	_ =	shalt  }
0x7c: {  	_ =	shalt  }
0x7d: {  	_ =	shalt  }
0x7e: {  	_ =	shalt  }
0x7f: {  	_ =	shalt  }
0x80: {  	_ =	shalt  }
0x81: {  	_ =	shalt  }
0x82: {  	_ =	shalt  }
0x83: {  	_ =	shalt  }
0x84: {  	_ =	shalt  }
0x85: {  	_ =	shalt  }
0x86: {  	_ =	shalt  }
0x87: {  	_ =	shalt  }
.Lfunc_end0:
.L_simem_size_0:
called_computation.2_lowered:
.L_overlay_start_0:
0x88: {  	s2 =	sld [smem:$0x3FD9]  }
0x89: {  	s3 =	sld [smem:$0x3FFE];
	_ =	sdelay $0x1  }
0x8a: {  	s1 =	srdreg.scid  }
0x8b: {  	s0 =	sand.u32 $0x1, s1  }
0x8c: {  	s14 =	sshll.u32 s0, $0xA;
	s2 =	sadd.s32 s3, s2  }
0x8d: {  	s2 =	sadd.s32 s2, s14  }
0x8e: {  	[smem:$0x3FC0] =	sst s2  }
0x8f: {  	_ = 	snop  }
0x90: {  	s2 =	sld [smem:$0x3FD0];
	_ =	sdelay $0x2  }
0x91: {  	s15 =	simm.s32 $0xA;
	s4 =	simm.s32 $0x10  }
0x92: {  	[smem:s4], [sflag:s15] =	dma.local [hbm:s2], $0x1  }
0x93: {  	_ =	swait.eq [sflag:s15], $0x1  }
0x94: {  	[sflag:s15] =	ssyncset.done $0x0  }
0x95: {  	[sflag:s15] =	ssyncadd.s32 $0xFFFFFFFF  }
0x96: {  	s16 =	sld [smem:$0x10];
	(tm) =	ssettm $0x1  }
0x97: {  	s17 =	sld [smem:$0x3FFB];
	_ =	sdelay $0x3  }
0x98: {  	_ =	strace s17  }
0x99: {  	s3 =	sld [smem:$0x3FFC];
	_ =	sdelay $0x3  }
0x9a: {  	_ =	strace s3  }
0x9b: {  	s3 =	sld [smem:$0x3FFD];
	_ =	sdelay $0x3  }
0x9c: {  	_ =	strace s3  }
0x9d: {  	_ =	strace $0x8FFFFFFF  }
0x9e: {  	s18 =	sld [smem:$0x3FDB];
	_ =	sdelay $0x1  }
0x9f: {  	s19 =	simm.s32 $_scs_section_size  }
0xa0: {  	s5 =	simm.s32 $_size__tile_overlayer_lowered;
	s6 =	simm.s32 $_tile_overlayer_lowered  }
0xa1: {  	s22 =	simm.s32 $0x1BFF;
	s21 =	sshll.u32 s6, $0x1;
	s3 =	sadd.s32 s19, s18  }
0xa2: {  	s7 =	simm.s32 $0x0;
	s20 =	sshll.u32 s5, $0x1;
	s5 =	sadd.s32 s21, s3  }
0xa3: {  	[timem:s7], [sflag:s22] =	dma.local [hbm:s5], s20  }
0xa4: {  	_ =	swait.ge [sflag:s22], s20  }
0xa5: {  	s4 =	ssub.s32 $0x0, s20;
	[sflag:s22] =	ssyncset.done $0x0  }
0xa6: {  	[sflag:s22] =	ssyncadd.s32 s4;
	_ =	sdelay $0x1  }
0xa7: {  	s23 =	simm.s32 $0x1B8B  }
0xa8: {  	_ =	swait.ge [sflag:s23], $0x1  }
0xa9: {  	[sflag:s23] =	ssyncset.done $0x0  }
0xaa: {  	s25 =	simm.s32 $0x1B8E;
	s24 =	sld [smem:$0x3FFE];
	[sflag:s23] =	ssyncadd.s32 $0xFFFFFFFF  }
0xab: {  	s26 =	simm.s32 $execute0_lowered;
	[smem:$0x3FD2] =	sst s25  }
0xac: {  	s5 =	sshll.u32 s26, $0x1;
	_ =	strace $0x8000004C;
	[dreg:$0x1] =	wrdreg $0xFFFFFFFF  }
0xad: {  	s28 =	simm.s32 $_size_execute0_lowered;
	s3 =	sadd.s32 s3, s5;
	[dreg:$0x0] =	wrdreg $0x0  }
0xae: {  	s5 =	sshll.u32 s28, $0x1;
	[dreg:$0x2] =	wrdreg s3  }
0xaf: {  	[dreg:$0x3] =	wrdreg s5  }
0xb0: {  	[dreg:$0x4] =	wrdreg $0xC0  }
0xb1: {  	_ =	task [dreg:s7], $0x5FFFF  }
0xb2: {  	[dreg:$0x1] =	wrdreg $0xFFFFFFFF  }
0xb3: {  	[dreg:$0x0] =	wrdreg $0x60  }
0xb4: {  	[dreg:$0x2] =	wrdreg s24  }
0xb5: {  	[dreg:$0x3] =	wrdreg s16  }
0xb6: {  	[dreg:$0x4] =	wrdreg $0xA8000  }
0xb7: {  	[dreg:$0x5] =	wrdreg $0x9  }
0xb8: {  	_ =	task.clear_ibuf [dreg:s7], $0x6FFFF;
	_ =	strace $0x9000004C  }
0xb9: {  	s29 =	simm.s32 $0x9;
	_ =	strace $0x8000004E  }
0xba: {  	_ =	swait.ge [sflag:s29], $0x1  }
0xbb: {  	[sflag:s29] =	ssyncadd.s32 $0xFFFFFFFF  }
0xbc: {  	_ =	strace $0x9000004E  }
0xbd: {  	_ =	sfence  }
0xbe: {  	s30 =	sld [smem:$0x0];
	_ =	sdelay $0x2  }
0xbf: {  	s31 =	sshll.u32 s1, $0xD;
	s1 =	sshrl.u32 s1, $0x2  }
0xc0: {  	s3 =	sand.u32 $0x4000, s31;
	s1 =	sadd.s32 s1, s30  }
0xc1: {  	s0 =	sor.u32 s3, s0;
	s1 =	sshll.u32 s1, $0x11  }
0xc2: {  	s0 =	sor.u32 s1, s0  }
0xc3: {  	s0 =	sadd.s32 $0x8F2B, s0  }
0xc4: {  	[sflag:s0] =	ssyncadd.remote.s32 $0x1  }
0xc5: {  	_ =	sfence.sel $0xFFFF  }
0xc6: {  	[dreg:$0x0] =	wrdreg $0xFFFFFFFF;
	(pc) =	sbr.abs _section_cstart, $3  }
0xc7: {  	[dreg:$0x1] =	wrdreg $0xFFFFFFFF  }
0xc8: {  	_ =	task.clear_ibuf [dreg:s7], $0x2FFFF;
	_ =	strace $0x9FFFFFFF  }
0xc9: {  	(tm) =	ssettm $0x7FFFFFFF  }
tec
execute0_lowered:
.L_overlay_start_1:
0x0: {  	(tag) =	ssettag $0x1  }
0x1: {  	s0 =	rddreg [dreg:$0x0]  }
0x2: {  	s1 =	rddreg [dreg:$0x1]  }
0x3: {  	s2 =	rddreg [dreg:$0x2];
	s3 =	simm.s32 $0x0;
	s25 =	srdreg.scid  }
0x4: {  	s4 =	stileid.u32;
	s11 =	simm.s32 $0x3;
	s12 =	simm.s32 $0x3  }
0x5: {  	s20 =	simm.s32 $0x2800;
	s21 =	simm.s32 $0x1400;
	s22 =	simm.s32 $0x80  }
0x6: {  	s23 =	simm.s32 $0x6800;
	s24 =	simm.s32 $0x1;
	s28 =	simm.s32 $0x2700  }
0x7: {  	s29 =	simm.s32 $0x2780;
	s30 =	simm.s32 $0x0;
	[smem:$0x7FF] =	sst s3  }
0x8: {  	s5 =	sadd.s32 $0xD400, s0;
	s3 =	sand.u32 $0x1, s25;
	s9 =	smul.u32 $0x50000, s4  }
0x9: {  	s6 =	sadd.s32 $0x3400, s0;
	s8 =	sadd.s32 $0x35400, s0;
	s13 =	smul.u32 $0x5000, s4  }
0xa: {  	s0 =	sadd.s32 $0x5D400, s0;
	s4 =	smul.u32 $0x2800, s4;
	s25 =	simm.s32 $0x2  }
0xb: {  	_ =	strace $0x8000004D;
	s7 =	ssub.s32 $0x2, s3;
	[dreg:$0x4] =	wrdreg s8  }
0xc: {  	[dreg:$0x5] =	wrdreg s0;
	s10 =	ssub.s32 $0x0, s3;
	p0 =	seq.s32 s3, $0x0  }
.Ltmp0:
0xd: {  	s26 =	sshrl.u32 s7, $0x1;
	s31 =	sshrl.u32 s9, $0x2;
	(pc) =	sbr.rel .LBB2_1-.Ltmp0, $4  }
0xe: {  	s10 =	sand.u32 $0x78, s10;
	s12 =	simm.s32 @!p0 $0x1;
	[dreg:$0x6] =	wrdreg s4  }
0xf: {  	p0 =	sne.s32 s3, $0x0;
	s0 =	ssub.s32 s7, s26;
	s9 =	sadd.s32 s31, s2  }
0x10: {  	s26 =	simm.s32 $0x1380;
	s15 =	smax.u32 s0, $0x1;
	s16 =	sadd.s32 $0x4000, s9  }
0x11: {  	v0 =	vimm.f32 $0.0e+00;
	s17 =	sadd.s32 $0x8000, s9;
	s18 =	sadd.s32 $0xC000, s9;
	s19 =	sadd.s32 $0x10000, s9  }
.LBB2_12:
0x12: {  	s3 =	rddreg [dreg:$0x6]  }
0x13: {  	s31 =	stileid.u32;
	[bflag:$0x0] =	sbarrier.arrive $0xFFFF;
	s30 =	sadd.s32 $0x1, s30  }
0x14: {  	s0 =	sadd.s32 s0, s3;
	s3 =	sshll.u32 s31, $0x6;
	p1 =	sne.s32 s30, s15  }
.Ltmp1:
0x15: {  	s4 =	sshrl.u32 s9, $0x3;
	s3 =	sor.u32 $0x1C03, s3;
	(pc) =	sbr.rel @!p1 .LBB2_13-.Ltmp1, $4  }
0x16: {  	[hbm:s0], [sflag:s3] =	dma.local [spmem:s4], $0x2800  }
0x17: {  	_ =	swait.ge [sflag:s11], $0x2800  }
0x18: {  	[sflag:s11] =	ssyncset.done $0x0  }
0x19: {  	[sflag:s11] =	ssyncadd.s32 $0xFFFFD800  }
.LBB2_1:
0x1a: {  	s0 =	simm.s32 $0x0  }
0x1b: {  	s3 =	sand.u32 $0xFFFFFF80, s0  }
0x1c: {  	s3 =	ssub.s32 $0x0, s3  }
0x1d: {  	s4 =	simm.s32 $0x0;
	s0 =	sand.u32 $0x3FFFFF80, s0;
	s3 =	sand.u32 $0xFFFFFF80, s3  }
0x1e: {  	s7 =	sand.u32 $0x70, s4;
	s3 =	sadd.s32 s3, s0  }
0x1f: {  	s0 =	simm.s32 $0x1;
	s7 =	sor.u32 s7, s3;
	s3 =	simm.s32 $0x0  }
.LBB2_2:
0x20: {  	s31 =	sshll.u32 s0, $0x4;
	p1 =	sne.s32 s0, $0x3FF;
	s0 =	sadd.s32 $0x1, s0;
	[tilespmem:s7+$0x2800] =	vst v0  }
.Ltmp2:
0x21: {  	s3 =	sadd.s32 $0x10, s3;
	s7 =	sand.u32 $0xFFFFFF80, s31;
	(pc) =	sbr.rel @p1 .LBB2_2-.Ltmp2, $4  }
0x22: {  	s7 =	ssub.s32 s3, s7  }
0x23: {  	s31 =	sand.u32 $0x3FFFFF80, s31;
	s7 =	sand.u32 $0xFFFFFF80, s7  }
0x24: {  	s8 =	sand.u32 $0x70, s3;
	s7 =	sadd.s32 s7, s31  }
0x25: {  	s7 =	sor.u32 s8, s7  }
0x26: {  	[tilespmem:s7+$0x2800] =	vst v0  }
0x27: {  	[spmem:s9] =	stream.linear.scatter [tilespmem:s20], [sflag:$0x3], $0x4000, $0x38;
	[tilespmem:$0x1E800] =	vst v63  }
0x28: {  	_ =	swait.ge [sflag:s11], $0x4000  }
0x29: {  	[sflag:s11] =	ssyncset.done $0x0  }
0x2a: {  	[sflag:s11] =	ssyncadd.s32 $0xFFFFC000  }
0x2b: {  	[spmem:s16] =	stream.linear.scatter [tilespmem:s20], [sflag:$0x3], $0x4000, $0x38;
	[tilespmem:$0x1E800] =	vst v63  }
0x2c: {  	_ =	swait.ge [sflag:s11], $0x4000  }
0x2d: {  	[sflag:s11] =	ssyncset.done $0x0  }
0x2e: {  	[sflag:s11] =	ssyncadd.s32 $0xFFFFC000  }
0x2f: {  	[spmem:s17] =	stream.linear.scatter [tilespmem:s20], [sflag:$0x3], $0x4000, $0x38;
	[tilespmem:$0x1E800] =	vst v63  }
0x30: {  	_ =	swait.ge [sflag:s11], $0x4000  }
0x31: {  	[sflag:s11] =	ssyncset.done $0x0  }
0x32: {  	[sflag:s11] =	ssyncadd.s32 $0xFFFFC000  }
0x33: {  	[spmem:s18] =	stream.linear.scatter [tilespmem:s20], [sflag:$0x3], $0x4000, $0x38;
	[tilespmem:$0x1E800] =	vst v63  }
0x34: {  	_ =	swait.ge [sflag:s11], $0x4000  }
0x35: {  	[sflag:s11] =	ssyncset.done $0x0  }
0x36: {  	[sflag:s11] =	ssyncadd.s32 $0xFFFFC000  }
0x37: {  	[spmem:s19] =	stream.linear.scatter [tilespmem:s20], [sflag:$0x3], $0x4000, $0x38;
	[tilespmem:$0x1E800] =	vst v63  }
.Ltmp3:
0x38: {  	_ =	swait.ge [sflag:s11], $0x4000;
	(pc) =	sbr.rel @p0 .LBB2_8-.Ltmp3, $4  }
0x39: {  	[sflag:s11] =	ssyncset.done $0x0  }
0x3a: {  	[sflag:s11] =	ssyncadd.s32 $0xFFFFC000  }
0x3b: {  	[bflag:$0x0] =	sbarrier.arrive $0xFFFF  }
0x3c: {  	s31 =	simm.s32 $0x0;
	s0 =	simm.s32 $0x0;
	s3 =	simm.s32 $0x0  }
.LBB2_4:
0x3d: {  	s3 =	smul.u32 $0x28, s0;
	_ =	sdelay $0x1  }
0x3e: {  	s3 =	sadd.s32 s10, s3  }
0x3f: {  	s3 =	sshll.u32 s3, $0x7  }
0x40: {  	s3 =	sadd.s32 s13, s3  }
0x41: {  	s3 =	sshrl.u32 s3, $0x3  }
0x42: {  	s7 =	sadd.s32 s1, s3  }
0x43: {  	[tilespmem:s31], [sflag:$0x3] =	stream.linear.gather [hbm4b:s7+s31], $0x1400, $0x38;
	[tilespmem:$0x1E800] =	vst v63  }
0x44: {  	_ =	swait.ge [sflag:s11], $0x1400  }
0x45: {  	[sflag:s11] =	ssyncset.done $0x0  }
0x46: {  	s3 =	sadd.s32 s6, s3;
	[sflag:s11] =	ssyncadd.s32 $0xFFFFEC00  }
0x47: {  	[tilespmem:s21], [sflag:$0x3] =	stream.linear.gather [hbm4b:s3+s31], $0x1400, $0x38;
	[tilespmem:$0x1E800] =	vst v63  }
0x48: {  	_ =	swait.ge [sflag:s11], $0x1400  }
0x49: {  	[sflag:s11] =	ssyncset.done $0x0  }
0x4a: {  	[sflag:s11] =	ssyncadd.s32 $0xFFFFEC00  }
0x4b: {  	[tilespmem:s20], [sflag:$0x1] =	stream.indirect.gather [hbm4b:s5+s22], $0x80, s31, s22, $0xb8;
	[tilespmem:$0x1E800] =	vst v63  }
0x4c: {  	s4 =	simm.s32 $0x80  }
0x4d: {  	[tilespmem:s23], [sflag:$0x2] =	stream.indirect.gather [hbm4b:s5+s22], $0x80, s4, s22, $0xb8;
	[tilespmem:$0x1E800] =	vst v63  }
0x4e: {  	_ =	swait.ge [sflag:s24], $0x4000  }
0x4f: {  	[sflag:s24] =	ssyncset.done $0x0  }
0x50: {  	s7 =	simm.s32 $0x1400;
	[sflag:s24] =	ssyncadd.s32 $0xFFFFC000  }
0x51: {  	[spmem:s2] =	stream.indirect.scatter.add.f32 [tilespmem:s20], [sflag:$0x3], $0x80, s7, s22, $0xb8;
	[tilespmem:$0x1E800] =	vst v63  }
0x52: {  	_ =	swait.ge [sflag:s11], $0x4000  }
0x53: {  	[sflag:s11] =	ssyncset.done $0x0  }
0x54: {  	s8 =	simm.s32 $0x100;
	[sflag:s11] =	ssyncadd.s32 $0xFFFFC000  }
0x55: {  	[tilespmem:s20], [sflag:$0x1] =	stream.indirect.gather [hbm4b:s5+s22], $0x80, s8, s22, $0xb8;
	[tilespmem:$0x1E800] =	vst v63  }
0x56: {  	_ =	swait.ge [sflag:s25], $0x4000  }
0x57: {  	[sflag:s25] =	ssyncset.done $0x0  }
0x58: {  	s14 =	simm.s32 $0x1480;
	[sflag:s25] =	ssyncadd.s32 $0xFFFFC000  }
0x59: {  	[spmem:s2] =	stream.indirect.scatter.add.f32 [tilespmem:s23], [sflag:$0x3], $0x80, s14, s22, $0xb8;
	[tilespmem:$0x1E800] =	vst v63  }
0x5a: {  	_ =	swait.ge [sflag:s11], $0x4000  }
0x5b: {  	s3 =	simm.s32 $0x100;
	s7 =	simm.s32 $0x800;
	[sflag:s11] =	ssyncset.done $0x0  }
.LBB2_5:
0x5c: {  	s8 =	sadd.s32 $0x80, s3  }
0x5d: {  	[sflag:s11] =	ssyncadd.s32 $0xFFFFC000;
	s4 =	smov.u32 s7;
	s14 =	sadd.s32 $0x400, s7  }
0x5e: {  	[tilespmem:s23], [sflag:$0x2] =	stream.indirect.gather [hbm4b:s5+s22], $0x80, s8, s22, $0xb8;
	[tilespmem:$0x1E800] =	vst v63  }
0x5f: {  	p1 =	sne.s32 s7, $0x4800;
	_ =	swait.ge [sflag:s24], $0x4000  }
0x60: {  	[sflag:s24] =	ssyncset.done $0x0  }
0x61: {  	s7 =	sadd.s32 $0x1400, s3;
	[sflag:s24] =	ssyncadd.s32 $0xFFFFC000  }
0x62: {  	[spmem:s2] =	stream.indirect.scatter.add.f32 [tilespmem:s20], [sflag:$0x3], $0x80, s7, s22, $0xb8;
	[tilespmem:$0x1E800] =	vst v63  }
0x63: {  	_ =	swait.ge [sflag:s11], $0x4000  }
0x64: {  	[sflag:s11] =	ssyncset.done $0x0  }
0x65: {  	s7 =	sadd.s32 $0x100, s3;
	[sflag:s11] =	ssyncadd.s32 $0xFFFFC000  }
0x66: {  	[tilespmem:s20], [sflag:$0x1] =	stream.indirect.gather [hbm4b:s5+s22], $0x80, s7, s22, $0xb8;
	[tilespmem:$0x1E800] =	vst v63  }
0x67: {  	_ =	swait.ge [sflag:s25], $0x4000  }
.Ltmp4:
0x68: {  	[sflag:s25] =	ssyncset.done $0x0;
	(pc) =	sbr.rel @p1 .LBB2_5-.Ltmp4, $4  }
0x69: {  	s3 =	sadd.s32 $0x1480, s3;
	[sflag:s25] =	ssyncadd.s32 $0xFFFFC000  }
0x6a: {  	[spmem:s2] =	stream.indirect.scatter.add.f32 [tilespmem:s23], [sflag:$0x3], $0x80, s3, s22, $0xb8;
	[tilespmem:$0x1E800] =	vst v63  }
0x6b: {  	_ =	swait.ge [sflag:s11], $0x4000  }
0x6c: {  	s7 =	smov.u32 s14;
	s3 =	sshra.s32 s4, $0x2;
	[sflag:s11] =	ssyncset.done $0x0  }
0x6d: {  	s4 =	sadd.s32 $0x80, s3;
	[sflag:s11] =	ssyncadd.s32 $0xFFFFC000  }
0x6e: {  	[tilespmem:s23], [sflag:$0x2] =	stream.indirect.gather [hbm4b:s5+s22], $0x80, s4, s22, $0xb8;
	[tilespmem:$0x1E800] =	vst v63  }
0x6f: {  	_ =	swait.ge [sflag:s24], $0x4000  }
0x70: {  	[sflag:s24] =	ssyncset.done $0x0  }
0x71: {  	s7 =	sadd.s32 $0x1400, s3;
	[sflag:s24] =	ssyncadd.s32 $0xFFFFC000  }
0x72: {  	[spmem:s2] =	stream.indirect.scatter.add.f32 [tilespmem:s20], [sflag:$0x3], $0x80, s7, s22, $0xb8;
	[tilespmem:$0x1E800] =	vst v63  }
0x73: {  	_ =	swait.ge [sflag:s11], $0x4000  }
0x74: {  	[sflag:s11] =	ssyncset.done $0x0  }
0x75: {  	s8 =	sadd.s32 $0x100, s3;
	[sflag:s11] =	ssyncadd.s32 $0xFFFFC000  }
0x76: {  	[tilespmem:s20], [sflag:$0x1] =	stream.indirect.gather [hbm4b:s5+s22], $0x80, s8, s22, $0xb8;
	[tilespmem:$0x1E800] =	vst v63  }
0x77: {  	_ =	swait.ge [sflag:s25], $0x4000  }
0x78: {  	[sflag:s25] =	ssyncset.done $0x0  }
0x79: {  	s14 =	sadd.s32 $0x1480, s3;
	[sflag:s25] =	ssyncadd.s32 $0xFFFFC000  }
0x7a: {  	[spmem:s2] =	stream.indirect.scatter.add.f32 [tilespmem:s23], [sflag:$0x3], $0x80, s14, s22, $0xb8;
	[tilespmem:$0x1E800] =	vst v63  }
0x7b: {  	_ =	swait.ge [sflag:s11], $0x4000  }
0x7c: {  	[sflag:s11] =	ssyncset.done $0x0  }
0x7d: {  	[sflag:s11] =	ssyncadd.s32 $0xFFFFC000  }
0x7e: {  	[tilespmem:s23], [sflag:$0x2] =	stream.indirect.gather [hbm4b:s5+s22], $0x80, s26, s22, $0xb8;
	[tilespmem:$0x1E800] =	vst v63  }
0x7f: {  	_ =	swait.ge [sflag:s24], $0x4000  }
0x80: {  	[sflag:s24] =	ssyncset.done $0x0  }
0x81: {  	[sflag:s24] =	ssyncadd.s32 $0xFFFFC000  }
0x82: {  	[spmem:s2] =	stream.indirect.scatter.add.f32 [tilespmem:s20], [sflag:$0x3], $0x80, s28, s22, $0xb8;
	[tilespmem:$0x1E800] =	vst v63  }
0x83: {  	_ =	swait.ge [sflag:s11], $0x4000  }
0x84: {  	[sflag:s11] =	ssyncset.done $0x0  }
0x85: {  	[sflag:s11] =	ssyncadd.s32 $0xFFFFC000  }
0x86: {  	s0 =	sadd.s32 $0x1, s0;
	_ =	swait.ge [sflag:s25], $0x4000  }
0x87: {  	p1 =	seq.s32 s0, s12;
	[sflag:s25] =	ssyncset.done $0x0  }
.Ltmp5:
0x88: {  	[sflag:s25] =	ssyncadd.s32 $0xFFFFC000;
	(pc) =	sbr.rel @!p1 .LBB2_4-.Ltmp5, $4  }
0x89: {  	[spmem:s2] =	stream.indirect.scatter.add.f32 [tilespmem:s23], [sflag:$0x3], $0x80, s29, s22, $0xb8;
	[tilespmem:$0x1E800] =	vst v63  }
0x8a: {  	_ =	swait.ge [sflag:s11], $0x4000  }
0x8b: {  	[sflag:s11] =	ssyncset.done $0x0  }
0x8c: {  	[sflag:s11] =	ssyncadd.s32 $0xFFFFC000  }
.Ltmp6:
0x8d: {  	(pc) =	sbr.rel .LBB2_12-.Ltmp6, $2  }
0x8e: {  	_ =	sdelay $0x2  }
0x8f: {  	s0 =	rddreg [dreg:$0x4]  }
.LBB2_8:
0x90: {  	s0 =	smul.u32 $0x28, s3;
	_ =	sdelay $0x1  }
0x91: {  	s0 =	sadd.s32 s10, s0  }
0x92: {  	s0 =	sshll.u32 s0, $0x7  }
0x93: {  	s0 =	sadd.s32 s13, s0  }
0x94: {  	s0 =	sshrl.u32 s0, $0x3  }
0x95: {  	s4 =	sadd.s32 s1, s0  }
0x96: {  	[tilespmem:s31], [sflag:$0x3] =	stream.linear.gather [hbm4b:s4+s31], $0x1400, $0x38;
	[tilespmem:$0x1E800] =	vst v63  }
0x97: {  	_ =	swait.ge [sflag:s11], $0x1400  }
0x98: {  	[sflag:s11] =	ssyncset.done $0x0  }
0x99: {  	s0 =	sadd.s32 s6, s0;
	[sflag:s11] =	ssyncadd.s32 $0xFFFFEC00  }
0x9a: {  	[tilespmem:s21], [sflag:$0x3] =	stream.linear.gather [hbm4b:s0+s31], $0x1400, $0x38;
	[tilespmem:$0x1E800] =	vst v63  }
0x9b: {  	_ =	swait.ge [sflag:s11], $0x1400  }
0x9c: {  	[sflag:s11] =	ssyncset.done $0x0  }
0x9d: {  	[sflag:s11] =	ssyncadd.s32 $0xFFFFEC00  }
0x9e: {  	[tilespmem:s20], [sflag:$0x1] =	stream.indirect.gather [hbm4b:s5+s22], $0x80, s31, s22, $0xb8;
	[tilespmem:$0x1E800] =	vst v63  }
0x9f: {  	s4 =	simm.s32 $0x80  }
0xa0: {  	[tilespmem:s23], [sflag:$0x2] =	stream.indirect.gather [hbm4b:s5+s22], $0x80, s4, s22, $0xb8;
	[tilespmem:$0x1E800] =	vst v63  }
0xa1: {  	_ =	swait.ge [sflag:s24], $0x4000  }
0xa2: {  	[sflag:s24] =	ssyncset.done $0x0  }
0xa3: {  	s7 =	simm.s32 $0x1400;
	[sflag:s24] =	ssyncadd.s32 $0xFFFFC000  }
0xa4: {  	[spmem:s2] =	stream.indirect.scatter.add.f32 [tilespmem:s20], [sflag:$0x3], $0x80, s7, s22, $0xb8;
	[tilespmem:$0x1E800] =	vst v63  }
0xa5: {  	_ =	swait.ge [sflag:s11], $0x4000  }
0xa6: {  	[sflag:s11] =	ssyncset.done $0x0  }
0xa7: {  	s8 =	simm.s32 $0x100;
	[sflag:s11] =	ssyncadd.s32 $0xFFFFC000  }
0xa8: {  	[tilespmem:s20], [sflag:$0x1] =	stream.indirect.gather [hbm4b:s5+s22], $0x80, s8, s22, $0xb8;
	[tilespmem:$0x1E800] =	vst v63  }
0xa9: {  	_ =	swait.ge [sflag:s25], $0x4000  }
0xaa: {  	[sflag:s25] =	ssyncset.done $0x0  }
0xab: {  	s14 =	simm.s32 $0x1480;
	[sflag:s25] =	ssyncadd.s32 $0xFFFFC000  }
0xac: {  	[spmem:s2] =	stream.indirect.scatter.add.f32 [tilespmem:s23], [sflag:$0x3], $0x80, s14, s22, $0xb8;
	[tilespmem:$0x1E800] =	vst v63  }
0xad: {  	_ =	swait.ge [sflag:s11], $0x4000  }
0xae: {  	s0 =	simm.s32 $0x100;
	s7 =	simm.s32 $0x800;
	[sflag:s11] =	ssyncset.done $0x0  }
.LBB2_9:
0xaf: {  	s4 =	sadd.s32 $0x80, s0  }
0xb0: {  	[sflag:s11] =	ssyncadd.s32 $0xFFFFC000;
	s8 =	smov.u32 s7;
	s14 =	sadd.s32 $0x400, s7  }
0xb1: {  	[tilespmem:s23], [sflag:$0x2] =	stream.indirect.gather [hbm4b:s5+s22], $0x80, s4, s22, $0xb8;
	[tilespmem:$0x1E800] =	vst v63  }
0xb2: {  	p1 =	sne.s32 s7, $0x4800;
	_ =	swait.ge [sflag:s24], $0x4000  }
0xb3: {  	[sflag:s24] =	ssyncset.done $0x0  }
0xb4: {  	s4 =	sadd.s32 $0x1400, s0;
	[sflag:s24] =	ssyncadd.s32 $0xFFFFC000  }
0xb5: {  	[spmem:s2] =	stream.indirect.scatter.add.f32 [tilespmem:s20], [sflag:$0x3], $0x80, s4, s22, $0xb8;
	[tilespmem:$0x1E800] =	vst v63  }
0xb6: {  	_ =	swait.ge [sflag:s11], $0x4000  }
0xb7: {  	[sflag:s11] =	ssyncset.done $0x0  }
0xb8: {  	s4 =	sadd.s32 $0x100, s0;
	[sflag:s11] =	ssyncadd.s32 $0xFFFFC000  }
0xb9: {  	[tilespmem:s20], [sflag:$0x1] =	stream.indirect.gather [hbm4b:s5+s22], $0x80, s4, s22, $0xb8;
	[tilespmem:$0x1E800] =	vst v63  }
0xba: {  	_ =	swait.ge [sflag:s25], $0x4000  }
.Ltmp7:
0xbb: {  	[sflag:s25] =	ssyncset.done $0x0;
	(pc) =	sbr.rel @p1 .LBB2_9-.Ltmp7, $4  }
0xbc: {  	s0 =	sadd.s32 $0x1480, s0;
	[sflag:s25] =	ssyncadd.s32 $0xFFFFC000  }
0xbd: {  	[spmem:s2] =	stream.indirect.scatter.add.f32 [tilespmem:s23], [sflag:$0x3], $0x80, s0, s22, $0xb8;
	[tilespmem:$0x1E800] =	vst v63  }
0xbe: {  	_ =	swait.ge [sflag:s11], $0x4000  }
0xbf: {  	s7 =	smov.u32 s14;
	s0 =	sshra.s32 s8, $0x2;
	[sflag:s11] =	ssyncset.done $0x0  }
0xc0: {  	s4 =	sadd.s32 $0x80, s0;
	[sflag:s11] =	ssyncadd.s32 $0xFFFFC000  }
0xc1: {  	[tilespmem:s23], [sflag:$0x2] =	stream.indirect.gather [hbm4b:s5+s22], $0x80, s4, s22, $0xb8;
	[tilespmem:$0x1E800] =	vst v63  }
0xc2: {  	_ =	swait.ge [sflag:s24], $0x4000  }
0xc3: {  	[sflag:s24] =	ssyncset.done $0x0  }
0xc4: {  	s7 =	sadd.s32 $0x1400, s0;
	[sflag:s24] =	ssyncadd.s32 $0xFFFFC000  }
0xc5: {  	[spmem:s2] =	stream.indirect.scatter.add.f32 [tilespmem:s20], [sflag:$0x3], $0x80, s7, s22, $0xb8;
	[tilespmem:$0x1E800] =	vst v63  }
0xc6: {  	_ =	swait.ge [sflag:s11], $0x4000  }
0xc7: {  	[sflag:s11] =	ssyncset.done $0x0  }
0xc8: {  	s8 =	sadd.s32 $0x100, s0;
	[sflag:s11] =	ssyncadd.s32 $0xFFFFC000  }
0xc9: {  	[tilespmem:s20], [sflag:$0x1] =	stream.indirect.gather [hbm4b:s5+s22], $0x80, s8, s22, $0xb8;
	[tilespmem:$0x1E800] =	vst v63  }
0xca: {  	_ =	swait.ge [sflag:s25], $0x4000  }
0xcb: {  	[sflag:s25] =	ssyncset.done $0x0  }
0xcc: {  	s14 =	sadd.s32 $0x1480, s0;
	[sflag:s25] =	ssyncadd.s32 $0xFFFFC000  }
0xcd: {  	[spmem:s2] =	stream.indirect.scatter.add.f32 [tilespmem:s23], [sflag:$0x3], $0x80, s14, s22, $0xb8;
	[tilespmem:$0x1E800] =	vst v63  }
0xce: {  	_ =	swait.ge [sflag:s11], $0x4000  }
0xcf: {  	[sflag:s11] =	ssyncset.done $0x0  }
0xd0: {  	[sflag:s11] =	ssyncadd.s32 $0xFFFFC000  }
0xd1: {  	[tilespmem:s23], [sflag:$0x2] =	stream.indirect.gather [hbm4b:s5+s22], $0x80, s26, s22, $0xb8;
	[tilespmem:$0x1E800] =	vst v63  }
0xd2: {  	_ =	swait.ge [sflag:s24], $0x4000  }
0xd3: {  	[sflag:s24] =	ssyncset.done $0x0  }
0xd4: {  	[sflag:s24] =	ssyncadd.s32 $0xFFFFC000  }
0xd5: {  	[spmem:s2] =	stream.indirect.scatter.add.f32 [tilespmem:s20], [sflag:$0x3], $0x80, s28, s22, $0xb8;
	[tilespmem:$0x1E800] =	vst v63  }
0xd6: {  	_ =	swait.ge [sflag:s11], $0x4000  }
0xd7: {  	[sflag:s11] =	ssyncset.done $0x0  }
0xd8: {  	[sflag:s11] =	ssyncadd.s32 $0xFFFFC000  }
0xd9: {  	s3 =	sadd.s32 $0x1, s3;
	_ =	swait.ge [sflag:s25], $0x4000  }
0xda: {  	p1 =	sne.s32 s3, s12;
	[sflag:s25] =	ssyncset.done $0x0  }
.Ltmp8:
0xdb: {  	[sflag:s25] =	ssyncadd.s32 $0xFFFFC000;
	(pc) =	sbr.rel @p1 .LBB2_8-.Ltmp8, $4  }
0xdc: {  	[spmem:s2] =	stream.indirect.scatter.add.f32 [tilespmem:s23], [sflag:$0x3], $0x80, s29, s22, $0xb8;
	[tilespmem:$0x1E800] =	vst v63  }
0xdd: {  	_ =	swait.ge [sflag:s11], $0x4000  }
0xde: {  	[sflag:s11] =	ssyncset.done $0x0  }
0xdf: {  	[sflag:s11] =	ssyncadd.s32 $0xFFFFC000  }
.Ltmp9:
0xe0: {  	(pc) =	sbr.rel .LBB2_12-.Ltmp9, $2  }
0xe1: {  	_ =	sdelay $0x2  }
0xe2: {  	s0 =	rddreg [dreg:$0x5]  }
.LBB2_13:
0xe3: {  	_ =	sfence.sel $0x180000  }
0xe4: {  	[bflag:$0x0] =	sbarrier.arrive $0xFFFF  }
0xe5: {  	_ =	strace $0x9000004D  }
0xe6: {  	s0 =	stileid.u32;
	[bflag:$0x2] =	sbarrier.arrive $0xFFFF  }
0xe7: {  	p0 =	sne.s32 s0, $0x0;
	s0 =	rddreg [dreg:$0x3]  }
0xe8: {  	s0 =	sadd.s32 @!p0 $0x100000, s0  }
0xe9: {  	[sflag:s0] =	ssyncadd.tile.s32 @!p0 $0x1;
	_ =	shalt  }
.Lfunc_end2:
_tile_overlayer_lowered:
.L_overlay_start_2:
0xea: {  	(tag) =	ssettag $0x2  }
0xeb: {  	s0 =	rddreg [dreg:$0x0];
	s2 =	stileid.u32  }
0xec: {  	s1 =	rddreg [dreg:$0x1];
	p0 =	sne.s32 s2, $0x0  }
0xed: {  	s3 =	rddreg [dreg:$0x2];
	[bflag:$0x3] =	sbarrier.arrive $0xFFFF;
	s2 =	simm.s32 @!p0 $0x1C03  }
0xee: {  	[timem:s3], [sflag:s2] =	dma.local @!p0 [hbm:s0], s1  }
0xef: {  	s0 =	simm.s32 @!p0 $0x3  }
0xf0: {  	_ =	swait.ge @!p0 [sflag:s0], s1  }
0xf1: {  	s1 =	ssub.s32 @!p0 $0x0, s1;
	[sflag:s0] =	ssyncset.done @!p0 $0x0  }
0xf2: {  	[sflag:s0] =	ssyncadd.s32 @!p0 s1  }
0xf3: {  	[bflag:$0x3] =	sbarrier.arrive $0xFFFF  }
0xf4: {  	_ =	shalt  }

// kernel: kernel.8.cloned.1.call-start
scs
__scs_entry_jumppad:
0x0: {  	(pc) =	sbr.rel $0x88, $3  }
0x1: {  	(tag) =	ssettag $0x0;
	lr =	simm.s32 $0x1  }
0x2: {  	[smem:$0x3F99] =	sst lr;
	_ =	strace $0xD0000000  }
0x3: {  	_ = 	snop  }
0x4: {  	_ = 	snop  }
0x5: {  	_ = 	snop  }
0x6: {  	_ = 	snop  }
0x7: {  	_ = 	snop  }
__scs_overlays_trampoline_lowered:
0x8: {  	[smem:$0x3FA8] =	sst s0  }
0x9: {  	[smem:$0x3FA9] =	sst s1  }
0xa: {  	[smem:$0x3FAA] =	sst s2  }
0xb: {  	[smem:$0x3FAB] =	sst s3  }
0xc: {  	[smem:$0x3FAC] =	sst s4  }
0xd: {  	[smem:$0x3FAD] =	sst s5  }
0xe: {  	[smem:$0x3FAE] =	sst s6  }
0xf: {  	[smem:$0x3FAF] =	sst s7  }
0x10: {  	[smem:$0x3FB0] =	sst s8  }
0x11: {  	[smem:$0x3FB1] =	sst s9;
	s0 =	simm.s32 @!p0 $0x0  }
0x12: {  	s1 =	sld [smem:$0x3F97];
	s0 =	simm.s32 @p0 $0x1  }
0x13: {  	[smem:$0x3FB2] =	sst s0;
	s0 =	simm.s32 @!p1 $0x0  }
0x14: {  	s2 =	sld [smem:$0x3F96];
	s0 =	simm.s32 @p1 $0x1  }
0x15: {  	[smem:$0x3FB3] =	sst s0;
	s0 =	simm.s32 @!p2 $0x0  }
0x16: {  	s3 =	sld [smem:$0x3FDB];
	s0 =	simm.s32 @p2 $0x1  }
0x17: {  	s4 =	simm.s32 $0x1BF5;
	[smem:$0x3FB5] =	sst s0  }
0x18: {  	s0 =	sld [smem:$0x3F98];
	_ =	swait.ge [sflag:s4], $0x0  }
0x19: {  	s7 =	sld [smem:$0x3F99]  }
0x1a: {  	s8 =	sadd.s32 $0xFFFFE003, lr  }
0x1b: {  	s9 =	sadd.s32 $0xFFFFFEF7, lr;
	s5 =	simm.s32 $0xFFFFFFFF;
	p2 =	slt.u32 s8, $0xFFFFF086  }
0x1c: {  	p1 =	slt.u32 s9, $0xF7A;
	s5 =	simm.s32 @!p2 $0x0  }
0x1d: {  	s5 =	simm.s32 @p1 $0x1;
	p0 =	seq.s32 s7, s2  }
0x1e: {  	s7 =	smul.u32 @!p0 $0xF7A, s2;
	p2 =	seq.s32 @!p0 s5, $0x0  }
0x1f: {  	s9 =	smul.u32 $0xF7A, s1;
	s8 =	simm.s32 @!p0 $0x1BF5;
	p2 =	por !p2, p0  }
0x20: {  	[sflag:s8] =	ssyncset.s32 @!p0 $0xFFFFF086;
	s6 =	sadd.s32 @!p0 s3, s7;
	s7 =	simm.s32 @!p0 $0x108  }
0x21: {  	s3 =	sadd.s32 s3, s9;
	s6 =	sadd.s32 @!p0 $0x88, s6;
	s7 =	simm.s32 @p2 $0x1082  }
0x22: {  	[simem:s7], [sflag:s8] =	dma.local @!p0 [hbm:s6], $0xF7A  }
0x23: {  	s9 =	sor.u32 $0xD0000000, s2;
	s6 =	simm.s32 $0x108;
	_ =	swait.ge @!p0 [sflag:s8], $0x0  }
0x24: {  	s3 =	sadd.s32 $0x88, s3;
	s6 =	simm.s32 @!p1 $0x1082;
	[sflag:s4] =	ssyncset.s32 $0xFFFFF086  }
0x25: {  	[simem:s6], [sflag:s4] =	dma.local [hbm:s3], $0xF7A  }
0x26: {  	[smem:$0x3F99] =	sst s1;
	(tag) =	ssettag s2;
	_ =	strace s9  }
0x27: {  	s1 =	sld [smem:$0x3FA9]  }
0x28: {  	s2 =	sld [smem:$0x3FAA]  }
0x29: {  	s4 =	sld [smem:$0x3FAC]  }
0x2a: {  	p0 =	seq.s32 s5, $0x0;
	s5 =	sld [smem:$0x3FAD]  }
0x2b: {  	s6 =	sld [smem:$0x3FAE]  }
0x2c: {  	s7 =	sld [smem:$0x3FAF]  }
0x2d: {  	s3 =	simm.s32 $0x108;
	s8 =	sld [smem:$0x3FB0]  }
0x2e: {  	s3 =	simm.s32 @!p0 $0x1082;
	s9 =	sld [smem:$0x3FB1]  }
0x2f: {  	lr =	sadd.s32 s0, s3;
	s0 =	sld [smem:$0x3FA8]  }
0x30: {  	s3 =	sld [smem:$0x3FAB]  }
0x31: {  	[smem:$0x3FB4] =	sst s10  }
0x32: {  	s10 =	sld [smem:$0x3FB2];
	_ =	sdelay $0x3  }
0x33: {  	p0 =	seq.s32 s10, $0x1;
	s10 =	sld [smem:$0x3FB4];
	_ =	sdelay $0x3  }
0x34: {  	[smem:$0x3FB4] =	sst s10  }
0x35: {  	s10 =	sld [smem:$0x3FB3];
	_ =	sdelay $0x3  }
0x36: {  	p1 =	seq.s32 s10, $0x1;
	s10 =	sld [smem:$0x3FB4];
	_ =	sdelay $0x3  }
0x37: {  	[smem:$0x3FB4] =	sst s10  }
0x38: {  	s10 =	sld [smem:$0x3FB5]  }
0x39: {  	_ = 	snop;
	(pc) =	sbr.ind lr, $3  }
0x3a: {  	_ = 	snop  }
0x3b: {  	_ = 	snop  }
0x3c: {  	p2 =	seq.s32 s10, $0x1;
	s10 =	sld [smem:$0x3FB4]  }
0x3d: {  	_ =	shalt  }
0x3e: {  	_ =	shalt  }
0x3f: {  	_ =	shalt  }
0x40: {  	_ =	shalt  }
0x41: {  	_ =	shalt  }
0x42: {  	_ =	shalt  }
0x43: {  	_ =	shalt  }
0x44: {  	_ =	shalt  }
0x45: {  	_ =	shalt  }
0x46: {  	_ =	shalt  }
0x47: {  	_ =	shalt  }
0x48: {  	_ =	shalt  }
0x49: {  	_ =	shalt  }
0x4a: {  	_ =	shalt  }
0x4b: {  	_ =	shalt  }
0x4c: {  	_ =	shalt  }
0x4d: {  	_ =	shalt  }
0x4e: {  	_ =	shalt  }
0x4f: {  	_ =	shalt  }
0x50: {  	_ =	shalt  }
0x51: {  	_ =	shalt  }
0x52: {  	_ =	shalt  }
0x53: {  	_ =	shalt  }
0x54: {  	_ =	shalt  }
0x55: {  	_ =	shalt  }
0x56: {  	_ =	shalt  }
0x57: {  	_ =	shalt  }
0x58: {  	_ =	shalt  }
0x59: {  	_ =	shalt  }
0x5a: {  	_ =	shalt  }
0x5b: {  	_ =	shalt  }
0x5c: {  	_ =	shalt  }
0x5d: {  	_ =	shalt  }
0x5e: {  	_ =	shalt  }
0x5f: {  	_ =	shalt  }
0x60: {  	_ =	shalt  }
0x61: {  	_ =	shalt  }
0x62: {  	_ =	shalt  }
0x63: {  	_ =	shalt  }
0x64: {  	_ =	shalt  }
0x65: {  	_ =	shalt  }
0x66: {  	_ =	shalt  }
0x67: {  	_ =	shalt  }
0x68: {  	_ =	shalt  }
0x69: {  	_ =	shalt  }
0x6a: {  	_ =	shalt  }
0x6b: {  	_ =	shalt  }
0x6c: {  	_ =	shalt  }
0x6d: {  	_ =	shalt  }
0x6e: {  	_ =	shalt  }
0x6f: {  	_ =	shalt  }
0x70: {  	_ =	shalt  }
0x71: {  	_ =	shalt  }
0x72: {  	_ =	shalt  }
0x73: {  	_ =	shalt  }
0x74: {  	_ =	shalt  }
0x75: {  	_ =	shalt  }
0x76: {  	_ =	shalt  }
0x77: {  	_ =	shalt  }
0x78: {  	_ =	shalt  }
0x79: {  	_ =	shalt  }
0x7a: {  	_ =	shalt  }
0x7b: {  	_ =	shalt  }
0x7c: {  	_ =	shalt  }
0x7d: {  	_ =	shalt  }
0x7e: {  	_ =	shalt  }
0x7f: {  	_ =	shalt  }
0x80: {  	_ =	shalt  }
0x81: {  	_ =	shalt  }
0x82: {  	_ =	shalt  }
0x83: {  	_ =	shalt  }
0x84: {  	_ =	shalt  }
0x85: {  	_ =	shalt  }
0x86: {  	_ =	shalt  }
0x87: {  	_ =	shalt  }
.Lfunc_end0:
.L_simem_size_0:
called_computation_lowered:
.L_overlay_start_0:
0x88: {  	s2 =	sld [smem:$0x3FD9]  }
0x89: {  	s3 =	sld [smem:$0x3FFE];
	_ =	sdelay $0x1  }
0x8a: {  	s1 =	srdreg.scid  }
0x8b: {  	s0 =	sand.u32 $0x1, s1  }
0x8c: {  	s14 =	sshll.u32 s0, $0xA;
	s2 =	sadd.s32 s3, s2  }
0x8d: {  	s2 =	sadd.s32 s2, s14  }
0x8e: {  	[smem:$0x3FC0] =	sst s2  }
0x8f: {  	_ = 	snop  }
0x90: {  	s2 =	sld [smem:$0x3FD0];
	_ =	sdelay $0x2  }
0x91: {  	s15 =	simm.s32 $0xA;
	s4 =	simm.s32 $0x10  }
0x92: {  	[smem:s4], [sflag:s15] =	dma.local [hbm:s2], $0x1  }
0x93: {  	_ =	swait.eq [sflag:s15], $0x1  }
0x94: {  	[sflag:s15] =	ssyncset.done $0x0  }
0x95: {  	[sflag:s15] =	ssyncadd.s32 $0xFFFFFFFF  }
0x96: {  	s16 =	sld [smem:$0x11];
	(tm) =	ssettm $0x1  }
0x97: {  	s17 =	sld [smem:$0x3FFB];
	_ =	sdelay $0x3  }
0x98: {  	_ =	strace s17  }
0x99: {  	s3 =	sld [smem:$0x3FFC];
	_ =	sdelay $0x3  }
0x9a: {  	_ =	strace s3  }
0x9b: {  	s3 =	sld [smem:$0x3FFD];
	_ =	sdelay $0x3  }
0x9c: {  	_ =	strace s3  }
0x9d: {  	_ =	strace $0x8FFFFFFF  }
0x9e: {  	s18 =	sld [smem:$0x3FDB];
	_ =	sdelay $0x1  }
0x9f: {  	s19 =	simm.s32 $_scs_section_size  }
0xa0: {  	s5 =	simm.s32 $_size__tile_overlayer_lowered;
	s6 =	simm.s32 $_tile_overlayer_lowered  }
0xa1: {  	s22 =	simm.s32 $0x1BFF;
	s21 =	sshll.u32 s6, $0x1;
	s3 =	sadd.s32 s19, s18  }
0xa2: {  	s7 =	simm.s32 $0x0;
	s20 =	sshll.u32 s5, $0x1;
	s5 =	sadd.s32 s21, s3  }
0xa3: {  	[timem:s7], [sflag:s22] =	dma.local [hbm:s5], s20  }
0xa4: {  	_ =	swait.ge [sflag:s22], s20  }
0xa5: {  	s4 =	ssub.s32 $0x0, s20;
	[sflag:s22] =	ssyncset.done $0x0  }
0xa6: {  	[sflag:s22] =	ssyncadd.s32 s4;
	_ =	sdelay $0x1  }
0xa7: {  	s23 =	simm.s32 $0x1B8B  }
0xa8: {  	_ =	swait.ge [sflag:s23], $0x1  }
0xa9: {  	[sflag:s23] =	ssyncset.done $0x0  }
0xaa: {  	s25 =	simm.s32 $0x1B8E;
	s24 =	sld [smem:$0x3FFE];
	[sflag:s23] =	ssyncadd.s32 $0xFFFFFFFF  }
0xab: {  	s26 =	simm.s32 $execute0_lowered;
	[smem:$0x3FD2] =	sst s25  }
0xac: {  	s5 =	sshll.u32 s26, $0x1;
	_ =	strace $0x80000046;
	[dreg:$0x1] =	wrdreg $0xFFFFFFFF  }
0xad: {  	s28 =	simm.s32 $_size_execute0_lowered;
	s3 =	sadd.s32 s3, s5;
	[dreg:$0x0] =	wrdreg $0x0  }
0xae: {  	s5 =	sshll.u32 s28, $0x1;
	[dreg:$0x2] =	wrdreg s3  }
0xaf: {  	[dreg:$0x3] =	wrdreg s5  }
0xb0: {  	[dreg:$0x4] =	wrdreg $0xC0  }
0xb1: {  	_ =	task [dreg:s7], $0x5FFFF  }
0xb2: {  	[dreg:$0x1] =	wrdreg $0xFFFFFFFF  }
0xb3: {  	[dreg:$0x0] =	wrdreg $0x60  }
0xb4: {  	[dreg:$0x2] =	wrdreg s16  }
0xb5: {  	[dreg:$0x3] =	wrdreg s24  }
0xb6: {  	[dreg:$0x4] =	wrdreg $0x50800  }
0xb7: {  	[dreg:$0x5] =	wrdreg $0x9  }
0xb8: {  	_ =	task.clear_ibuf [dreg:s7], $0x6FFFF;
	_ =	strace $0x90000046  }
0xb9: {  	s29 =	simm.s32 $0x9;
	_ =	strace $0x80000048  }
0xba: {  	_ =	swait.ge [sflag:s29], $0x1  }
0xbb: {  	[sflag:s29] =	ssyncadd.s32 $0xFFFFFFFF  }
0xbc: {  	_ =	strace $0x90000048  }
0xbd: {  	_ =	sfence  }
0xbe: {  	s30 =	sld [smem:$0x0];
	_ =	sdelay $0x2  }
0xbf: {  	s31 =	sshll.u32 s1, $0xD;
	s1 =	sshrl.u32 s1, $0x2  }
0xc0: {  	s3 =	sand.u32 $0x4000, s31;
	s1 =	sadd.s32 s1, s30  }
0xc1: {  	s0 =	sor.u32 s3, s0;
	s1 =	sshll.u32 s1, $0x11  }
0xc2: {  	s0 =	sor.u32 s1, s0  }
0xc3: {  	s0 =	sadd.s32 $0x8F2B, s0  }
0xc4: {  	[sflag:s0] =	ssyncadd.remote.s32 $0x1  }
0xc5: {  	_ =	sfence.sel $0xFFFF  }
0xc6: {  	[dreg:$0x0] =	wrdreg $0xFFFFFFFF;
	(pc) =	sbr.abs _section_cstart, $3  }
0xc7: {  	[dreg:$0x1] =	wrdreg $0xFFFFFFFF  }
0xc8: {  	_ =	task.clear_ibuf [dreg:s7], $0x2FFFF;
	_ =	strace $0x9FFFFFFF  }
0xc9: {  	(tm) =	ssettm $0x7FFFFFFF  }
tec
execute0_lowered:
.L_overlay_start_1:
0x0: {  	(tag) =	ssettag $0x1  }
0x1: {  	s4 =	rddreg [dreg:$0x0]  }
0x2: {  	s5 =	rddreg [dreg:$0x1];
	s0 =	srdreg.scid  }
0x3: {  	s2 =	rddreg [dreg:$0x2];
	s1 =	stileid.u32;
	s3 =	simm.s32 $0x0  }
0x4: {  	s6 =	sand.u32 $0x1, s0;
	s0 =	rddreg [dreg:$0x3];
	s8 =	smul.u32 $0x2800, s1  }
0x5: {  	s10 =	simm.s32 $0x0;
	[smem:$0x7FF] =	sst s3;
	s7 =	smul.u32 $0x28000, s6  }
0x6: {  	p0 =	seq.s32 s1, $0x0;
	s9 =	smul.u32 $0x500, s6;
	s6 =	ssub.s32 $0x2, s6  }
0x7: {  	_ =	strace $0x80000047;
	s31 =	sshrl.u32 s6, $0x1;
	s7 =	sadd.s32 s8, s7  }
0x8: {  	v0 =	vlaneseq.u32;
	s5 =	sadd.s32 s9, s5;
	s6 =	ssub.s32 s6, s31;
	s8 =	simm.s32 $0x2800  }
0x9: {  	v5 =	vimm.f32 $0.0e+00;
	v6 =	vimm.f32 $1.000000000e+00;
	v1 =	vor.u32 $0x10, v0;
	s9 =	sshrl.u32 @p0 s2, $0x3;
	s7 =	sshrl.u32 s7, $0x3;
	s5 =	sadd.s32 $0xD400, s5  }
0xa: {  	v2 =	vor.u32 $0x20, v0;
	v3 =	vor.u32 $0x30, v0;
	v4 =	vor.u32 $0x40, v0;
	s6 =	smax.u32 s6, $0x1;
	s4 =	sadd.s32 s4, s7;
	s7 =	simm.s32 $0x1  }
.LBB2_1:
0xb: {  	s11 =	simm.s32 $0x0  }
0xc: {  	[tilespmem:$0x5000] =	vst v0;
	s12 =	sand.u32 $0xFFFFFF80, s11  }
0xd: {  	[tilespmem:$0x5010] =	vst v1;
	s12 =	ssub.s32 $0x0, s12  }
0xe: {  	[tilespmem:$0x5020] =	vst v2;
	s11 =	sand.u32 $0x3FFFFF80, s11;
	s12 =	sand.u32 $0xFFFFFF80, s12  }
0xf: {  	[tilespmem:$0x5030] =	vst v3;
	s13 =	sand.u32 $0x70, s3;
	s12 =	sadd.s32 s12, s11  }
0x10: {  	[tilespmem:$0x5040] =	vst v4;
	s11 =	simm.s32 $0x1;
	s13 =	sor.u32 s13, s12;
	s12 =	simm.s32 $0x0  }
.LBB2_2:
0x11: {  	s14 =	sshll.u32 s11, $0x4;
	p1 =	sne.s32 s11, $0x27F;
	s11 =	sadd.s32 $0x1, s11;
	[tilespmem:s13+$0x2800] =	vst v5  }
.Ltmp0:
0x12: {  	s12 =	sadd.s32 $0x10, s12;
	s13 =	sand.u32 $0xFFFFFF80, s14;
	(pc) =	sbr.rel @p1 .LBB2_2-.Ltmp0, $4  }
0x13: {  	s13 =	ssub.s32 s12, s13  }
0x14: {  	s14 =	sand.u32 $0x3FFFFF80, s14;
	s13 =	sand.u32 $0xFFFFFF80, s13  }
0x15: {  	s15 =	sand.u32 $0x70, s12;
	s13 =	sadd.s32 s13, s14  }
0x16: {  	s13 =	sor.u32 s15, s13  }
0x17: {  	[tilespmem:s13+$0x2800] =	vst v5;
	s11 =	simm.s32 $0x0  }
0x18: {  	[tilespmem:s11], [sflag:$0x1] =	stream.linear.gather [hbm4b:s4+s11], $0x2800, $0x38;
	[tilespmem:$0x5300] =	vst v63  }
0x19: {  	_ =	swait.ge [sflag:s7], $0x2800  }
0x1a: {  	[sflag:s7] =	ssyncset.done $0x0  }
0x1b: {  	s12 =	simm.s32 $0x0;
	s11 =	simm.s32 $0x40;
	[sflag:s7] =	ssyncadd.s32 $0xFFFFD800  }
.LBB2_4:
0x1c: {  	p1 =	sne.s32 s11, $0x9FC0;
	v7 =	vld [tilespmem:s12+$0x0];
	_ =	sdelay $0x3  }
.Ltmp1:
0x1d: {  	(pc) =	sbr.rel @p1 .LBB2_4-.Ltmp1, $2  }
0x1e: {  	_ =	sdelay $0x2  }
0x1f: {  	s12 =	sshra.s32 s11, $0x2;
	s11 =	sadd.s32 $0x40, s11;
	[tilespmem:v7+s8+$0x0] =	vst.idx.add.f32.msk $0xffff, v6  }
0x20: {  	v7 =	vld [tilespmem:s12+$0x0];
	_ =	sdelay $0x7  }
0x21: {  	s11 =	simm.s32 @p0 $0x2800;
	[tilespmem:v7+s8+$0x0] =	vst.idx.add.f32.msk $0xffff, v6  }
0x22: {  	[spmem:s2] =	stream.linear.scatter @p0 [tilespmem:s11], [sflag:$0x1], $0x2800, $0x38;
	[tilespmem:$0x5300] =	vst v63  }
0x23: {  	s11 =	simm.s32 @p0 $0x1  }
0x24: {  	_ =	swait.ge @p0 [sflag:s11], $0x2800  }
0x25: {  	[sflag:s11] =	ssyncset.done @p0 $0x0  }
0x26: {  	[sflag:s11] =	ssyncadd.s32 @p0 $0xFFFFD800  }
0x27: {  	[bflag:$0x0] =	sbarrier.arrive @p0 $0xFFFF  }
0x28: {  	s12 =	simm.s32 @p0 $0x1C01;
	[bflag:$0x0] =	sbarrier.arrive @p0 $0xFFFF  }
0x29: {  	[hbm:s5], [sflag:s12] =	dma.local @p0 [spmem:s9], $0x500  }
0x2a: {  	_ =	swait.ge @p0 [sflag:s11], $0x500  }
0x2b: {  	[sflag:s11] =	ssyncset.done @p0 $0x0  }
0x2c: {  	s13 =	simm.s32 @!p0 $0x2800;
	s10 =	sadd.s32 $0x1, s10;
	[sflag:s11] =	ssyncadd.s32 @p0 $0xFFFFFB00  }
0x2d: {  	s12 =	simm.s32 @!p0 $0x5000;
	s11 =	simm.s32 @!p0 $0x50;
	[bflag:$0x0] =	sbarrier.arrive @!p0 $0xFFFF  }
0x2e: {  	[spmem:s2] =	stream.indirect.scatter.add.f32 @!p0 [tilespmem:s13], [sflag:$0x1], $0x80, s12, s11, $0xb8;
	[tilespmem:$0x5300] =	vst v63  }
0x2f: {  	p1 =	sne.s32 s10, s6;
	s11 =	simm.s32 @!p0 $0x1  }
.Ltmp2:
0x30: {  	_ =	swait.ge @!p0 [sflag:s11], $0x2800;
	(pc) =	sbr.rel @p1 .LBB2_1-.Ltmp2, $3  }
0x31: {  	[sflag:s11] =	ssyncset.done @!p0 $0x0  }
0x32: {  	[sflag:s11] =	ssyncadd.s32 @!p0 $0xFFFFD800  }
0x33: {  	[bflag:$0x0] =	sbarrier.arrive @!p0 $0xFFFF;
	_ =	sdelay $0x1  }
0x34: {  	_ =	sfence.sel $0x180000  }
0x35: {  	[bflag:$0x0] =	sbarrier.arrive $0xFFFF  }
0x36: {  	p0 =	sne.s32 s1, $0x0;
	_ =	strace $0x90000047  }
0x37: {  	s0 =	sadd.s32 @!p0 $0x100000, s0;
	[bflag:$0x2] =	sbarrier.arrive $0xFFFF  }
0x38: {  	[sflag:s0] =	ssyncadd.tile.s32 @!p0 $0x1;
	_ =	shalt  }
.Lfunc_end2:
_tile_overlayer_lowered:
.L_overlay_start_2:
0x39: {  	(tag) =	ssettag $0x2  }
0x3a: {  	s0 =	rddreg [dreg:$0x0];
	s2 =	stileid.u32  }
0x3b: {  	s1 =	rddreg [dreg:$0x1];
	p0 =	sne.s32 s2, $0x0  }
0x3c: {  	s3 =	rddreg [dreg:$0x2];
	[bflag:$0x3] =	sbarrier.arrive $0xFFFF;
	s2 =	simm.s32 @!p0 $0x1C01  }
0x3d: {  	[timem:s3], [sflag:s2] =	dma.local @!p0 [hbm:s0], s1  }
0x3e: {  	s0 =	simm.s32 @!p0 $0x1  }
0x3f: {  	_ =	swait.ge @!p0 [sflag:s0], s1  }
0x40: {  	s1 =	ssub.s32 @!p0 $0x0, s1;
	[sflag:s0] =	ssyncset.done @!p0 $0x0  }
0x41: {  	[sflag:s0] =	ssyncadd.s32 @!p0 s1  }
0x42: {  	[bflag:$0x3] =	sbarrier.arrive $0xFFFF  }
0x43: {  	_ =	shalt  }

</sc_bundles>
